<compile_context>
chip_gen: v7x
topology: tpu7x:2x2x1
jax: 0.10.2.dev20260603
libtpu: 0.0.44.dev20260713+nightly
codegen_flags: <defaults>
</compile_context>

<pallas_src>
import functools

import jax
import jax.numpy as jnp
from jax import lax
from jax.experimental import pallas as pl
from jax.experimental.pallas import tpu as pltpu
from jax.experimental.pallas import tpu_sc as plsc

_B = 16384
_P = 21
_E = 64
_N = _B * _P
_NW = 32
_SW = _B // _NW
_TW = _SW // 128
_PW = _N // _NW
_CH = 96
_NCH = _PW // _CH


def _sc_body(x_hbm, emb_u_hbm, emb_v_hbm, out_hbm,
             xv, uidx, vidx, u_rows0, v_rows0, u_rows1, v_rows1, s_buf,
             out_v, sem_u0, sem_v0, sem_u1, sem_v1, sem_i):
    c = lax.axis_index("c")
    s = lax.axis_index("s")
    wid = s * 2 + c
    lanes = jnp.arange(16, dtype=jnp.int32)
    lanes16 = lanes * 16

    pltpu.async_copy(x_hbm.at[:, pl.ds(wid * _TW, _TW)], xv, sem_i).wait()

    @pl.loop(0, _P * _TW * 8, unroll=4)
    def deint(i):
        j = i // (_TW * 8)
        rem = i - j * (_TW * 8)
        tc = rem // 8
        l0 = (rem - tc * 8) * 16
        p0 = j * _SW + tc * 128 + l0
        uidx[pl.ds(p0, 16)] = xv[j, tc, 0, pl.ds(l0, 16)]
        vidx[pl.ds(p0, 16)] = xv[j, tc, 1, pl.ds(l0, 16)]

    bufs = ((u_rows0, v_rows0, sem_u0, sem_v0),
            (u_rows1, v_rows1, sem_u1, sem_v1))

    def start_gather(ci, slot):
        ur, vr, su, sv = bufs[slot]
        pltpu.async_copy(emb_u_hbm.at[uidx.at[pl.ds(ci * _CH, _CH)]], ur, su)
        pltpu.async_copy(emb_v_hbm.at[vidx.at[pl.ds(ci * _CH, _CH)]], vr, sv)

    def wait_gather(ci, slot):
        ur, vr, su, sv = bufs[slot]
        pltpu.make_async_copy(
            emb_u_hbm.at[uidx.at[pl.ds(ci * _CH, _CH)]], ur, su).wait()
        pltpu.make_async_copy(
            emb_v_hbm.at[vidx.at[pl.ds(ci * _CH, _CH)]], vr, sv).wait()

    def compute(ci, slot):
        ur, vr, _, _ = bufs[slot]

        @pl.loop(0, _CH, unroll=8)
        def kstep(k):
            acc = (ur[k, pl.ds(0, 16)] * vr[k, pl.ds(0, 16)]
                   + ur[k, pl.ds(16, 16)] * vr[k, pl.ds(16, 16)]
                   + ur[k, pl.ds(32, 16)] * vr[k, pl.ds(32, 16)]
                   + ur[k, pl.ds(48, 16)] * vr[k, pl.ds(48, 16)])
            s_buf[pl.ds(k * 16, 16)] = acc

        for g in range(_CH // 16):
            acc0 = plsc.load_gather(s_buf, [lanes16 + g * 256])
            acc1 = plsc.load_gather(s_buf, [lanes16 + (g * 256 + 1)])
            for j in range(2, 16, 2):
                acc0 = acc0 + plsc.load_gather(s_buf, [lanes16 + (g * 256 + j)])
                acc1 = acc1 + plsc.load_gather(
                    s_buf, [lanes16 + (g * 256 + j + 1)])
            acc = acc0 + acc1
            q0 = ci * _CH + g * 16
            pj = q0 // _SW
            sl = q0 - pj * _SW
            out_v[pj, pl.ds(sl, 16)] = acc

    start_gather(0, 0)

    @pl.loop(0, _NCH // 2)
    def group(g):
        a = 2 * g
        b = a + 1
        wait_gather(a, 0)
        start_gather(b, 1)
        compute(a, 0)
        wait_gather(b, 1)
        start_gather(jnp.minimum(a + 2, _NCH - 1), 0)
        compute(b, 1)

    wait_gather(_NCH - 1, 0)
    pltpu.sync_copy(out_v, out_hbm.at[:, pl.ds(wid * _SW, _SW)])


@jax.jit
def _sc_dot(xview, emb_u, emb_v):
    mesh = plsc.VectorSubcoreMesh(core_axis_name="c", subcore_axis_name="s")
    f = functools.partial(
        pl.kernel,
        out_type=jax.ShapeDtypeStruct((_P, _B), jnp.float32),
        mesh=mesh,
        compiler_params=pltpu.CompilerParams(
            needs_layout_passes=False, use_tc_tiling_on_sc=False),
        scratch_types=[
            pltpu.VMEM((_P, _TW, 2, 128), jnp.int32),
            pltpu.VMEM((_PW,), jnp.int32),
            pltpu.VMEM((_PW,), jnp.int32),
            pltpu.VMEM((_CH, _E), jnp.float32),
            pltpu.VMEM((_CH, _E), jnp.float32),
            pltpu.VMEM((_CH, _E), jnp.float32),
            pltpu.VMEM((_CH, _E), jnp.float32),
            pltpu.VMEM((_CH * 16,), jnp.float32),
            pltpu.VMEM((_P, _SW), jnp.float32),
            pltpu.SemaphoreType.DMA,
            pltpu.SemaphoreType.DMA,
            pltpu.SemaphoreType.DMA,
            pltpu.SemaphoreType.DMA,
            pltpu.SemaphoreType.DMA,
        ],
    )(_sc_body)
    return f(xview, emb_u, emb_v)


def kernel(x, emb_u, emb_v):
    xview = jnp.transpose(
        jnp.transpose(x, (1, 2, 0)).reshape(_P, 2, 128, 128), (0, 2, 1, 3))
    out_t = _sc_dot(xview, emb_u, emb_v)
    return out_t.T

# --- scband reference (transcript-rebuilt; emitter-appended) ---
"""Pipeline reference for scband-skip-gram-56057913147826 (READ-ONLY COPY).

The authoritative reference and input builder live on the scoring server;
editing this copy changes nothing except your own understanding.
"""

import jax, jax.numpy as jnp
import numpy as np

VOCAB = 1000000
EMB = 64
B = 16384
NEG = 20


def setup_inputs(seed: int = 0) -> dict:
    key = jax.random.key(seed)
    k1, k2, k3 = jax.random.split(key, 3)
    x = jax.random.randint(k1, (B, 1 + NEG, 2), 0, VOCAB, dtype=jnp.int64 if jax.config.jax_enable_x64 else jnp.int32).astype(jnp.int32)
    emb_u = jax.random.normal(k2, (VOCAB, EMB), dtype=jnp.float32) * 0.02
    emb_v = jax.random.normal(k3, (VOCAB, EMB), dtype=jnp.float32) * 0.02
    return {"x": x, "emb_u": emb_u, "emb_v": emb_v}


def reference(x, emb_u, emb_v):
    # x: int[B, 1+NEG, 2]
    # positive pair: x[:, 0, :].T -> (x_pos_1, x_pos_2), each [B]
    pos = x[:, 0, :].T
    x_pos_1, x_pos_2 = pos[0], pos[1]
    # negative pairs: x[:, 1:, :].T (3D reverse-permute) -> [2, NEG, B]
    neg = jnp.transpose(x[:, 1:, :], (2, 1, 0))
    x_neg_1, x_neg_2 = neg[0], neg[1]
    # positive scores
    u = jnp.take(emb_u, x_pos_1, axis=0)          # [B, EMB]
    v = jnp.take(emb_v, x_pos_2, axis=0)          # [B, EMB]
    x_pos_score = (u * v).sum(axis=1).reshape(1, -1)  # [1, B]
    # negative scores
    u = jnp.take(emb_u, x_neg_1, axis=0)          # [NEG, B, EMB]
    v = jnp.take(emb_v, x_neg_2, axis=0)          # [NEG, B, EMB]
    x_neg_score = (u * v).sum(axis=2)             # [NEG, B]
    out = jnp.concatenate([x_pos_score, x_neg_score], axis=0).T  # [B, 1+NEG]
    return out

if __name__ == "__main__":
    import jax
    _d = setup_inputs()
    print(jax.jit(kernel)(*tuple(_d.values())))

</pallas_src>

<mosaic_0001>
#map = affine_map<(d0, d1) -> (0, 0, 0, 0)>
#map1 = affine_map<(d0, d1) -> (0, 0)>
module attributes {stable_mosaic.version = 14 : i64} {
  func.func @_sc_body(%arg0: i32, %arg1: i32, %arg2: memref<21x128x2x128xi32, #tpu.memory_space<hbm>>, %arg3: memref<1000000x64xf32, #tpu.memory_space<hbm>>, %arg4: memref<1000000x64xf32, #tpu.memory_space<hbm>>, %arg5: memref<21x16384xf32, #tpu.memory_space<hbm>>, %arg6: memref<21x4x2x128xi32, #tpu.memory_space<vmem>>, %arg7: memref<10752xi32, #tpu.memory_space<vmem>>, %arg8: memref<10752xi32, #tpu.memory_space<vmem>>, %arg9: memref<96x64xf32, #tpu.memory_space<vmem>>, %arg10: memref<96x64xf32, #tpu.memory_space<vmem>>, %arg11: memref<96x64xf32, #tpu.memory_space<vmem>>, %arg12: memref<96x64xf32, #tpu.memory_space<vmem>>, %arg13: memref<1536xf32, #tpu.memory_space<vmem>>, %arg14: memref<21x512xf32, #tpu.memory_space<vmem>>, %arg15: memref<!tpu.dma_semaphore, #tpu.memory_space<semaphore_mem>>, %arg16: memref<!tpu.dma_semaphore, #tpu.memory_space<semaphore_mem>>, %arg17: memref<!tpu.dma_semaphore, #tpu.memory_space<semaphore_mem>>, %arg18: memref<!tpu.dma_semaphore, #tpu.memory_space<semaphore_mem>>, %arg19: memref<!tpu.dma_semaphore, #tpu.memory_space<semaphore_mem>>) attributes {dimension_semantics = [#tpu.dimension_semantics<core_parallel>, #tpu.dimension_semantics<subcore_parallel>], iteration_bounds = array<i64: 2, 16>, scalar_prefetch = 0 : i64, scratch_operands = 14 : i64, tpu.core_type = #tpu.core_type<sc_vector_subcore>, window_params = [{transform_indices = #map}, {transform_indices = #map1}, {transform_indices = #map1}, {transform_indices = #map1}]} {
    %mul3A = arith.constant 2 : i32
    %mul3A_0 = arith.muli %arg1, %mul3A : i32
    %add3A = arith.addi %mul3A_0, %arg0 : i32
    %iota3A = tpu.iota {dimensions = array<i32: 0>} : vector<16xi32>
    %mul3A_1 = arith.constant 16 : i32
    %mul3A_2 = vector.broadcast %mul3A_1 : i32 to vector<16xi32>
    %mul3A_3 = arith.muli %iota3A, %mul3A_2 : vector<16xi32>
    %mul3A_4 = arith.constant 4 : i32
    %mul3A_5 = arith.muli %add3A, %mul3A_4 : i32
    %dma_start3A = arith.constant 0 : i32
    %dma_start3A_6 = arith.constant 0 : i32
    %dma_start3A_7 = arith.constant 0 : i32
    %dma_start3A_8 = tpu.memref_slice %arg2[%dma_start3A, %mul3A_5, %dma_start3A_6, %dma_start3A_7] : memref<21x128x2x128xi32, #tpu.memory_space<hbm>> -> memref<21x4x2x128xi32, #tpu.memory_space<hbm>>
    %dma_start3A_9 = arith.constant 0 : i32
    %dma_start3A_10 = arith.constant 0 : i32
    %dma_start3A_11 = arith.constant 0 : i32
    %dma_start3A_12 = tpu.memref_slice %arg2[%dma_start3A_9, %mul3A_5, %dma_start3A_10, %dma_start3A_11] : memref<21x128x2x128xi32, #tpu.memory_space<hbm>> -> memref<21x4x2x128xi32, #tpu.memory_space<hbm>>
    tpu.enqueue_dma source(%dma_start3A_12 : memref<21x4x2x128xi32, #tpu.memory_space<hbm>>) target(%arg6 : memref<21x4x2x128xi32, #tpu.memory_space<vmem>>) target_semaphore(%arg19 : memref<!tpu.dma_semaphore, #tpu.memory_space<semaphore_mem>>)
    %dma_wait3A = arith.constant 0 : i32
    %dma_wait3A_13 = arith.constant 0 : i32
    %dma_wait3A_14 = arith.constant 0 : i32
    %dma_wait3A_15 = tpu.memref_slice %arg2[%dma_wait3A, %mul3A_5, %dma_wait3A_13, %dma_wait3A_14] : memref<21x128x2x128xi32, #tpu.memory_space<hbm>> -> memref<21x4x2x128xi32, #tpu.memory_space<hbm>>
    %dma_wait3A_16 = arith.constant 0 : i32
    %dma_wait3A_17 = arith.constant 0 : i32
    %dma_wait3A_18 = arith.constant 0 : i32
    %dma_wait3A_19 = tpu.memref_slice %arg2[%dma_wait3A_16, %mul3A_5, %dma_wait3A_17, %dma_wait3A_18] : memref<21x128x2x128xi32, #tpu.memory_space<hbm>> -> memref<21x4x2x128xi32, #tpu.memory_space<hbm>>
    tpu.wait_dma2 semaphore(%arg19 : memref<!tpu.dma_semaphore, #tpu.memory_space<semaphore_mem>>) src(%dma_wait3A_19 : memref<21x4x2x128xi32, #tpu.memory_space<hbm>>) dst(%arg6 : memref<21x4x2x128xi32, #tpu.memory_space<vmem>>)
    %scan3A = arith.constant 0 : i32
    %scan3A_20 = arith.constant 672 : i32
    %scan3A_21 = arith.addi %scan3A, %scan3A_20 : i32
    %scan3A_22 = arith.constant 4 : i32
    scf.for %scan3A_51 = %scan3A to %scan3A_21 step %scan3A_22  : i32 {
      %mul3A_52 = arith.constant 1 : i32
      %mul3A_53 = arith.muli %scan3A_51, %mul3A_52 : i32
      %add3A_54 = arith.constant 0 : i32
      %add3A_55 = arith.addi %add3A_54, %mul3A_53 : i32
      %jit3A = arith.constant 32 : i32
      %div3A = arith.divsi %add3A_55, %jit3A : i32
      %sign3A = arith.constant 0 : i32
      %sign3A_56 = arith.cmpi sgt, %add3A_55, %sign3A : i32
      %sign3A_57 = arith.extui %sign3A_56 : i1 to i32
      %sign3A_58 = arith.constant 0 : i32
      %sign3A_59 = arith.cmpi slt, %add3A_55, %sign3A_58 : i32
      %sign3A_60 = arith.extui %sign3A_59 : i1 to i32
      %sign3A_61 = arith.subi %sign3A_57, %sign3A_60 : i32
      %sign3A_62 = arith.constant 0 : i32
      %sign3A_63 = arith.cmpi sgt, %jit3A, %sign3A_62 : i32
      %sign3A_64 = arith.extui %sign3A_63 : i1 to i32
      %sign3A_65 = arith.constant 0 : i32
      %sign3A_66 = arith.cmpi slt, %jit3A, %sign3A_65 : i32
      %sign3A_67 = arith.extui %sign3A_66 : i1 to i32
      %sign3A_68 = arith.subi %sign3A_64, %sign3A_67 : i32
      %ne3A = arith.cmpi ne, %sign3A_61, %sign3A_68 : i32
      %rem3A = arith.remsi %add3A_55, %jit3A : i32
      %ne3A_69 = arith.constant 0 : i32
      %ne3A_70 = arith.cmpi ne, %rem3A, %ne3A_69 : i32
      %and3A = arith.andi %ne3A, %ne3A_70 : i1
      %sub3A = arith.constant 1 : i32
      %sub3A_71 = arith.subi %div3A, %sub3A : i32
      %select_n3A = arith.select %and3A, %sub3A_71, %div3A : i32
      %mul3A_72 = arith.constant 32 : i32
      %mul3A_73 = arith.muli %select_n3A, %mul3A_72 : i32
      %sub3A_74 = arith.subi %add3A_55, %mul3A_73 : i32
      %jit3A_75 = arith.constant 8 : i32
      %div3A_76 = arith.divsi %sub3A_74, %jit3A_75 : i32
      %sign3A_77 = arith.constant 0 : i32
      %sign3A_78 = arith.cmpi sgt, %sub3A_74, %sign3A_77 : i32
      %sign3A_79 = arith.extui %sign3A_78 : i1 to i32
      %sign3A_80 = arith.constant 0 : i32
      %sign3A_81 = arith.cmpi slt, %sub3A_74, %sign3A_80 : i32
      %sign3A_82 = arith.extui %sign3A_81 : i1 to i32
      %sign3A_83 = arith.subi %sign3A_79, %sign3A_82 : i32
      %sign3A_84 = arith.constant 0 : i32
      %sign3A_85 = arith.cmpi sgt, %jit3A_75, %sign3A_84 : i32
      %sign3A_86 = arith.extui %sign3A_85 : i1 to i32
      %sign3A_87 = arith.constant 0 : i32
      %sign3A_88 = arith.cmpi slt, %jit3A_75, %sign3A_87 : i32
      %sign3A_89 = arith.extui %sign3A_88 : i1 to i32
      %sign3A_90 = arith.subi %sign3A_86, %sign3A_89 : i32
      %ne3A_91 = arith.cmpi ne, %sign3A_83, %sign3A_90 : i32
      %rem3A_92 = arith.remsi %sub3A_74, %jit3A_75 : i32
      %ne3A_93 = arith.constant 0 : i32
      %ne3A_94 = arith.cmpi ne, %rem3A_92, %ne3A_93 : i32
      %and3A_95 = arith.andi %ne3A_91, %ne3A_94 : i1
      %sub3A_96 = arith.constant 1 : i32
      %sub3A_97 = arith.subi %div3A_76, %sub3A_96 : i32
      %select_n3A_98 = arith.select %and3A_95, %sub3A_97, %div3A_76 : i32
      %mul3A_99 = arith.constant 8 : i32
      %mul3A_100 = arith.muli %select_n3A_98, %mul3A_99 : i32
      %sub3A_101 = arith.subi %sub3A_74, %mul3A_100 : i32
      %mul3A_102 = arith.constant 16 : i32
      %mul3A_103 = arith.muli %sub3A_101, %mul3A_102 : i32
      %mul3A_104 = arith.constant 512 : i32
      %mul3A_105 = arith.muli %select_n3A, %mul3A_104 : i32
      %mul3A_106 = arith.constant 128 : i32
      %mul3A_107 = arith.muli %select_n3A_98, %mul3A_106 : i32
      %add3A_108 = arith.addi %mul3A_105, %mul3A_107 : i32
      %add3A_109 = arith.addi %add3A_108, %mul3A_103 : i32
      %get3A = arith.constant 0 : i32
      %get3A_110 = arith.index_cast %select_n3A : i32 to index
      %get3A_111 = arith.index_cast %select_n3A_98 : i32 to index
      %get3A_112 = arith.index_cast %get3A : i32 to index
      %get3A_113 = arith.index_cast %mul3A_103 : i32 to index
      %get3A_114 = tpu.vector_load %arg6[%get3A_110, %get3A_111, %get3A_112, %get3A_113] {strides = array<i32>} : memref<21x4x2x128xi32, #tpu.memory_space<vmem>>, vector<16xi32>,
      %swap3A = arith.index_cast %add3A_109 : i32 to index
      %swap3A_115 = tpu.vector_load %arg7[%swap3A] {strides = array<i32>} : memref<10752xi32, #tpu.memory_space<vmem>>, vector<16xi32>,
      tpu.vector_store %arg7[%swap3A], %get3A_114 {strides = array<i32>} : memref<10752xi32, #tpu.memory_space<vmem>>, vector<16xi32>,
      %get3A_116 = arith.constant 1 : i32
      %get3A_117 = arith.index_cast %select_n3A : i32 to index
      %get3A_118 = arith.index_cast %select_n3A_98 : i32 to index
      %get3A_119 = arith.index_cast %get3A_116 : i32 to index
      %get3A_120 = arith.index_cast %mul3A_103 : i32 to index
      %get3A_121 = tpu.vector_load %arg6[%get3A_117, %get3A_118, %get3A_119, %get3A_120] {strides = array<i32>} : memref<21x4x2x128xi32, #tpu.memory_space<vmem>>, vector<16xi32>,
      %swap3A_122 = arith.index_cast %add3A_109 : i32 to index
      %swap3A_123 = tpu.vector_load %arg8[%swap3A_122] {strides = array<i32>} : memref<10752xi32, #tpu.memory_space<vmem>>, vector<16xi32>,
      tpu.vector_store %arg8[%swap3A_122], %get3A_121 {strides = array<i32>} : memref<10752xi32, #tpu.memory_space<vmem>>, vector<16xi32>,
      %scan3A_124 = arith.constant 1 : i32
      %scan3A_125 = arith.addi %scan3A_51, %scan3A_124 : i32
      %mul3A_126 = arith.constant 1 : i32
      %mul3A_127 = arith.muli %scan3A_125, %mul3A_126 : i32
      %add3A_128 = arith.constant 0 : i32
      %add3A_129 = arith.addi %add3A_128, %mul3A_127 : i32
      %jit3A_130 = arith.constant 32 : i32
      %div3A_131 = arith.divsi %add3A_129, %jit3A_130 : i32
      %sign3A_132 = arith.constant 0 : i32
      %sign3A_133 = arith.cmpi sgt, %add3A_129, %sign3A_132 : i32
      %sign3A_134 = arith.extui %sign3A_133 : i1 to i32
      %sign3A_135 = arith.constant 0 : i32
      %sign3A_136 = arith.cmpi slt, %add3A_129, %sign3A_135 : i32
      %sign3A_137 = arith.extui %sign3A_136 : i1 to i32
      %sign3A_138 = arith.subi %sign3A_134, %sign3A_137 : i32
      %sign3A_139 = arith.constant 0 : i32
      %sign3A_140 = arith.cmpi sgt, %jit3A_130, %sign3A_139 : i32
      %sign3A_141 = arith.extui %sign3A_140 : i1 to i32
      %sign3A_142 = arith.constant 0 : i32
      %sign3A_143 = arith.cmpi slt, %jit3A_130, %sign3A_142 : i32
      %sign3A_144 = arith.extui %sign3A_143 : i1 to i32
      %sign3A_145 = arith.subi %sign3A_141, %sign3A_144 : i32
      %ne3A_146 = arith.cmpi ne, %sign3A_138, %sign3A_145 : i32
      %rem3A_147 = arith.remsi %add3A_129, %jit3A_130 : i32
      %ne3A_148 = arith.constant 0 : i32
      %ne3A_149 = arith.cmpi ne, %rem3A_147, %ne3A_148 : i32
      %and3A_150 = arith.andi %ne3A_146, %ne3A_149 : i1
      %sub3A_151 = arith.constant 1 : i32
      %sub3A_152 = arith.subi %div3A_131, %sub3A_151 : i32
      %select_n3A_153 = arith.select %and3A_150, %sub3A_152, %div3A_131 : i32
      %mul3A_154 = arith.constant 32 : i32
      %mul3A_155 = arith.muli %select_n3A_153, %mul3A_154 : i32
      %sub3A_156 = arith.subi %add3A_129, %mul3A_155 : i32
      %jit3A_157 = arith.constant 8 : i32
      %div3A_158 = arith.divsi %sub3A_156, %jit3A_157 : i32
      %sign3A_159 = arith.constant 0 : i32
      %sign3A_160 = arith.cmpi sgt, %sub3A_156, %sign3A_159 : i32
      %sign3A_161 = arith.extui %sign3A_160 : i1 to i32
      %sign3A_162 = arith.constant 0 : i32
      %sign3A_163 = arith.cmpi slt, %sub3A_156, %sign3A_162 : i32
      %sign3A_164 = arith.extui %sign3A_163 : i1 to i32
      %sign3A_165 = arith.subi %sign3A_161, %sign3A_164 : i32
      %sign3A_166 = arith.constant 0 : i32
      %sign3A_167 = arith.cmpi sgt, %jit3A_157, %sign3A_166 : i32
      %sign3A_168 = arith.extui %sign3A_167 : i1 to i32
      %sign3A_169 = arith.constant 0 : i32
      %sign3A_170 = arith.cmpi slt, %jit3A_157, %sign3A_169 : i32
      %sign3A_171 = arith.extui %sign3A_170 : i1 to i32
      %sign3A_172 = arith.subi %sign3A_168, %sign3A_171 : i32
      %ne3A_173 = arith.cmpi ne, %sign3A_165, %sign3A_172 : i32
      %rem3A_174 = arith.remsi %sub3A_156, %jit3A_157 : i32
      %ne3A_175 = arith.constant 0 : i32
      %ne3A_176 = arith.cmpi ne, %rem3A_174, %ne3A_175 : i32
      %and3A_177 = arith.andi %ne3A_173, %ne3A_176 : i1
      %sub3A_178 = arith.constant 1 : i32
      %sub3A_179 = arith.subi %div3A_158, %sub3A_178 : i32
      %select_n3A_180 = arith.select %and3A_177, %sub3A_179, %div3A_158 : i32
      %mul3A_181 = arith.constant 8 : i32
      %mul3A_182 = arith.muli %select_n3A_180, %mul3A_181 : i32
      %sub3A_183 = arith.subi %sub3A_156, %mul3A_182 : i32
      %mul3A_184 = arith.constant 16 : i32
      %mul3A_185 = arith.muli %sub3A_183, %mul3A_184 : i32
      %mul3A_186 = arith.constant 512 : i32
      %mul3A_187 = arith.muli %select_n3A_153, %mul3A_186 : i32
      %mul3A_188 = arith.constant 128 : i32
      %mul3A_189 = arith.muli %select_n3A_180, %mul3A_188 : i32
      %add3A_190 = arith.addi %mul3A_187, %mul3A_189 : i32
      %add3A_191 = arith.addi %add3A_190, %mul3A_185 : i32
      %get3A_192 = arith.constant 0 : i32
      %get3A_193 = arith.index_cast %select_n3A_153 : i32 to index
      %get3A_194 = arith.index_cast %select_n3A_180 : i32 to index
      %get3A_195 = arith.index_cast %get3A_192 : i32 to index
      %get3A_196 = arith.index_cast %mul3A_185 : i32 to index
      %get3A_197 = tpu.vector_load %arg6[%get3A_193, %get3A_194, %get3A_195, %get3A_196] {strides = array<i32>} : memref<21x4x2x128xi32, #tpu.memory_space<vmem>>, vector<16xi32>,
      %swap3A_198 = arith.index_cast %add3A_191 : i32 to index
      %swap3A_199 = tpu.vector_load %arg7[%swap3A_198] {strides = array<i32>} : memref<10752xi32, #tpu.memory_space<vmem>>, vector<16xi32>,
      tpu.vector_store %arg7[%swap3A_198], %get3A_197 {strides = array<i32>} : memref<10752xi32, #tpu.memory_space<vmem>>, vector<16xi32>,
      %get3A_200 = arith.constant 1 : i32
      %get3A_201 = arith.index_cast %select_n3A_153 : i32 to index
      %get3A_202 = arith.index_cast %select_n3A_180 : i32 to index
      %get3A_203 = arith.index_cast %get3A_200 : i32 to index
      %get3A_204 = arith.index_cast %mul3A_185 : i32 to index
      %get3A_205 = tpu.vector_load %arg6[%get3A_201, %get3A_202, %get3A_203, %get3A_204] {strides = array<i32>} : memref<21x4x2x128xi32, #tpu.memory_space<vmem>>, vector<16xi32>,
      %swap3A_206 = arith.index_cast %add3A_191 : i32 to index
      %swap3A_207 = tpu.vector_load %arg8[%swap3A_206] {strides = array<i32>} : memref<10752xi32, #tpu.memory_space<vmem>>, vector<16xi32>,
      tpu.vector_store %arg8[%swap3A_206], %get3A_205 {strides = array<i32>} : memref<10752xi32, #tpu.memory_space<vmem>>, vector<16xi32>,
      %scan3A_208 = arith.constant 2 : i32
      %scan3A_209 = arith.addi %scan3A_51, %scan3A_208 : i32
      %mul3A_210 = arith.constant 1 : i32
      %mul3A_211 = arith.muli %scan3A_209, %mul3A_210 : i32
      %add3A_212 = arith.constant 0 : i32
      %add3A_213 = arith.addi %add3A_212, %mul3A_211 : i32
      %jit3A_214 = arith.constant 32 : i32
      %div3A_215 = arith.divsi %add3A_213, %jit3A_214 : i32
      %sign3A_216 = arith.constant 0 : i32
      %sign3A_217 = arith.cmpi sgt, %add3A_213, %sign3A_216 : i32
      %sign3A_218 = arith.extui %sign3A_217 : i1 to i32
      %sign3A_219 = arith.constant 0 : i32
      %sign3A_220 = arith.cmpi slt, %add3A_213, %sign3A_219 : i32
      %sign3A_221 = arith.extui %sign3A_220 : i1 to i32
      %sign3A_222 = arith.subi %sign3A_218, %sign3A_221 : i32
      %sign3A_223 = arith.constant 0 : i32
      %sign3A_224 = arith.cmpi sgt, %jit3A_214, %sign3A_223 : i32
      %sign3A_225 = arith.extui %sign3A_224 : i1 to i32
      %sign3A_226 = arith.constant 0 : i32
      %sign3A_227 = arith.cmpi slt, %jit3A_214, %sign3A_226 : i32
      %sign3A_228 = arith.extui %sign3A_227 : i1 to i32
      %sign3A_229 = arith.subi %sign3A_225, %sign3A_228 : i32
      %ne3A_230 = arith.cmpi ne, %sign3A_222, %sign3A_229 : i32
      %rem3A_231 = arith.remsi %add3A_213, %jit3A_214 : i32
      %ne3A_232 = arith.constant 0 : i32
      %ne3A_233 = arith.cmpi ne, %rem3A_231, %ne3A_232 : i32
      %and3A_234 = arith.andi %ne3A_230, %ne3A_233 : i1
      %sub3A_235 = arith.constant 1 : i32
      %sub3A_236 = arith.subi %div3A_215, %sub3A_235 : i32
      %select_n3A_237 = arith.select %and3A_234, %sub3A_236, %div3A_215 : i32
      %mul3A_238 = arith.constant 32 : i32
      %mul3A_239 = arith.muli %select_n3A_237, %mul3A_238 : i32
      %sub3A_240 = arith.subi %add3A_213, %mul3A_239 : i32
      %jit3A_241 = arith.constant 8 : i32
      %div3A_242 = arith.divsi %sub3A_240, %jit3A_241 : i32
      %sign3A_243 = arith.constant 0 : i32
      %sign3A_244 = arith.cmpi sgt, %sub3A_240, %sign3A_243 : i32
      %sign3A_245 = arith.extui %sign3A_244 : i1 to i32
      %sign3A_246 = arith.constant 0 : i32
      %sign3A_247 = arith.cmpi slt, %sub3A_240, %sign3A_246 : i32
      %sign3A_248 = arith.extui %sign3A_247 : i1 to i32
      %sign3A_249 = arith.subi %sign3A_245, %sign3A_248 : i32
      %sign3A_250 = arith.constant 0 : i32
      %sign3A_251 = arith.cmpi sgt, %jit3A_241, %sign3A_250 : i32
      %sign3A_252 = arith.extui %sign3A_251 : i1 to i32
      %sign3A_253 = arith.constant 0 : i32
      %sign3A_254 = arith.cmpi slt, %jit3A_241, %sign3A_253 : i32
      %sign3A_255 = arith.extui %sign3A_254 : i1 to i32
      %sign3A_256 = arith.subi %sign3A_252, %sign3A_255 : i32
      %ne3A_257 = arith.cmpi ne, %sign3A_249, %sign3A_256 : i32
      %rem3A_258 = arith.remsi %sub3A_240, %jit3A_241 : i32
      %ne3A_259 = arith.constant 0 : i32
      %ne3A_260 = arith.cmpi ne, %rem3A_258, %ne3A_259 : i32
      %and3A_261 = arith.andi %ne3A_257, %ne3A_260 : i1
      %sub3A_262 = arith.constant 1 : i32
      %sub3A_263 = arith.subi %div3A_242, %sub3A_262 : i32
      %select_n3A_264 = arith.select %and3A_261, %sub3A_263, %div3A_242 : i32
      %mul3A_265 = arith.constant 8 : i32
      %mul3A_266 = arith.muli %select_n3A_264, %mul3A_265 : i32
      %sub3A_267 = arith.subi %sub3A_240, %mul3A_266 : i32
      %mul3A_268 = arith.constant 16 : i32
      %mul3A_269 = arith.muli %sub3A_267, %mul3A_268 : i32
      %mul3A_270 = arith.constant 512 : i32
      %mul3A_271 = arith.muli %select_n3A_237, %mul3A_270 : i32
      %mul3A_272 = arith.constant 128 : i32
      %mul3A_273 = arith.muli %select_n3A_264, %mul3A_272 : i32
      %add3A_274 = arith.addi %mul3A_271, %mul3A_273 : i32
      %add3A_275 = arith.addi %add3A_274, %mul3A_269 : i32
      %get3A_276 = arith.constant 0 : i32
      %get3A_277 = arith.index_cast %select_n3A_237 : i32 to index
      %get3A_278 = arith.index_cast %select_n3A_264 : i32 to index
      %get3A_279 = arith.index_cast %get3A_276 : i32 to index
      %get3A_280 = arith.index_cast %mul3A_269 : i32 to index
      %get3A_281 = tpu.vector_load %arg6[%get3A_277, %get3A_278, %get3A_279, %get3A_280] {strides = array<i32>} : memref<21x4x2x128xi32, #tpu.memory_space<vmem>>, vector<16xi32>,
      %swap3A_282 = arith.index_cast %add3A_275 : i32 to index
      %swap3A_283 = tpu.vector_load %arg7[%swap3A_282] {strides = array<i32>} : memref<10752xi32, #tpu.memory_space<vmem>>, vector<16xi32>,
      tpu.vector_store %arg7[%swap3A_282], %get3A_281 {strides = array<i32>} : memref<10752xi32, #tpu.memory_space<vmem>>, vector<16xi32>,
      %get3A_284 = arith.constant 1 : i32
      %get3A_285 = arith.index_cast %select_n3A_237 : i32 to index
      %get3A_286 = arith.index_cast %select_n3A_264 : i32 to index
      %get3A_287 = arith.index_cast %get3A_284 : i32 to index
      %get3A_288 = arith.index_cast %mul3A_269 : i32 to index
      %get3A_289 = tpu.vector_load %arg6[%get3A_285, %get3A_286, %get3A_287, %get3A_288] {strides = array<i32>} : memref<21x4x2x128xi32, #tpu.memory_space<vmem>>, vector<16xi32>,
      %swap3A_290 = arith.index_cast %add3A_275 : i32 to index
      %swap3A_291 = tpu.vector_load %arg8[%swap3A_290] {strides = array<i32>} : memref<10752xi32, #tpu.memory_space<vmem>>, vector<16xi32>,
      tpu.vector_store %arg8[%swap3A_290], %get3A_289 {strides = array<i32>} : memref<10752xi32, #tpu.memory_space<vmem>>, vector<16xi32>,
      %scan3A_292 = arith.constant 3 : i32
      %scan3A_293 = arith.addi %scan3A_51, %scan3A_292 : i32
      %mul3A_294 = arith.constant 1 : i32
      %mul3A_295 = arith.muli %scan3A_293, %mul3A_294 : i32
      %add3A_296 = arith.constant 0 : i32
      %add3A_297 = arith.addi %add3A_296, %mul3A_295 : i32
      %jit3A_298 = arith.constant 32 : i32
      %div3A_299 = arith.divsi %add3A_297, %jit3A_298 : i32
      %sign3A_300 = arith.constant 0 : i32
      %sign3A_301 = arith.cmpi sgt, %add3A_297, %sign3A_300 : i32
      %sign3A_302 = arith.extui %sign3A_301 : i1 to i32
      %sign3A_303 = arith.constant 0 : i32
      %sign3A_304 = arith.cmpi slt, %add3A_297, %sign3A_303 : i32
      %sign3A_305 = arith.extui %sign3A_304 : i1 to i32
      %sign3A_306 = arith.subi %sign3A_302, %sign3A_305 : i32
      %sign3A_307 = arith.constant 0 : i32
      %sign3A_308 = arith.cmpi sgt, %jit3A_298, %sign3A_307 : i32
      %sign3A_309 = arith.extui %sign3A_308 : i1 to i32
      %sign3A_310 = arith.constant 0 : i32
      %sign3A_311 = arith.cmpi slt, %jit3A_298, %sign3A_310 : i32
      %sign3A_312 = arith.extui %sign3A_311 : i1 to i32
      %sign3A_313 = arith.subi %sign3A_309, %sign3A_312 : i32
      %ne3A_314 = arith.cmpi ne, %sign3A_306, %sign3A_313 : i32
      %rem3A_315 = arith.remsi %add3A_297, %jit3A_298 : i32
      %ne3A_316 = arith.constant 0 : i32
      %ne3A_317 = arith.cmpi ne, %rem3A_315, %ne3A_316 : i32
      %and3A_318 = arith.andi %ne3A_314, %ne3A_317 : i1
      %sub3A_319 = arith.constant 1 : i32
      %sub3A_320 = arith.subi %div3A_299, %sub3A_319 : i32
      %select_n3A_321 = arith.select %and3A_318, %sub3A_320, %div3A_299 : i32
      %mul3A_322 = arith.constant 32 : i32
      %mul3A_323 = arith.muli %select_n3A_321, %mul3A_322 : i32
      %sub3A_324 = arith.subi %add3A_297, %mul3A_323 : i32
      %jit3A_325 = arith.constant 8 : i32
      %div3A_326 = arith.divsi %sub3A_324, %jit3A_325 : i32
      %sign3A_327 = arith.constant 0 : i32
      %sign3A_328 = arith.cmpi sgt, %sub3A_324, %sign3A_327 : i32
      %sign3A_329 = arith.extui %sign3A_328 : i1 to i32
      %sign3A_330 = arith.constant 0 : i32
      %sign3A_331 = arith.cmpi slt, %sub3A_324, %sign3A_330 : i32
      %sign3A_332 = arith.extui %sign3A_331 : i1 to i32
      %sign3A_333 = arith.subi %sign3A_329, %sign3A_332 : i32
      %sign3A_334 = arith.constant 0 : i32
      %sign3A_335 = arith.cmpi sgt, %jit3A_325, %sign3A_334 : i32
      %sign3A_336 = arith.extui %sign3A_335 : i1 to i32
      %sign3A_337 = arith.constant 0 : i32
      %sign3A_338 = arith.cmpi slt, %jit3A_325, %sign3A_337 : i32
      %sign3A_339 = arith.extui %sign3A_338 : i1 to i32
      %sign3A_340 = arith.subi %sign3A_336, %sign3A_339 : i32
      %ne3A_341 = arith.cmpi ne, %sign3A_333, %sign3A_340 : i32
      %rem3A_342 = arith.remsi %sub3A_324, %jit3A_325 : i32
      %ne3A_343 = arith.constant 0 : i32
      %ne3A_344 = arith.cmpi ne, %rem3A_342, %ne3A_343 : i32
      %and3A_345 = arith.andi %ne3A_341, %ne3A_344 : i1
      %sub3A_346 = arith.constant 1 : i32
      %sub3A_347 = arith.subi %div3A_326, %sub3A_346 : i32
      %select_n3A_348 = arith.select %and3A_345, %sub3A_347, %div3A_326 : i32
      %mul3A_349 = arith.constant 8 : i32
      %mul3A_350 = arith.muli %select_n3A_348, %mul3A_349 : i32
      %sub3A_351 = arith.subi %sub3A_324, %mul3A_350 : i32
      %mul3A_352 = arith.constant 16 : i32
      %mul3A_353 = arith.muli %sub3A_351, %mul3A_352 : i32
      %mul3A_354 = arith.constant 512 : i32
      %mul3A_355 = arith.muli %select_n3A_321, %mul3A_354 : i32
      %mul3A_356 = arith.constant 128 : i32
      %mul3A_357 = arith.muli %select_n3A_348, %mul3A_356 : i32
      %add3A_358 = arith.addi %mul3A_355, %mul3A_357 : i32
      %add3A_359 = arith.addi %add3A_358, %mul3A_353 : i32
      %get3A_360 = arith.constant 0 : i32
      %get3A_361 = arith.index_cast %select_n3A_321 : i32 to index
      %get3A_362 = arith.index_cast %select_n3A_348 : i32 to index
      %get3A_363 = arith.index_cast %get3A_360 : i32 to index
      %get3A_364 = arith.index_cast %mul3A_353 : i32 to index
      %get3A_365 = tpu.vector_load %arg6[%get3A_361, %get3A_362, %get3A_363, %get3A_364] {strides = array<i32>} : memref<21x4x2x128xi32, #tpu.memory_space<vmem>>, vector<16xi32>,
      %swap3A_366 = arith.index_cast %add3A_359 : i32 to index
      %swap3A_367 = tpu.vector_load %arg7[%swap3A_366] {strides = array<i32>} : memref<10752xi32, #tpu.memory_space<vmem>>, vector<16xi32>,
      tpu.vector_store %arg7[%swap3A_366], %get3A_365 {strides = array<i32>} : memref<10752xi32, #tpu.memory_space<vmem>>, vector<16xi32>,
      %get3A_368 = arith.constant 1 : i32
      %get3A_369 = arith.index_cast %select_n3A_321 : i32 to index
      %get3A_370 = arith.index_cast %select_n3A_348 : i32 to index
      %get3A_371 = arith.index_cast %get3A_368 : i32 to index
      %get3A_372 = arith.index_cast %mul3A_353 : i32 to index
      %get3A_373 = tpu.vector_load %arg6[%get3A_369, %get3A_370, %get3A_371, %get3A_372] {strides = array<i32>} : memref<21x4x2x128xi32, #tpu.memory_space<vmem>>, vector<16xi32>,
      %swap3A_374 = arith.index_cast %add3A_359 : i32 to index
      %swap3A_375 = tpu.vector_load %arg8[%swap3A_374] {strides = array<i32>} : memref<10752xi32, #tpu.memory_space<vmem>>, vector<16xi32>,
      tpu.vector_store %arg8[%swap3A_374], %get3A_373 {strides = array<i32>} : memref<10752xi32, #tpu.memory_space<vmem>>, vector<16xi32>,
    }
    %scan3A_23 = arith.constant 672 : i32
    %dma_start3A_24 = arith.constant 0 : i32
    %dma_start3A_25 = tpu.memref_slice %arg7[%dma_start3A_24] : memref<10752xi32, #tpu.memory_space<vmem>> -> memref<96xi32, #tpu.memory_space<vmem>>
    %dma_start3A_26 = arith.constant 0 : i32
    %dma_start3A_27 = arith.constant 0 : i32
    %dma_start3A_28 = tpu.memref_slice %arg3[%dma_start3A_26, %dma_start3A_27] : memref<1000000x64xf32, #tpu.memory_space<hbm>> -> memref<1000000x64xf32, #tpu.memory_space<hbm>>
    tpu.enqueue_indirect_dma source(%dma_start3A_28 : memref<1000000x64xf32, #tpu.memory_space<hbm>>) target(%arg9 : memref<96x64xf32, #tpu.memory_space<vmem>>) offsets(%dma_start3A_25 : memref<96xi32, #tpu.memory_space<vmem>>) semaphore(%arg15 : memref<!tpu.dma_semaphore, #tpu.memory_space<semaphore_mem>>)
    %dma_start3A_29 = arith.constant 0 : i32
    %dma_start3A_30 = tpu.memref_slice %arg8[%dma_start3A_29] : memref<10752xi32, #tpu.memory_space<vmem>> -> memref<96xi32, #tpu.memory_space<vmem>>
    %dma_start3A_31 = arith.constant 0 : i32
    %dma_start3A_32 = arith.constant 0 : i32
    %dma_start3A_33 = tpu.memref_slice %arg4[%dma_start3A_31, %dma_start3A_32] : memref<1000000x64xf32, #tpu.memory_space<hbm>> -> memref<1000000x64xf32, #tpu.memory_space<hbm>>
    tpu.enqueue_indirect_dma source(%dma_start3A_33 : memref<1000000x64xf32, #tpu.memory_space<hbm>>) target(%arg10 : memref<96x64xf32, #tpu.memory_space<vmem>>) offsets(%dma_start3A_30 : memref<96xi32, #tpu.memory_space<vmem>>) semaphore(%arg16 : memref<!tpu.dma_semaphore, #tpu.memory_space<semaphore_mem>>)
    %scan3A_34 = arith.constant 0 : i32
    %scan3A_35 = arith.constant 56 : i32
    %scan3A_36 = arith.addi %scan3A_34, %scan3A_35 : i32
    %scan3A_37 = arith.constant 1 : i32
    scf.for %scan3A_51 = %scan3A_34 to %scan3A_36 step %scan3A_37  : i32 {
      %mul3A_52 = arith.constant 1 : i32
      %mul3A_53 = arith.muli %scan3A_51, %mul3A_52 : i32
      %add3A_54 = arith.constant 0 : i32
      %add3A_55 = arith.addi %add3A_54, %mul3A_53 : i32
      %mul3A_56 = arith.constant 2 : i32
      %mul3A_57 = arith.muli %mul3A_56, %add3A_55 : i32
      %add3A_58 = arith.constant 1 : i32
      %add3A_59 = arith.addi %mul3A_57, %add3A_58 : i32
      %mul3A_60 = arith.constant 96 : i32
      %mul3A_61 = arith.muli %mul3A_57, %mul3A_60 : i32
      %dma_wait3A_62 = tpu.memref_slice %arg7[%mul3A_61] : memref<10752xi32, #tpu.memory_space<vmem>> -> memref<96xi32, #tpu.memory_space<vmem>>
      %dma_wait3A_63 = arith.constant 0 : i32
      %dma_wait3A_64 = arith.constant 0 : i32
      %dma_wait3A_65 = tpu.memref_slice %arg3[%dma_wait3A_63, %dma_wait3A_64] : memref<1000000x64xf32, #tpu.memory_space<hbm>> -> memref<1000000x64xf32, #tpu.memory_space<hbm>>
      tpu.wait_indirect_dma semaphore(%arg15 : memref<!tpu.dma_semaphore, #tpu.memory_space<semaphore_mem>>) src(%dma_wait3A_65 : memref<1000000x64xf32, #tpu.memory_space<hbm>>) dst(%arg9 : memref<96x64xf32, #tpu.memory_space<vmem>>)
      %mul3A_66 = arith.constant 96 : i32
      %mul3A_67 = arith.muli %mul3A_57, %mul3A_66 : i32
      %dma_wait3A_68 = tpu.memref_slice %arg8[%mul3A_67] : memref<10752xi32, #tpu.memory_space<vmem>> -> memref<96xi32, #tpu.memory_space<vmem>>
      %dma_wait3A_69 = arith.constant 0 : i32
      %dma_wait3A_70 = arith.constant 0 : i32
      %dma_wait3A_71 = tpu.memref_slice %arg4[%dma_wait3A_69, %dma_wait3A_70] : memref<1000000x64xf32, #tpu.memory_space<hbm>> -> memref<1000000x64xf32, #tpu.memory_space<hbm>>
      tpu.wait_indirect_dma semaphore(%arg16 : memref<!tpu.dma_semaphore, #tpu.memory_space<semaphore_mem>>) src(%dma_wait3A_71 : memref<1000000x64xf32, #tpu.memory_space<hbm>>) dst(%arg10 : memref<96x64xf32, #tpu.memory_space<vmem>>)
      %mul3A_72 = arith.constant 96 : i32
      %mul3A_73 = arith.muli %add3A_59, %mul3A_72 : i32
      %dma_start3A_74 = tpu.memref_slice %arg7[%mul3A_73] : memref<10752xi32, #tpu.memory_space<vmem>> -> memref<96xi32, #tpu.memory_space<vmem>>
      %dma_start3A_75 = arith.constant 0 : i32
      %dma_start3A_76 = arith.constant 0 : i32
      %dma_start3A_77 = tpu.memref_slice %arg3[%dma_start3A_75, %dma_start3A_76] : memref<1000000x64xf32, #tpu.memory_space<hbm>> -> memref<1000000x64xf32, #tpu.memory_space<hbm>>
      tpu.enqueue_indirect_dma source(%dma_start3A_77 : memref<1000000x64xf32, #tpu.memory_space<hbm>>) target(%arg11 : memref<96x64xf32, #tpu.memory_space<vmem>>) offsets(%dma_start3A_74 : memref<96xi32, #tpu.memory_space<vmem>>) semaphore(%arg17 : memref<!tpu.dma_semaphore, #tpu.memory_space<semaphore_mem>>)
      %mul3A_78 = arith.constant 96 : i32
      %mul3A_79 = arith.muli %add3A_59, %mul3A_78 : i32
      %dma_start3A_80 = tpu.memref_slice %arg8[%mul3A_79] : memref<10752xi32, #tpu.memory_space<vmem>> -> memref<96xi32, #tpu.memory_space<vmem>>
      %dma_start3A_81 = arith.constant 0 : i32
      %dma_start3A_82 = arith.constant 0 : i32
      %dma_start3A_83 = tpu.memref_slice %arg4[%dma_start3A_81, %dma_start3A_82] : memref<1000000x64xf32, #tpu.memory_space<hbm>> -> memref<1000000x64xf32, #tpu.memory_space<hbm>>
      tpu.enqueue_indirect_dma source(%dma_start3A_83 : memref<1000000x64xf32, #tpu.memory_space<hbm>>) target(%arg12 : memref<96x64xf32, #tpu.memory_space<vmem>>) offsets(%dma_start3A_80 : memref<96xi32, #tpu.memory_space<vmem>>) semaphore(%arg18 : memref<!tpu.dma_semaphore, #tpu.memory_space<semaphore_mem>>)
      %scan3A_84 = arith.constant 0 : i32
      %scan3A_85 = arith.constant 96 : i32
      %scan3A_86 = arith.addi %scan3A_84, %scan3A_85 : i32
      %scan3A_87 = arith.constant 8 : i32
      scf.for %scan3A_1467 = %scan3A_84 to %scan3A_86 step %scan3A_87  : i32 {
        %mul3A_1468 = arith.constant 1 : i32
        %mul3A_1469 = arith.muli %scan3A_1467, %mul3A_1468 : i32
        %add3A_1470 = arith.constant 0 : i32
        %add3A_1471 = arith.addi %add3A_1470, %mul3A_1469 : i32
        %get3A = arith.index_cast %add3A_1471 : i32 to index
        %get3A_1472 = arith.constant 0 : index
        %get3A_1473 = tpu.vector_load %arg9[%get3A, %get3A_1472] {strides = array<i32>} : memref<96x64xf32, #tpu.memory_space<vmem>>, vector<16xf32>,
        %get3A_1474 = arith.index_cast %add3A_1471 : i32 to index
        %get3A_1475 = arith.constant 0 : index
        %get3A_1476 = tpu.vector_load %arg10[%get3A_1474, %get3A_1475] {strides = array<i32>} : memref<96x64xf32, #tpu.memory_space<vmem>>, vector<16xf32>,
        %mul3A_1477 = arith.mulf %get3A_1473, %get3A_1476 : vector<16xf32>
        %get3A_1478 = arith.index_cast %add3A_1471 : i32 to index
        %get3A_1479 = arith.constant 16 : index
        %get3A_1480 = tpu.vector_load %arg9[%get3A_1478, %get3A_1479] {strides = array<i32>} : memref<96x64xf32, #tpu.memory_space<vmem>>, vector<16xf32>,
        %get3A_1481 = arith.index_cast %add3A_1471 : i32 to index
        %get3A_1482 = arith.constant 16 : index
        %get3A_1483 = tpu.vector_load %arg10[%get3A_1481, %get3A_1482] {strides = array<i32>} : memref<96x64xf32, #tpu.memory_space<vmem>>, vector<16xf32>,
        %mul3A_1484 = arith.mulf %get3A_1480, %get3A_1483 : vector<16xf32>
        %add3A_1485 = arith.addf %mul3A_1477, %mul3A_1484 : vector<16xf32>
        %get3A_1486 = arith.index_cast %add3A_1471 : i32 to index
        %get3A_1487 = arith.constant 32 : index
        %get3A_1488 = tpu.vector_load %arg9[%get3A_1486, %get3A_1487] {strides = array<i32>} : memref<96x64xf32, #tpu.memory_space<vmem>>, vector<16xf32>,
        %get3A_1489 = arith.index_cast %add3A_1471 : i32 to index
        %get3A_1490 = arith.constant 32 : index
        %get3A_1491 = tpu.vector_load %arg10[%get3A_1489, %get3A_1490] {strides = array<i32>} : memref<96x64xf32, #tpu.memory_space<vmem>>, vector<16xf32>,
        %mul3A_1492 = arith.mulf %get3A_1488, %get3A_1491 : vector<16xf32>
        %add3A_1493 = arith.addf %add3A_1485, %mul3A_1492 : vector<16xf32>
        %get3A_1494 = arith.index_cast %add3A_1471 : i32 to index
        %get3A_1495 = arith.constant 48 : index
        %get3A_1496 = tpu.vector_load %arg9[%get3A_1494, %get3A_1495] {strides = array<i32>} : memref<96x64xf32, #tpu.memory_space<vmem>>, vector<16xf32>,
        %get3A_1497 = arith.index_cast %add3A_1471 : i32 to index
        %get3A_1498 = arith.constant 48 : index
        %get3A_1499 = tpu.vector_load %arg10[%get3A_1497, %get3A_1498] {strides = array<i32>} : memref<96x64xf32, #tpu.memory_space<vmem>>, vector<16xf32>,
        %mul3A_1500 = arith.mulf %get3A_1496, %get3A_1499 : vector<16xf32>
        %add3A_1501 = arith.addf %add3A_1493, %mul3A_1500 : vector<16xf32>
        %mul3A_1502 = arith.constant 16 : i32
        %mul3A_1503 = arith.muli %add3A_1471, %mul3A_1502 : i32
        %swap3A_1504 = arith.index_cast %mul3A_1503 : i32 to index
        %swap3A_1505 = tpu.vector_load %arg13[%swap3A_1504] {strides = array<i32>} : memref<1536xf32, #tpu.memory_space<vmem>>, vector<16xf32>,
        tpu.vector_store %arg13[%swap3A_1504], %add3A_1501 {strides = array<i32>} : memref<1536xf32, #tpu.memory_space<vmem>>, vector<16xf32>,
        %scan3A_1506 = arith.constant 1 : i32
        %scan3A_1507 = arith.addi %scan3A_1467, %scan3A_1506 : i32
        %mul3A_1508 = arith.constant 1 : i32
        %mul3A_1509 = arith.muli %scan3A_1507, %mul3A_1508 : i32
        %add3A_1510 = arith.constant 0 : i32
        %add3A_1511 = arith.addi %add3A_1510, %mul3A_1509 : i32
        %get3A_1512 = arith.index_cast %add3A_1511 : i32 to index
        %get3A_1513 = arith.constant 0 : index
        %get3A_1514 = tpu.vector_load %arg9[%get3A_1512, %get3A_1513] {strides = array<i32>} : memref<96x64xf32, #tpu.memory_space<vmem>>, vector<16xf32>,
        %get3A_1515 = arith.index_cast %add3A_1511 : i32 to index
        %get3A_1516 = arith.constant 0 : index
        %get3A_1517 = tpu.vector_load %arg10[%get3A_1515, %get3A_1516] {strides = array<i32>} : memref<96x64xf32, #tpu.memory_space<vmem>>, vector<16xf32>,
        %mul3A_1518 = arith.mulf %get3A_1514, %get3A_1517 : vector<16xf32>
        %get3A_1519 = arith.index_cast %add3A_1511 : i32 to index
        %get3A_1520 = arith.constant 16 : index
        %get3A_1521 = tpu.vector_load %arg9[%get3A_1519, %get3A_1520] {strides = array<i32>} : memref<96x64xf32, #tpu.memory_space<vmem>>, vector<16xf32>,
        %get3A_1522 = arith.index_cast %add3A_1511 : i32 to index
        %get3A_1523 = arith.constant 16 : index
        %get3A_1524 = tpu.vector_load %arg10[%get3A_1522, %get3A_1523] {strides = array<i32>} : memref<96x64xf32, #tpu.memory_space<vmem>>, vector<16xf32>,
        %mul3A_1525 = arith.mulf %get3A_1521, %get3A_1524 : vector<16xf32>
        %add3A_1526 = arith.addf %mul3A_1518, %mul3A_1525 : vector<16xf32>
        %get3A_1527 = arith.index_cast %add3A_1511 : i32 to index
        %get3A_1528 = arith.constant 32 : index
        %get3A_1529 = tpu.vector_load %arg9[%get3A_1527, %get3A_1528] {strides = array<i32>} : memref<96x64xf32, #tpu.memory_space<vmem>>, vector<16xf32>,
        %get3A_1530 = arith.index_cast %add3A_1511 : i32 to index
        %get3A_1531 = arith.constant 32 : index
        %get3A_1532 = tpu.vector_load %arg10[%get3A_1530, %get3A_1531] {strides = array<i32>} : memref<96x64xf32, #tpu.memory_space<vmem>>, vector<16xf32>,
        %mul3A_1533 = arith.mulf %get3A_1529, %get3A_1532 : vector<16xf32>
        %add3A_1534 = arith.addf %add3A_1526, %mul3A_1533 : vector<16xf32>
        %get3A_1535 = arith.index_cast %add3A_1511 : i32 to index
        %get3A_1536 = arith.constant 48 : index
        %get3A_1537 = tpu.vector_load %arg9[%get3A_1535, %get3A_1536] {strides = array<i32>} : memref<96x64xf32, #tpu.memory_space<vmem>>, vector<16xf32>,
        %get3A_1538 = arith.index_cast %add3A_1511 : i32 to index
        %get3A_1539 = arith.constant 48 : index
        %get3A_1540 = tpu.vector_load %arg10[%get3A_1538, %get3A_1539] {strides = array<i32>} : memref<96x64xf32, #tpu.memory_space<vmem>>, vector<16xf32>,
        %mul3A_1541 = arith.mulf %get3A_1537, %get3A_1540 : vector<16xf32>
        %add3A_1542 = arith.addf %add3A_1534, %mul3A_1541 : vector<16xf32>
        %mul3A_1543 = arith.constant 16 : i32
        %mul3A_1544 = arith.muli %add3A_1511, %mul3A_1543 : i32
        %swap3A_1545 = arith.index_cast %mul3A_1544 : i32 to index
        %swap3A_1546 = tpu.vector_load %arg13[%swap3A_1545] {strides = array<i32>} : memref<1536xf32, #tpu.memory_space<vmem>>, vector<16xf32>,
        tpu.vector_store %arg13[%swap3A_1545], %add3A_1542 {strides = array<i32>} : memref<1536xf32, #tpu.memory_space<vmem>>, vector<16xf32>,
        %scan3A_1547 = arith.constant 2 : i32
        %scan3A_1548 = arith.addi %scan3A_1467, %scan3A_1547 : i32
        %mul3A_1549 = arith.constant 1 : i32
        %mul3A_1550 = arith.muli %scan3A_1548, %mul3A_1549 : i32
        %add3A_1551 = arith.constant 0 : i32
        %add3A_1552 = arith.addi %add3A_1551, %mul3A_1550 : i32
        %get3A_1553 = arith.index_cast %add3A_1552 : i32 to index
        %get3A_1554 = arith.constant 0 : index
        %get3A_1555 = tpu.vector_load %arg9[%get3A_1553, %get3A_1554] {strides = array<i32>} : memref<96x64xf32, #tpu.memory_space<vmem>>, vector<16xf32>,
        %get3A_1556 = arith.index_cast %add3A_1552 : i32 to index
        %get3A_1557 = arith.constant 0 : index
        %get3A_1558 = tpu.vector_load %arg10[%get3A_1556, %get3A_1557] {strides = array<i32>} : memref<96x64xf32, #tpu.memory_space<vmem>>, vector<16xf32>,
        %mul3A_1559 = arith.mulf %get3A_1555, %get3A_1558 : vector<16xf32>
        %get3A_1560 = arith.index_cast %add3A_1552 : i32 to index
        %get3A_1561 = arith.constant 16 : index
        %get3A_1562 = tpu.vector_load %arg9[%get3A_1560, %get3A_1561] {strides = array<i32>} : memref<96x64xf32, #tpu.memory_space<vmem>>, vector<16xf32>,
        %get3A_1563 = arith.index_cast %add3A_1552 : i32 to index
        %get3A_1564 = arith.constant 16 : index
        %get3A_1565 = tpu.vector_load %arg10[%get3A_1563, %get3A_1564] {strides = array<i32>} : memref<96x64xf32, #tpu.memory_space<vmem>>, vector<16xf32>,
        %mul3A_1566 = arith.mulf %get3A_1562, %get3A_1565 : vector<16xf32>
        %add3A_1567 = arith.addf %mul3A_1559, %mul3A_1566 : vector<16xf32>
        %get3A_1568 = arith.index_cast %add3A_1552 : i32 to index
        %get3A_1569 = arith.constant 32 : index
        %get3A_1570 = tpu.vector_load %arg9[%get3A_1568, %get3A_1569] {strides = array<i32>} : memref<96x64xf32, #tpu.memory_space<vmem>>, vector<16xf32>,
        %get3A_1571 = arith.index_cast %add3A_1552 : i32 to index
        %get3A_1572 = arith.constant 32 : index
        %get3A_1573 = tpu.vector_load %arg10[%get3A_1571, %get3A_1572] {strides = array<i32>} : memref<96x64xf32, #tpu.memory_space<vmem>>, vector<16xf32>,
        %mul3A_1574 = arith.mulf %get3A_1570, %get3A_1573 : vector<16xf32>
        %add3A_1575 = arith.addf %add3A_1567, %mul3A_1574 : vector<16xf32>
        %get3A_1576 = arith.index_cast %add3A_1552 : i32 to index
        %get3A_1577 = arith.constant 48 : index
        %get3A_1578 = tpu.vector_load %arg9[%get3A_1576, %get3A_1577] {strides = array<i32>} : memref<96x64xf32, #tpu.memory_space<vmem>>, vector<16xf32>,
        %get3A_1579 = arith.index_cast %add3A_1552 : i32 to index
        %get3A_1580 = arith.constant 48 : index
        %get3A_1581 = tpu.vector_load %arg10[%get3A_1579, %get3A_1580] {strides = array<i32>} : memref<96x64xf32, #tpu.memory_space<vmem>>, vector<16xf32>,
        %mul3A_1582 = arith.mulf %get3A_1578, %get3A_1581 : vector<16xf32>
        %add3A_1583 = arith.addf %add3A_1575, %mul3A_1582 : vector<16xf32>
        %mul3A_1584 = arith.constant 16 : i32
        %mul3A_1585 = arith.muli %add3A_1552, %mul3A_1584 : i32
        %swap3A_1586 = arith.index_cast %mul3A_1585 : i32 to index
        %swap3A_1587 = tpu.vector_load %arg13[%swap3A_1586] {strides = array<i32>} : memref<1536xf32, #tpu.memory_space<vmem>>, vector<16xf32>,
        tpu.vector_store %arg13[%swap3A_1586], %add3A_1583 {strides = array<i32>} : memref<1536xf32, #tpu.memory_space<vmem>>, vector<16xf32>,
        %scan3A_1588 = arith.constant 3 : i32
        %scan3A_1589 = arith.addi %scan3A_1467, %scan3A_1588 : i32
        %mul3A_1590 = arith.constant 1 : i32
        %mul3A_1591 = arith.muli %scan3A_1589, %mul3A_1590 : i32
        %add3A_1592 = arith.constant 0 : i32
        %add3A_1593 = arith.addi %add3A_1592, %mul3A_1591 : i32
        %get3A_1594 = arith.index_cast %add3A_1593 : i32 to index
        %get3A_1595 = arith.constant 0 : index
        %get3A_1596 = tpu.vector_load %arg9[%get3A_1594, %get3A_1595] {strides = array<i32>} : memref<96x64xf32, #tpu.memory_space<vmem>>, vector<16xf32>,
        %get3A_1597 = arith.index_cast %add3A_1593 : i32 to index
        %get3A_1598 = arith.constant 0 : index
        %get3A_1599 = tpu.vector_load %arg10[%get3A_1597, %get3A_1598] {strides = array<i32>} : memref<96x64xf32, #tpu.memory_space<vmem>>, vector<16xf32>,
        %mul3A_1600 = arith.mulf %get3A_1596, %get3A_1599 : vector<16xf32>
        %get3A_1601 = arith.index_cast %add3A_1593 : i32 to index
        %get3A_1602 = arith.constant 16 : index
        %get3A_1603 = tpu.vector_load %arg9[%get3A_1601, %get3A_1602] {strides = array<i32>} : memref<96x64xf32, #tpu.memory_space<vmem>>, vector<16xf32>,
        %get3A_1604 = arith.index_cast %add3A_1593 : i32 to index
        %get3A_1605 = arith.constant 16 : index
        %get3A_1606 = tpu.vector_load %arg10[%get3A_1604, %get3A_1605] {strides = array<i32>} : memref<96x64xf32, #tpu.memory_space<vmem>>, vector<16xf32>,
        %mul3A_1607 = arith.mulf %get3A_1603, %get3A_1606 : vector<16xf32>
        %add3A_1608 = arith.addf %mul3A_1600, %mul3A_1607 : vector<16xf32>
        %get3A_1609 = arith.index_cast %add3A_1593 : i32 to index
        %get3A_1610 = arith.constant 32 : index
        %get3A_1611 = tpu.vector_load %arg9[%get3A_1609, %get3A_1610] {strides = array<i32>} : memref<96x64xf32, #tpu.memory_space<vmem>>, vector<16xf32>,
        %get3A_1612 = arith.index_cast %add3A_1593 : i32 to index
        %get3A_1613 = arith.constant 32 : index
        %get3A_1614 = tpu.vector_load %arg10[%get3A_1612, %get3A_1613] {strides = array<i32>} : memref<96x64xf32, #tpu.memory_space<vmem>>, vector<16xf32>,
        %mul3A_1615 = arith.mulf %get3A_1611, %get3A_1614 : vector<16xf32>
        %add3A_1616 = arith.addf %add3A_1608, %mul3A_1615 : vector<16xf32>
        %get3A_1617 = arith.index_cast %add3A_1593 : i32 to index
        %get3A_1618 = arith.constant 48 : index
        %get3A_1619 = tpu.vector_load %arg9[%get3A_1617, %get3A_1618] {strides = array<i32>} : memref<96x64xf32, #tpu.memory_space<vmem>>, vector<16xf32>,
        %get3A_1620 = arith.index_cast %add3A_1593 : i32 to index
        %get3A_1621 = arith.constant 48 : index
        %get3A_1622 = tpu.vector_load %arg10[%get3A_1620, %get3A_1621] {strides = array<i32>} : memref<96x64xf32, #tpu.memory_space<vmem>>, vector<16xf32>,
        %mul3A_1623 = arith.mulf %get3A_1619, %get3A_1622 : vector<16xf32>
        %add3A_1624 = arith.addf %add3A_1616, %mul3A_1623 : vector<16xf32>
        %mul3A_1625 = arith.constant 16 : i32
        %mul3A_1626 = arith.muli %add3A_1593, %mul3A_1625 : i32
        %swap3A_1627 = arith.index_cast %mul3A_1626 : i32 to index
        %swap3A_1628 = tpu.vector_load %arg13[%swap3A_1627] {strides = array<i32>} : memref<1536xf32, #tpu.memory_space<vmem>>, vector<16xf32>,
        tpu.vector_store %arg13[%swap3A_1627], %add3A_1624 {strides = array<i32>} : memref<1536xf32, #tpu.memory_space<vmem>>, vector<16xf32>,
        %scan3A_1629 = arith.constant 4 : i32
        %scan3A_1630 = arith.addi %scan3A_1467, %scan3A_1629 : i32
        %mul3A_1631 = arith.constant 1 : i32
        %mul3A_1632 = arith.muli %scan3A_1630, %mul3A_1631 : i32
        %add3A_1633 = arith.constant 0 : i32
        %add3A_1634 = arith.addi %add3A_1633, %mul3A_1632 : i32
        %get3A_1635 = arith.index_cast %add3A_1634 : i32 to index
        %get3A_1636 = arith.constant 0 : index
        %get3A_1637 = tpu.vector_load %arg9[%get3A_1635, %get3A_1636] {strides = array<i32>} : memref<96x64xf32, #tpu.memory_space<vmem>>, vector<16xf32>,
        %get3A_1638 = arith.index_cast %add3A_1634 : i32 to index
        %get3A_1639 = arith.constant 0 : index
        %get3A_1640 = tpu.vector_load %arg10[%get3A_1638, %get3A_1639] {strides = array<i32>} : memref<96x64xf32, #tpu.memory_space<vmem>>, vector<16xf32>,
        %mul3A_1641 = arith.mulf %get3A_1637, %get3A_1640 : vector<16xf32>
        %get3A_1642 = arith.index_cast %add3A_1634 : i32 to index
        %get3A_1643 = arith.constant 16 : index
        %get3A_1644 = tpu.vector_load %arg9[%get3A_1642, %get3A_1643] {strides = array<i32>} : memref<96x64xf32, #tpu.memory_space<vmem>>, vector<16xf32>,
        %get3A_1645 = arith.index_cast %add3A_1634 : i32 to index
        %get3A_1646 = arith.constant 16 : index
        %get3A_1647 = tpu.vector_load %arg10[%get3A_1645, %get3A_1646] {strides = array<i32>} : memref<96x64xf32, #tpu.memory_space<vmem>>, vector<16xf32>,
        %mul3A_1648 = arith.mulf %get3A_1644, %get3A_1647 : vector<16xf32>
        %add3A_1649 = arith.addf %mul3A_1641, %mul3A_1648 : vector<16xf32>
        %get3A_1650 = arith.index_cast %add3A_1634 : i32 to index
        %get3A_1651 = arith.constant 32 : index
        %get3A_1652 = tpu.vector_load %arg9[%get3A_1650, %get3A_1651] {strides = array<i32>} : memref<96x64xf32, #tpu.memory_space<vmem>>, vector<16xf32>,
        %get3A_1653 = arith.index_cast %add3A_1634 : i32 to index
        %get3A_1654 = arith.constant 32 : index
        %get3A_1655 = tpu.vector_load %arg10[%get3A_1653, %get3A_1654] {strides = array<i32>} : memref<96x64xf32, #tpu.memory_space<vmem>>, vector<16xf32>,
        %mul3A_1656 = arith.mulf %get3A_1652, %get3A_1655 : vector<16xf32>
        %add3A_1657 = arith.addf %add3A_1649, %mul3A_1656 : vector<16xf32>
        %get3A_1658 = arith.index_cast %add3A_1634 : i32 to index
        %get3A_1659 = arith.constant 48 : index
        %get3A_1660 = tpu.vector_load %arg9[%get3A_1658, %get3A_1659] {strides = array<i32>} : memref<96x64xf32, #tpu.memory_space<vmem>>, vector<16xf32>,
        %get3A_1661 = arith.index_cast %add3A_1634 : i32 to index
        %get3A_1662 = arith.constant 48 : index
        %get3A_1663 = tpu.vector_load %arg10[%get3A_1661, %get3A_1662] {strides = array<i32>} : memref<96x64xf32, #tpu.memory_space<vmem>>, vector<16xf32>,
        %mul3A_1664 = arith.mulf %get3A_1660, %get3A_1663 : vector<16xf32>
        %add3A_1665 = arith.addf %add3A_1657, %mul3A_1664 : vector<16xf32>
        %mul3A_1666 = arith.constant 16 : i32
        %mul3A_1667 = arith.muli %add3A_1634, %mul3A_1666 : i32
        %swap3A_1668 = arith.index_cast %mul3A_1667 : i32 to index
        %swap3A_1669 = tpu.vector_load %arg13[%swap3A_1668] {strides = array<i32>} : memref<1536xf32, #tpu.memory_space<vmem>>, vector<16xf32>,
        tpu.vector_store %arg13[%swap3A_1668], %add3A_1665 {strides = array<i32>} : memref<1536xf32, #tpu.memory_space<vmem>>, vector<16xf32>,
        %scan3A_1670 = arith.constant 5 : i32
        %scan3A_1671 = arith.addi %scan3A_1467, %scan3A_1670 : i32
        %mul3A_1672 = arith.constant 1 : i32
        %mul3A_1673 = arith.muli %scan3A_1671, %mul3A_1672 : i32
        %add3A_1674 = arith.constant 0 : i32
        %add3A_1675 = arith.addi %add3A_1674, %mul3A_1673 : i32
        %get3A_1676 = arith.index_cast %add3A_1675 : i32 to index
        %get3A_1677 = arith.constant 0 : index
        %get3A_1678 = tpu.vector_load %arg9[%get3A_1676, %get3A_1677] {strides = array<i32>} : memref<96x64xf32, #tpu.memory_space<vmem>>, vector<16xf32>,
        %get3A_1679 = arith.index_cast %add3A_1675 : i32 to index
        %get3A_1680 = arith.constant 0 : index
        %get3A_1681 = tpu.vector_load %arg10[%get3A_1679, %get3A_1680] {strides = array<i32>} : memref<96x64xf32, #tpu.memory_space<vmem>>, vector<16xf32>,
        %mul3A_1682 = arith.mulf %get3A_1678, %get3A_1681 : vector<16xf32>
        %get3A_1683 = arith.index_cast %add3A_1675 : i32 to index
        %get3A_1684 = arith.constant 16 : index
        %get3A_1685 = tpu.vector_load %arg9[%get3A_1683, %get3A_1684] {strides = array<i32>} : memref<96x64xf32, #tpu.memory_space<vmem>>, vector<16xf32>,
        %get3A_1686 = arith.index_cast %add3A_1675 : i32 to index
        %get3A_1687 = arith.constant 16 : index
        %get3A_1688 = tpu.vector_load %arg10[%get3A_1686, %get3A_1687] {strides = array<i32>} : memref<96x64xf32, #tpu.memory_space<vmem>>, vector<16xf32>,
        %mul3A_1689 = arith.mulf %get3A_1685, %get3A_1688 : vector<16xf32>
        %add3A_1690 = arith.addf %mul3A_1682, %mul3A_1689 : vector<16xf32>
        %get3A_1691 = arith.index_cast %add3A_1675 : i32 to index
        %get3A_1692 = arith.constant 32 : index
        %get3A_1693 = tpu.vector_load %arg9[%get3A_1691, %get3A_1692] {strides = array<i32>} : memref<96x64xf32, #tpu.memory_space<vmem>>, vector<16xf32>,
        %get3A_1694 = arith.index_cast %add3A_1675 : i32 to index
        %get3A_1695 = arith.constant 32 : index
        %get3A_1696 = tpu.vector_load %arg10[%get3A_1694, %get3A_1695] {strides = array<i32>} : memref<96x64xf32, #tpu.memory_space<vmem>>, vector<16xf32>,
        %mul3A_1697 = arith.mulf %get3A_1693, %get3A_1696 : vector<16xf32>
        %add3A_1698 = arith.addf %add3A_1690, %mul3A_1697 : vector<16xf32>
        %get3A_1699 = arith.index_cast %add3A_1675 : i32 to index
        %get3A_1700 = arith.constant 48 : index
        %get3A_1701 = tpu.vector_load %arg9[%get3A_1699, %get3A_1700] {strides = array<i32>} : memref<96x64xf32, #tpu.memory_space<vmem>>, vector<16xf32>,
        %get3A_1702 = arith.index_cast %add3A_1675 : i32 to index
        %get3A_1703 = arith.constant 48 : index
        %get3A_1704 = tpu.vector_load %arg10[%get3A_1702, %get3A_1703] {strides = array<i32>} : memref<96x64xf32, #tpu.memory_space<vmem>>, vector<16xf32>,
        %mul3A_1705 = arith.mulf %get3A_1701, %get3A_1704 : vector<16xf32>
        %add3A_1706 = arith.addf %add3A_1698, %mul3A_1705 : vector<16xf32>
        %mul3A_1707 = arith.constant 16 : i32
        %mul3A_1708 = arith.muli %add3A_1675, %mul3A_1707 : i32
        %swap3A_1709 = arith.index_cast %mul3A_1708 : i32 to index
        %swap3A_1710 = tpu.vector_load %arg13[%swap3A_1709] {strides = array<i32>} : memref<1536xf32, #tpu.memory_space<vmem>>, vector<16xf32>,
        tpu.vector_store %arg13[%swap3A_1709], %add3A_1706 {strides = array<i32>} : memref<1536xf32, #tpu.memory_space<vmem>>, vector<16xf32>,
        %scan3A_1711 = arith.constant 6 : i32
        %scan3A_1712 = arith.addi %scan3A_1467, %scan3A_1711 : i32
        %mul3A_1713 = arith.constant 1 : i32
        %mul3A_1714 = arith.muli %scan3A_1712, %mul3A_1713 : i32
        %add3A_1715 = arith.constant 0 : i32
        %add3A_1716 = arith.addi %add3A_1715, %mul3A_1714 : i32
        %get3A_1717 = arith.index_cast %add3A_1716 : i32 to index
        %get3A_1718 = arith.constant 0 : index
        %get3A_1719 = tpu.vector_load %arg9[%get3A_1717, %get3A_1718] {strides = array<i32>} : memref<96x64xf32, #tpu.memory_space<vmem>>, vector<16xf32>,
        %get3A_1720 = arith.index_cast %add3A_1716 : i32 to index
        %get3A_1721 = arith.constant 0 : index
        %get3A_1722 = tpu.vector_load %arg10[%get3A_1720, %get3A_1721] {strides = array<i32>} : memref<96x64xf32, #tpu.memory_space<vmem>>, vector<16xf32>,
        %mul3A_1723 = arith.mulf %get3A_1719, %get3A_1722 : vector<16xf32>
        %get3A_1724 = arith.index_cast %add3A_1716 : i32 to index
        %get3A_1725 = arith.constant 16 : index
        %get3A_1726 = tpu.vector_load %arg9[%get3A_1724, %get3A_1725] {strides = array<i32>} : memref<96x64xf32, #tpu.memory_space<vmem>>, vector<16xf32>,
        %get3A_1727 = arith.index_cast %add3A_1716 : i32 to index
        %get3A_1728 = arith.constant 16 : index
        %get3A_1729 = tpu.vector_load %arg10[%get3A_1727, %get3A_1728] {strides = array<i32>} : memref<96x64xf32, #tpu.memory_space<vmem>>, vector<16xf32>,
        %mul3A_1730 = arith.mulf %get3A_1726, %get3A_1729 : vector<16xf32>
        %add3A_1731 = arith.addf %mul3A_1723, %mul3A_1730 : vector<16xf32>
        %get3A_1732 = arith.index_cast %add3A_1716 : i32 to index
        %get3A_1733 = arith.constant 32 : index
        %get3A_1734 = tpu.vector_load %arg9[%get3A_1732, %get3A_1733] {strides = array<i32>} : memref<96x64xf32, #tpu.memory_space<vmem>>, vector<16xf32>,
        %get3A_1735 = arith.index_cast %add3A_1716 : i32 to index
        %get3A_1736 = arith.constant 32 : index
        %get3A_1737 = tpu.vector_load %arg10[%get3A_1735, %get3A_1736] {strides = array<i32>} : memref<96x64xf32, #tpu.memory_space<vmem>>, vector<16xf32>,
        %mul3A_1738 = arith.mulf %get3A_1734, %get3A_1737 : vector<16xf32>
        %add3A_1739 = arith.addf %add3A_1731, %mul3A_1738 : vector<16xf32>
        %get3A_1740 = arith.index_cast %add3A_1716 : i32 to index
        %get3A_1741 = arith.constant 48 : index
        %get3A_1742 = tpu.vector_load %arg9[%get3A_1740, %get3A_1741] {strides = array<i32>} : memref<96x64xf32, #tpu.memory_space<vmem>>, vector<16xf32>,
        %get3A_1743 = arith.index_cast %add3A_1716 : i32 to index
        %get3A_1744 = arith.constant 48 : index
        %get3A_1745 = tpu.vector_load %arg10[%get3A_1743, %get3A_1744] {strides = array<i32>} : memref<96x64xf32, #tpu.memory_space<vmem>>, vector<16xf32>,
        %mul3A_1746 = arith.mulf %get3A_1742, %get3A_1745 : vector<16xf32>
        %add3A_1747 = arith.addf %add3A_1739, %mul3A_1746 : vector<16xf32>
        %mul3A_1748 = arith.constant 16 : i32
        %mul3A_1749 = arith.muli %add3A_1716, %mul3A_1748 : i32
        %swap3A_1750 = arith.index_cast %mul3A_1749 : i32 to index
        %swap3A_1751 = tpu.vector_load %arg13[%swap3A_1750] {strides = array<i32>} : memref<1536xf32, #tpu.memory_space<vmem>>, vector<16xf32>,
        tpu.vector_store %arg13[%swap3A_1750], %add3A_1747 {strides = array<i32>} : memref<1536xf32, #tpu.memory_space<vmem>>, vector<16xf32>,
        %scan3A_1752 = arith.constant 7 : i32
        %scan3A_1753 = arith.addi %scan3A_1467, %scan3A_1752 : i32
        %mul3A_1754 = arith.constant 1 : i32
        %mul3A_1755 = arith.muli %scan3A_1753, %mul3A_1754 : i32
        %add3A_1756 = arith.constant 0 : i32
        %add3A_1757 = arith.addi %add3A_1756, %mul3A_1755 : i32
        %get3A_1758 = arith.index_cast %add3A_1757 : i32 to index
        %get3A_1759 = arith.constant 0 : index
        %get3A_1760 = tpu.vector_load %arg9[%get3A_1758, %get3A_1759] {strides = array<i32>} : memref<96x64xf32, #tpu.memory_space<vmem>>, vector<16xf32>,
        %get3A_1761 = arith.index_cast %add3A_1757 : i32 to index
        %get3A_1762 = arith.constant 0 : index
        %get3A_1763 = tpu.vector_load %arg10[%get3A_1761, %get3A_1762] {strides = array<i32>} : memref<96x64xf32, #tpu.memory_space<vmem>>, vector<16xf32>,
        %mul3A_1764 = arith.mulf %get3A_1760, %get3A_1763 : vector<16xf32>
        %get3A_1765 = arith.index_cast %add3A_1757 : i32 to index
        %get3A_1766 = arith.constant 16 : index
        %get3A_1767 = tpu.vector_load %arg9[%get3A_1765, %get3A_1766] {strides = array<i32>} : memref<96x64xf32, #tpu.memory_space<vmem>>, vector<16xf32>,
        %get3A_1768 = arith.index_cast %add3A_1757 : i32 to index
        %get3A_1769 = arith.constant 16 : index
        %get3A_1770 = tpu.vector_load %arg10[%get3A_1768, %get3A_1769] {strides = array<i32>} : memref<96x64xf32, #tpu.memory_space<vmem>>, vector<16xf32>,
        %mul3A_1771 = arith.mulf %get3A_1767, %get3A_1770 : vector<16xf32>
        %add3A_1772 = arith.addf %mul3A_1764, %mul3A_1771 : vector<16xf32>
        %get3A_1773 = arith.index_cast %add3A_1757 : i32 to index
        %get3A_1774 = arith.constant 32 : index
        %get3A_1775 = tpu.vector_load %arg9[%get3A_1773, %get3A_1774] {strides = array<i32>} : memref<96x64xf32, #tpu.memory_space<vmem>>, vector<16xf32>,
        %get3A_1776 = arith.index_cast %add3A_1757 : i32 to index
        %get3A_1777 = arith.constant 32 : index
        %get3A_1778 = tpu.vector_load %arg10[%get3A_1776, %get3A_1777] {strides = array<i32>} : memref<96x64xf32, #tpu.memory_space<vmem>>, vector<16xf32>,
        %mul3A_1779 = arith.mulf %get3A_1775, %get3A_1778 : vector<16xf32>
        %add3A_1780 = arith.addf %add3A_1772, %mul3A_1779 : vector<16xf32>
        %get3A_1781 = arith.index_cast %add3A_1757 : i32 to index
        %get3A_1782 = arith.constant 48 : index
        %get3A_1783 = tpu.vector_load %arg9[%get3A_1781, %get3A_1782] {strides = array<i32>} : memref<96x64xf32, #tpu.memory_space<vmem>>, vector<16xf32>,
        %get3A_1784 = arith.index_cast %add3A_1757 : i32 to index
        %get3A_1785 = arith.constant 48 : index
        %get3A_1786 = tpu.vector_load %arg10[%get3A_1784, %get3A_1785] {strides = array<i32>} : memref<96x64xf32, #tpu.memory_space<vmem>>, vector<16xf32>,
        %mul3A_1787 = arith.mulf %get3A_1783, %get3A_1786 : vector<16xf32>
        %add3A_1788 = arith.addf %add3A_1780, %mul3A_1787 : vector<16xf32>
        %mul3A_1789 = arith.constant 16 : i32
        %mul3A_1790 = arith.muli %add3A_1757, %mul3A_1789 : i32
        %swap3A_1791 = arith.index_cast %mul3A_1790 : i32 to index
        %swap3A_1792 = tpu.vector_load %arg13[%swap3A_1791] {strides = array<i32>} : memref<1536xf32, #tpu.memory_space<vmem>>, vector<16xf32>,
        tpu.vector_store %arg13[%swap3A_1791], %add3A_1788 {strides = array<i32>} : memref<1536xf32, #tpu.memory_space<vmem>>, vector<16xf32>,
      }
      %scan3A_88 = arith.constant 96 : i32
      %add3A_89 = arith.constant 0 : i32
      %add3A_90 = vector.broadcast %add3A_89 : i32 to vector<16xi32>
      %add3A_91 = arith.addi %mul3A_3, %add3A_90 : vector<16xi32>
      %gather3A = tpu.vector_load_idx %arg13[%add3A_91] : memref<1536xf32, #tpu.memory_space<vmem>>[vector<16xi32>], vector<16xf32>,
      %add3A_92 = arith.constant 1 : i32
      %add3A_93 = vector.broadcast %add3A_92 : i32 to vector<16xi32>
      %add3A_94 = arith.addi %mul3A_3, %add3A_93 : vector<16xi32>
      %gather3A_95 = tpu.vector_load_idx %arg13[%add3A_94] : memref<1536xf32, #tpu.memory_space<vmem>>[vector<16xi32>], vector<16xf32>,
      %add3A_96 = arith.constant 2 : i32
      %add3A_97 = vector.broadcast %add3A_96 : i32 to vector<16xi32>
      %add3A_98 = arith.addi %mul3A_3, %add3A_97 : vector<16xi32>
      %gather3A_99 = tpu.vector_load_idx %arg13[%add3A_98] : memref<1536xf32, #tpu.memory_space<vmem>>[vector<16xi32>], vector<16xf32>,
      %add3A_100 = arith.addf %gather3A, %gather3A_99 : vector<16xf32>
      %add3A_101 = arith.constant 3 : i32
      %add3A_102 = vector.broadcast %add3A_101 : i32 to vector<16xi32>
      %add3A_103 = arith.addi %mul3A_3, %add3A_102 : vector<16xi32>
      %gather3A_104 = tpu.vector_load_idx %arg13[%add3A_103] : memref<1536xf32, #tpu.memory_space<vmem>>[vector<16xi32>], vector<16xf32>,
      %add3A_105 = arith.addf %gather3A_95, %gather3A_104 : vector<16xf32>
      %add3A_106 = arith.constant 4 : i32
      %add3A_107 = vector.broadcast %add3A_106 : i32 to vector<16xi32>
      %add3A_108 = arith.addi %mul3A_3, %add3A_107 : vector<16xi32>
      %gather3A_109 = tpu.vector_load_idx %arg13[%add3A_108] : memref<1536xf32, #tpu.memory_space<vmem>>[vector<16xi32>], vector<16xf32>,
      %add3A_110 = arith.addf %add3A_100, %gather3A_109 : vector<16xf32>
      %add3A_111 = arith.constant 5 : i32
      %add3A_112 = vector.broadcast %add3A_111 : i32 to vector<16xi32>
      %add3A_113 = arith.addi %mul3A_3, %add3A_112 : vector<16xi32>
      %gather3A_114 = tpu.vector_load_idx %arg13[%add3A_113] : memref<1536xf32, #tpu.memory_space<vmem>>[vector<16xi32>], vector<16xf32>,
      %add3A_115 = arith.addf %add3A_105, %gather3A_114 : vector<16xf32>
      %add3A_116 = arith.constant 6 : i32
      %add3A_117 = vector.broadcast %add3A_116 : i32 to vector<16xi32>
      %add3A_118 = arith.addi %mul3A_3, %add3A_117 : vector<16xi32>
      %gather3A_119 = tpu.vector_load_idx %arg13[%add3A_118] : memref<1536xf32, #tpu.memory_space<vmem>>[vector<16xi32>], vector<16xf32>,
      %add3A_120 = arith.addf %add3A_110, %gather3A_119 : vector<16xf32>
      %add3A_121 = arith.constant 7 : i32
      %add3A_122 = vector.broadcast %add3A_121 : i32 to vector<16xi32>
      %add3A_123 = arith.addi %mul3A_3, %add3A_122 : vector<16xi32>
      %gather3A_124 = tpu.vector_load_idx %arg13[%add3A_123] : memref<1536xf32, #tpu.memory_space<vmem>>[vector<16xi32>], vector<16xf32>,
      %add3A_125 = arith.addf %add3A_115, %gather3A_124 : vector<16xf32>
      %add3A_126 = arith.constant 8 : i32
      %add3A_127 = vector.broadcast %add3A_126 : i32 to vector<16xi32>
      %add3A_128 = arith.addi %mul3A_3, %add3A_127 : vector<16xi32>
      %gather3A_129 = tpu.vector_load_idx %arg13[%add3A_128] : memref<1536xf32, #tpu.memory_space<vmem>>[vector<16xi32>], vector<16xf32>,
      %add3A_130 = arith.addf %add3A_120, %gather3A_129 : vector<16xf32>
      %add3A_131 = arith.constant 9 : i32
      %add3A_132 = vector.broadcast %add3A_131 : i32 to vector<16xi32>
      %add3A_133 = arith.addi %mul3A_3, %add3A_132 : vector<16xi32>
      %gather3A_134 = tpu.vector_load_idx %arg13[%add3A_133] : memref<1536xf32, #tpu.memory_space<vmem>>[vector<16xi32>], vector<16xf32>,
      %add3A_135 = arith.addf %add3A_125, %gather3A_134 : vector<16xf32>
      %add3A_136 = arith.constant 10 : i32
      %add3A_137 = vector.broadcast %add3A_136 : i32 to vector<16xi32>
      %add3A_138 = arith.addi %mul3A_3, %add3A_137 : vector<16xi32>
      %gather3A_139 = tpu.vector_load_idx %arg13[%add3A_138] : memref<1536xf32, #tpu.memory_space<vmem>>[vector<16xi32>], vector<16xf32>,
      %add3A_140 = arith.addf %add3A_130, %gather3A_139 : vector<16xf32>
      %add3A_141 = arith.constant 11 : i32
      %add3A_142 = vector.broadcast %add3A_141 : i32 to vector<16xi32>
      %add3A_143 = arith.addi %mul3A_3, %add3A_142 : vector<16xi32>
      %gather3A_144 = tpu.vector_load_idx %arg13[%add3A_143] : memref<1536xf32, #tpu.memory_space<vmem>>[vector<16xi32>], vector<16xf32>,
      %add3A_145 = arith.addf %add3A_135, %gather3A_144 : vector<16xf32>
      %add3A_146 = arith.constant 12 : i32
      %add3A_147 = vector.broadcast %add3A_146 : i32 to vector<16xi32>
      %add3A_148 = arith.addi %mul3A_3, %add3A_147 : vector<16xi32>
      %gather3A_149 = tpu.vector_load_idx %arg13[%add3A_148] : memref<1536xf32, #tpu.memory_space<vmem>>[vector<16xi32>], vector<16xf32>,
      %add3A_150 = arith.addf %add3A_140, %gather3A_149 : vector<16xf32>
      %add3A_151 = arith.constant 13 : i32
      %add3A_152 = vector.broadcast %add3A_151 : i32 to vector<16xi32>
      %add3A_153 = arith.addi %mul3A_3, %add3A_152 : vector<16xi32>
      %gather3A_154 = tpu.vector_load_idx %arg13[%add3A_153] : memref<1536xf32, #tpu.memory_space<vmem>>[vector<16xi32>], vector<16xf32>,
      %add3A_155 = arith.addf %add3A_145, %gather3A_154 : vector<16xf32>
      %add3A_156 = arith.constant 14 : i32
      %add3A_157 = vector.broadcast %add3A_156 : i32 to vector<16xi32>
      %add3A_158 = arith.addi %mul3A_3, %add3A_157 : vector<16xi32>
      %gather3A_159 = tpu.vector_load_idx %arg13[%add3A_158] : memref<1536xf32, #tpu.memory_space<vmem>>[vector<16xi32>], vector<16xf32>,
      %add3A_160 = arith.addf %add3A_150, %gather3A_159 : vector<16xf32>
      %add3A_161 = arith.constant 15 : i32
      %add3A_162 = vector.broadcast %add3A_161 : i32 to vector<16xi32>
      %add3A_163 = arith.addi %mul3A_3, %add3A_162 : vector<16xi32>
      %gather3A_164 = tpu.vector_load_idx %arg13[%add3A_163] : memref<1536xf32, #tpu.memory_space<vmem>>[vector<16xi32>], vector<16xf32>,
      %add3A_165 = arith.addf %add3A_155, %gather3A_164 : vector<16xf32>
      %add3A_166 = arith.addf %add3A_160, %add3A_165 : vector<16xf32>
      %mul3A_167 = arith.constant 96 : i32
      %mul3A_168 = arith.muli %mul3A_57, %mul3A_167 : i32
      %add3A_169 = arith.constant 0 : i32
      %add3A_170 = arith.addi %mul3A_168, %add3A_169 : i32
      %jit3A = arith.constant 512 : i32
      %div3A = arith.divsi %add3A_170, %jit3A : i32
      %sign3A = arith.constant 0 : i32
      %sign3A_171 = arith.cmpi sgt, %add3A_170, %sign3A : i32
      %sign3A_172 = arith.extui %sign3A_171 : i1 to i32
      %sign3A_173 = arith.constant 0 : i32
      %sign3A_174 = arith.cmpi slt, %add3A_170, %sign3A_173 : i32
      %sign3A_175 = arith.extui %sign3A_174 : i1 to i32
      %sign3A_176 = arith.subi %sign3A_172, %sign3A_175 : i32
      %sign3A_177 = arith.constant 0 : i32
      %sign3A_178 = arith.cmpi sgt, %jit3A, %sign3A_177 : i32
      %sign3A_179 = arith.extui %sign3A_178 : i1 to i32
      %sign3A_180 = arith.constant 0 : i32
      %sign3A_181 = arith.cmpi slt, %jit3A, %sign3A_180 : i32
      %sign3A_182 = arith.extui %sign3A_181 : i1 to i32
      %sign3A_183 = arith.subi %sign3A_179, %sign3A_182 : i32
      %ne3A = arith.cmpi ne, %sign3A_176, %sign3A_183 : i32
      %rem3A = arith.remsi %add3A_170, %jit3A : i32
      %ne3A_184 = arith.constant 0 : i32
      %ne3A_185 = arith.cmpi ne, %rem3A, %ne3A_184 : i32
      %and3A = arith.andi %ne3A, %ne3A_185 : i1
      %sub3A = arith.constant 1 : i32
      %sub3A_186 = arith.subi %div3A, %sub3A : i32
      %select_n3A = arith.select %and3A, %sub3A_186, %div3A : i32
      %mul3A_187 = arith.constant 512 : i32
      %mul3A_188 = arith.muli %select_n3A, %mul3A_187 : i32
      %sub3A_189 = arith.subi %add3A_170, %mul3A_188 : i32
      %swap3A = arith.index_cast %select_n3A : i32 to index
      %swap3A_190 = arith.index_cast %sub3A_189 : i32 to index
      %swap3A_191 = tpu.vector_load %arg14[%swap3A, %swap3A_190] {strides = array<i32>} : memref<21x512xf32, #tpu.memory_space<vmem>>, vector<16xf32>,
      tpu.vector_store %arg14[%swap3A, %swap3A_190], %add3A_166 {strides = array<i32>} : memref<21x512xf32, #tpu.memory_space<vmem>>, vector<16xf32>,
      %add3A_192 = arith.constant 256 : i32
      %add3A_193 = vector.broadcast %add3A_192 : i32 to vector<16xi32>
      %add3A_194 = arith.addi %mul3A_3, %add3A_193 : vector<16xi32>
      %gather3A_195 = tpu.vector_load_idx %arg13[%add3A_194] : memref<1536xf32, #tpu.memory_space<vmem>>[vector<16xi32>], vector<16xf32>,
      %add3A_196 = arith.constant 257 : i32
      %add3A_197 = vector.broadcast %add3A_196 : i32 to vector<16xi32>
      %add3A_198 = arith.addi %mul3A_3, %add3A_197 : vector<16xi32>
      %gather3A_199 = tpu.vector_load_idx %arg13[%add3A_198] : memref<1536xf32, #tpu.memory_space<vmem>>[vector<16xi32>], vector<16xf32>,
      %add3A_200 = arith.constant 258 : i32
      %add3A_201 = vector.broadcast %add3A_200 : i32 to vector<16xi32>
      %add3A_202 = arith.addi %mul3A_3, %add3A_201 : vector<16xi32>
      %gather3A_203 = tpu.vector_load_idx %arg13[%add3A_202] : memref<1536xf32, #tpu.memory_space<vmem>>[vector<16xi32>], vector<16xf32>,
      %add3A_204 = arith.addf %gather3A_195, %gather3A_203 : vector<16xf32>
      %add3A_205 = arith.constant 259 : i32
      %add3A_206 = vector.broadcast %add3A_205 : i32 to vector<16xi32>
      %add3A_207 = arith.addi %mul3A_3, %add3A_206 : vector<16xi32>
      %gather3A_208 = tpu.vector_load_idx %arg13[%add3A_207] : memref<1536xf32, #tpu.memory_space<vmem>>[vector<16xi32>], vector<16xf32>,
      %add3A_209 = arith.addf %gather3A_199, %gather3A_208 : vector<16xf32>
      %add3A_210 = arith.constant 260 : i32
      %add3A_211 = vector.broadcast %add3A_210 : i32 to vector<16xi32>
      %add3A_212 = arith.addi %mul3A_3, %add3A_211 : vector<16xi32>
      %gather3A_213 = tpu.vector_load_idx %arg13[%add3A_212] : memref<1536xf32, #tpu.memory_space<vmem>>[vector<16xi32>], vector<16xf32>,
      %add3A_214 = arith.addf %add3A_204, %gather3A_213 : vector<16xf32>
      %add3A_215 = arith.constant 261 : i32
      %add3A_216 = vector.broadcast %add3A_215 : i32 to vector<16xi32>
      %add3A_217 = arith.addi %mul3A_3, %add3A_216 : vector<16xi32>
      %gather3A_218 = tpu.vector_load_idx %arg13[%add3A_217] : memref<1536xf32, #tpu.memory_space<vmem>>[vector<16xi32>], vector<16xf32>,
      %add3A_219 = arith.addf %add3A_209, %gather3A_218 : vector<16xf32>
      %add3A_220 = arith.constant 262 : i32
      %add3A_221 = vector.broadcast %add3A_220 : i32 to vector<16xi32>
      %add3A_222 = arith.addi %mul3A_3, %add3A_221 : vector<16xi32>
      %gather3A_223 = tpu.vector_load_idx %arg13[%add3A_222] : memref<1536xf32, #tpu.memory_space<vmem>>[vector<16xi32>], vector<16xf32>,
      %add3A_224 = arith.addf %add3A_214, %gather3A_223 : vector<16xf32>
      %add3A_225 = arith.constant 263 : i32
      %add3A_226 = vector.broadcast %add3A_225 : i32 to vector<16xi32>
      %add3A_227 = arith.addi %mul3A_3, %add3A_226 : vector<16xi32>
      %gather3A_228 = tpu.vector_load_idx %arg13[%add3A_227] : memref<1536xf32, #tpu.memory_space<vmem>>[vector<16xi32>], vector<16xf32>,
      %add3A_229 = arith.addf %add3A_219, %gather3A_228 : vector<16xf32>
      %add3A_230 = arith.constant 264 : i32
      %add3A_231 = vector.broadcast %add3A_230 : i32 to vector<16xi32>
      %add3A_232 = arith.addi %mul3A_3, %add3A_231 : vector<16xi32>
      %gather3A_233 = tpu.vector_load_idx %arg13[%add3A_232] : memref<1536xf32, #tpu.memory_space<vmem>>[vector<16xi32>], vector<16xf32>,
      %add3A_234 = arith.addf %add3A_224, %gather3A_233 : vector<16xf32>
      %add3A_235 = arith.constant 265 : i32
      %add3A_236 = vector.broadcast %add3A_235 : i32 to vector<16xi32>
      %add3A_237 = arith.addi %mul3A_3, %add3A_236 : vector<16xi32>
      %gather3A_238 = tpu.vector_load_idx %arg13[%add3A_237] : memref<1536xf32, #tpu.memory_space<vmem>>[vector<16xi32>], vector<16xf32>,
      %add3A_239 = arith.addf %add3A_229, %gather3A_238 : vector<16xf32>
      %add3A_240 = arith.constant 266 : i32
      %add3A_241 = vector.broadcast %add3A_240 : i32 to vector<16xi32>
      %add3A_242 = arith.addi %mul3A_3, %add3A_241 : vector<16xi32>
      %gather3A_243 = tpu.vector_load_idx %arg13[%add3A_242] : memref<1536xf32, #tpu.memory_space<vmem>>[vector<16xi32>], vector<16xf32>,
      %add3A_244 = arith.addf %add3A_234, %gather3A_243 : vector<16xf32>
      %add3A_245 = arith.constant 267 : i32
      %add3A_246 = vector.broadcast %add3A_245 : i32 to vector<16xi32>
      %add3A_247 = arith.addi %mul3A_3, %add3A_246 : vector<16xi32>
      %gather3A_248 = tpu.vector_load_idx %arg13[%add3A_247] : memref<1536xf32, #tpu.memory_space<vmem>>[vector<16xi32>], vector<16xf32>,
      %add3A_249 = arith.addf %add3A_239, %gather3A_248 : vector<16xf32>
      %add3A_250 = arith.constant 268 : i32
      %add3A_251 = vector.broadcast %add3A_250 : i32 to vector<16xi32>
      %add3A_252 = arith.addi %mul3A_3, %add3A_251 : vector<16xi32>
      %gather3A_253 = tpu.vector_load_idx %arg13[%add3A_252] : memref<1536xf32, #tpu.memory_space<vmem>>[vector<16xi32>], vector<16xf32>,
      %add3A_254 = arith.addf %add3A_244, %gather3A_253 : vector<16xf32>
      %add3A_255 = arith.constant 269 : i32
      %add3A_256 = vector.broadcast %add3A_255 : i32 to vector<16xi32>
      %add3A_257 = arith.addi %mul3A_3, %add3A_256 : vector<16xi32>
      %gather3A_258 = tpu.vector_load_idx %arg13[%add3A_257] : memref<1536xf32, #tpu.memory_space<vmem>>[vector<16xi32>], vector<16xf32>,
      %add3A_259 = arith.addf %add3A_249, %gather3A_258 : vector<16xf32>
      %add3A_260 = arith.constant 270 : i32
      %add3A_261 = vector.broadcast %add3A_260 : i32 to vector<16xi32>
      %add3A_262 = arith.addi %mul3A_3, %add3A_261 : vector<16xi32>
      %gather3A_263 = tpu.vector_load_idx %arg13[%add3A_262] : memref<1536xf32, #tpu.memory_space<vmem>>[vector<16xi32>], vector<16xf32>,
      %add3A_264 = arith.addf %add3A_254, %gather3A_263 : vector<16xf32>
      %add3A_265 = arith.constant 271 : i32
      %add3A_266 = vector.broadcast %add3A_265 : i32 to vector<16xi32>
      %add3A_267 = arith.addi %mul3A_3, %add3A_266 : vector<16xi32>
      %gather3A_268 = tpu.vector_load_idx %arg13[%add3A_267] : memref<1536xf32, #tpu.memory_space<vmem>>[vector<16xi32>], vector<16xf32>,
      %add3A_269 = arith.addf %add3A_259, %gather3A_268 : vector<16xf32>
      %add3A_270 = arith.addf %add3A_264, %add3A_269 : vector<16xf32>
      %mul3A_271 = arith.constant 96 : i32
      %mul3A_272 = arith.muli %mul3A_57, %mul3A_271 : i32
      %add3A_273 = arith.constant 16 : i32
      %add3A_274 = arith.addi %mul3A_272, %add3A_273 : i32
      %jit3A_275 = arith.constant 512 : i32
      %div3A_276 = arith.divsi %add3A_274, %jit3A_275 : i32
      %sign3A_277 = arith.constant 0 : i32
      %sign3A_278 = arith.cmpi sgt, %add3A_274, %sign3A_277 : i32
      %sign3A_279 = arith.extui %sign3A_278 : i1 to i32
      %sign3A_280 = arith.constant 0 : i32
      %sign3A_281 = arith.cmpi slt, %add3A_274, %sign3A_280 : i32
      %sign3A_282 = arith.extui %sign3A_281 : i1 to i32
      %sign3A_283 = arith.subi %sign3A_279, %sign3A_282 : i32
      %sign3A_284 = arith.constant 0 : i32
      %sign3A_285 = arith.cmpi sgt, %jit3A_275, %sign3A_284 : i32
      %sign3A_286 = arith.extui %sign3A_285 : i1 to i32
      %sign3A_287 = arith.constant 0 : i32
      %sign3A_288 = arith.cmpi slt, %jit3A_275, %sign3A_287 : i32
      %sign3A_289 = arith.extui %sign3A_288 : i1 to i32
      %sign3A_290 = arith.subi %sign3A_286, %sign3A_289 : i32
      %ne3A_291 = arith.cmpi ne, %sign3A_283, %sign3A_290 : i32
      %rem3A_292 = arith.remsi %add3A_274, %jit3A_275 : i32
      %ne3A_293 = arith.constant 0 : i32
      %ne3A_294 = arith.cmpi ne, %rem3A_292, %ne3A_293 : i32
      %and3A_295 = arith.andi %ne3A_291, %ne3A_294 : i1
      %sub3A_296 = arith.constant 1 : i32
      %sub3A_297 = arith.subi %div3A_276, %sub3A_296 : i32
      %select_n3A_298 = arith.select %and3A_295, %sub3A_297, %div3A_276 : i32
      %mul3A_299 = arith.constant 512 : i32
      %mul3A_300 = arith.muli %select_n3A_298, %mul3A_299 : i32
      %sub3A_301 = arith.subi %add3A_274, %mul3A_300 : i32
      %swap3A_302 = arith.index_cast %select_n3A_298 : i32 to index
      %swap3A_303 = arith.index_cast %sub3A_301 : i32 to index
      %swap3A_304 = tpu.vector_load %arg14[%swap3A_302, %swap3A_303] {strides = array<i32>} : memref<21x512xf32, #tpu.memory_space<vmem>>, vector<16xf32>,
      tpu.vector_store %arg14[%swap3A_302, %swap3A_303], %add3A_270 {strides = array<i32>} : memref<21x512xf32, #tpu.memory_space<vmem>>, vector<16xf32>,
      %add3A_305 = arith.constant 512 : i32
      %add3A_306 = vector.broadcast %add3A_305 : i32 to vector<16xi32>
      %add3A_307 = arith.addi %mul3A_3, %add3A_306 : vector<16xi32>
      %gather3A_308 = tpu.vector_load_idx %arg13[%add3A_307] : memref<1536xf32, #tpu.memory_space<vmem>>[vector<16xi32>], vector<16xf32>,
      %add3A_309 = arith.constant 513 : i32
      %add3A_310 = vector.broadcast %add3A_309 : i32 to vector<16xi32>
      %add3A_311 = arith.addi %mul3A_3, %add3A_310 : vector<16xi32>
      %gather3A_312 = tpu.vector_load_idx %arg13[%add3A_311] : memref<1536xf32, #tpu.memory_space<vmem>>[vector<16xi32>], vector<16xf32>,
      %add3A_313 = arith.constant 514 : i32
      %add3A_314 = vector.broadcast %add3A_313 : i32 to vector<16xi32>
      %add3A_315 = arith.addi %mul3A_3, %add3A_314 : vector<16xi32>
      %gather3A_316 = tpu.vector_load_idx %arg13[%add3A_315] : memref<1536xf32, #tpu.memory_space<vmem>>[vector<16xi32>], vector<16xf32>,
      %add3A_317 = arith.addf %gather3A_308, %gather3A_316 : vector<16xf32>
      %add3A_318 = arith.constant 515 : i32
      %add3A_319 = vector.broadcast %add3A_318 : i32 to vector<16xi32>
      %add3A_320 = arith.addi %mul3A_3, %add3A_319 : vector<16xi32>
      %gather3A_321 = tpu.vector_load_idx %arg13[%add3A_320] : memref<1536xf32, #tpu.memory_space<vmem>>[vector<16xi32>], vector<16xf32>,
      %add3A_322 = arith.addf %gather3A_312, %gather3A_321 : vector<16xf32>
      %add3A_323 = arith.constant 516 : i32
      %add3A_324 = vector.broadcast %add3A_323 : i32 to vector<16xi32>
      %add3A_325 = arith.addi %mul3A_3, %add3A_324 : vector<16xi32>
      %gather3A_326 = tpu.vector_load_idx %arg13[%add3A_325] : memref<1536xf32, #tpu.memory_space<vmem>>[vector<16xi32>], vector<16xf32>,
      %add3A_327 = arith.addf %add3A_317, %gather3A_326 : vector<16xf32>
      %add3A_328 = arith.constant 517 : i32
      %add3A_329 = vector.broadcast %add3A_328 : i32 to vector<16xi32>
      %add3A_330 = arith.addi %mul3A_3, %add3A_329 : vector<16xi32>
      %gather3A_331 = tpu.vector_load_idx %arg13[%add3A_330] : memref<1536xf32, #tpu.memory_space<vmem>>[vector<16xi32>], vector<16xf32>,
      %add3A_332 = arith.addf %add3A_322, %gather3A_331 : vector<16xf32>
      %add3A_333 = arith.constant 518 : i32
      %add3A_334 = vector.broadcast %add3A_333 : i32 to vector<16xi32>
      %add3A_335 = arith.addi %mul3A_3, %add3A_334 : vector<16xi32>
      %gather3A_336 = tpu.vector_load_idx %arg13[%add3A_335] : memref<1536xf32, #tpu.memory_space<vmem>>[vector<16xi32>], vector<16xf32>,
      %add3A_337 = arith.addf %add3A_327, %gather3A_336 : vector<16xf32>
      %add3A_338 = arith.constant 519 : i32
      %add3A_339 = vector.broadcast %add3A_338 : i32 to vector<16xi32>
      %add3A_340 = arith.addi %mul3A_3, %add3A_339 : vector<16xi32>
      %gather3A_341 = tpu.vector_load_idx %arg13[%add3A_340] : memref<1536xf32, #tpu.memory_space<vmem>>[vector<16xi32>], vector<16xf32>,
      %add3A_342 = arith.addf %add3A_332, %gather3A_341 : vector<16xf32>
      %add3A_343 = arith.constant 520 : i32
      %add3A_344 = vector.broadcast %add3A_343 : i32 to vector<16xi32>
      %add3A_345 = arith.addi %mul3A_3, %add3A_344 : vector<16xi32>
      %gather3A_346 = tpu.vector_load_idx %arg13[%add3A_345] : memref<1536xf32, #tpu.memory_space<vmem>>[vector<16xi32>], vector<16xf32>,
      %add3A_347 = arith.addf %add3A_337, %gather3A_346 : vector<16xf32>
      %add3A_348 = arith.constant 521 : i32
      %add3A_349 = vector.broadcast %add3A_348 : i32 to vector<16xi32>
      %add3A_350 = arith.addi %mul3A_3, %add3A_349 : vector<16xi32>
      %gather3A_351 = tpu.vector_load_idx %arg13[%add3A_350] : memref<1536xf32, #tpu.memory_space<vmem>>[vector<16xi32>], vector<16xf32>,
      %add3A_352 = arith.addf %add3A_342, %gather3A_351 : vector<16xf32>
      %add3A_353 = arith.constant 522 : i32
      %add3A_354 = vector.broadcast %add3A_353 : i32 to vector<16xi32>
      %add3A_355 = arith.addi %mul3A_3, %add3A_354 : vector<16xi32>
      %gather3A_356 = tpu.vector_load_idx %arg13[%add3A_355] : memref<1536xf32, #tpu.memory_space<vmem>>[vector<16xi32>], vector<16xf32>,
      %add3A_357 = arith.addf %add3A_347, %gather3A_356 : vector<16xf32>
      %add3A_358 = arith.constant 523 : i32
      %add3A_359 = vector.broadcast %add3A_358 : i32 to vector<16xi32>
      %add3A_360 = arith.addi %mul3A_3, %add3A_359 : vector<16xi32>
      %gather3A_361 = tpu.vector_load_idx %arg13[%add3A_360] : memref<1536xf32, #tpu.memory_space<vmem>>[vector<16xi32>], vector<16xf32>,
      %add3A_362 = arith.addf %add3A_352, %gather3A_361 : vector<16xf32>
      %add3A_363 = arith.constant 524 : i32
      %add3A_364 = vector.broadcast %add3A_363 : i32 to vector<16xi32>
      %add3A_365 = arith.addi %mul3A_3, %add3A_364 : vector<16xi32>
      %gather3A_366 = tpu.vector_load_idx %arg13[%add3A_365] : memref<1536xf32, #tpu.memory_space<vmem>>[vector<16xi32>], vector<16xf32>,
      %add3A_367 = arith.addf %add3A_357, %gather3A_366 : vector<16xf32>
      %add3A_368 = arith.constant 525 : i32
      %add3A_369 = vector.broadcast %add3A_368 : i32 to vector<16xi32>
      %add3A_370 = arith.addi %mul3A_3, %add3A_369 : vector<16xi32>
      %gather3A_371 = tpu.vector_load_idx %arg13[%add3A_370] : memref<1536xf32, #tpu.memory_space<vmem>>[vector<16xi32>], vector<16xf32>,
      %add3A_372 = arith.addf %add3A_362, %gather3A_371 : vector<16xf32>
      %add3A_373 = arith.constant 526 : i32
      %add3A_374 = vector.broadcast %add3A_373 : i32 to vector<16xi32>
      %add3A_375 = arith.addi %mul3A_3, %add3A_374 : vector<16xi32>
      %gather3A_376 = tpu.vector_load_idx %arg13[%add3A_375] : memref<1536xf32, #tpu.memory_space<vmem>>[vector<16xi32>], vector<16xf32>,
      %add3A_377 = arith.addf %add3A_367, %gather3A_376 : vector<16xf32>
      %add3A_378 = arith.constant 527 : i32
      %add3A_379 = vector.broadcast %add3A_378 : i32 to vector<16xi32>
      %add3A_380 = arith.addi %mul3A_3, %add3A_379 : vector<16xi32>
      %gather3A_381 = tpu.vector_load_idx %arg13[%add3A_380] : memref<1536xf32, #tpu.memory_space<vmem>>[vector<16xi32>], vector<16xf32>,
      %add3A_382 = arith.addf %add3A_372, %gather3A_381 : vector<16xf32>
      %add3A_383 = arith.addf %add3A_377, %add3A_382 : vector<16xf32>
      %mul3A_384 = arith.constant 96 : i32
      %mul3A_385 = arith.muli %mul3A_57, %mul3A_384 : i32
      %add3A_386 = arith.constant 32 : i32
      %add3A_387 = arith.addi %mul3A_385, %add3A_386 : i32
      %jit3A_388 = arith.constant 512 : i32
      %div3A_389 = arith.divsi %add3A_387, %jit3A_388 : i32
      %sign3A_390 = arith.constant 0 : i32
      %sign3A_391 = arith.cmpi sgt, %add3A_387, %sign3A_390 : i32
      %sign3A_392 = arith.extui %sign3A_391 : i1 to i32
      %sign3A_393 = arith.constant 0 : i32
      %sign3A_394 = arith.cmpi slt, %add3A_387, %sign3A_393 : i32
      %sign3A_395 = arith.extui %sign3A_394 : i1 to i32
      %sign3A_396 = arith.subi %sign3A_392, %sign3A_395 : i32
      %sign3A_397 = arith.constant 0 : i32
      %sign3A_398 = arith.cmpi sgt, %jit3A_388, %sign3A_397 : i32
      %sign3A_399 = arith.extui %sign3A_398 : i1 to i32
      %sign3A_400 = arith.constant 0 : i32
      %sign3A_401 = arith.cmpi slt, %jit3A_388, %sign3A_400 : i32
      %sign3A_402 = arith.extui %sign3A_401 : i1 to i32
      %sign3A_403 = arith.subi %sign3A_399, %sign3A_402 : i32
      %ne3A_404 = arith.cmpi ne, %sign3A_396, %sign3A_403 : i32
      %rem3A_405 = arith.remsi %add3A_387, %jit3A_388 : i32
      %ne3A_406 = arith.constant 0 : i32
      %ne3A_407 = arith.cmpi ne, %rem3A_405, %ne3A_406 : i32
      %and3A_408 = arith.andi %ne3A_404, %ne3A_407 : i1
      %sub3A_409 = arith.constant 1 : i32
      %sub3A_410 = arith.subi %div3A_389, %sub3A_409 : i32
      %select_n3A_411 = arith.select %and3A_408, %sub3A_410, %div3A_389 : i32
      %mul3A_412 = arith.constant 512 : i32
      %mul3A_413 = arith.muli %select_n3A_411, %mul3A_412 : i32
      %sub3A_414 = arith.subi %add3A_387, %mul3A_413 : i32
      %swap3A_415 = arith.index_cast %select_n3A_411 : i32 to index
      %swap3A_416 = arith.index_cast %sub3A_414 : i32 to index
      %swap3A_417 = tpu.vector_load %arg14[%swap3A_415, %swap3A_416] {strides = array<i32>} : memref<21x512xf32, #tpu.memory_space<vmem>>, vector<16xf32>,
      tpu.vector_store %arg14[%swap3A_415, %swap3A_416], %add3A_383 {strides = array<i32>} : memref<21x512xf32, #tpu.memory_space<vmem>>, vector<16xf32>,
      %add3A_418 = arith.constant 768 : i32
      %add3A_419 = vector.broadcast %add3A_418 : i32 to vector<16xi32>
      %add3A_420 = arith.addi %mul3A_3, %add3A_419 : vector<16xi32>
      %gather3A_421 = tpu.vector_load_idx %arg13[%add3A_420] : memref<1536xf32, #tpu.memory_space<vmem>>[vector<16xi32>], vector<16xf32>,
      %add3A_422 = arith.constant 769 : i32
      %add3A_423 = vector.broadcast %add3A_422 : i32 to vector<16xi32>
      %add3A_424 = arith.addi %mul3A_3, %add3A_423 : vector<16xi32>
      %gather3A_425 = tpu.vector_load_idx %arg13[%add3A_424] : memref<1536xf32, #tpu.memory_space<vmem>>[vector<16xi32>], vector<16xf32>,
      %add3A_426 = arith.constant 770 : i32
      %add3A_427 = vector.broadcast %add3A_426 : i32 to vector<16xi32>
      %add3A_428 = arith.addi %mul3A_3, %add3A_427 : vector<16xi32>
      %gather3A_429 = tpu.vector_load_idx %arg13[%add3A_428] : memref<1536xf32, #tpu.memory_space<vmem>>[vector<16xi32>], vector<16xf32>,
      %add3A_430 = arith.addf %gather3A_421, %gather3A_429 : vector<16xf32>
      %add3A_431 = arith.constant 771 : i32
      %add3A_432 = vector.broadcast %add3A_431 : i32 to vector<16xi32>
      %add3A_433 = arith.addi %mul3A_3, %add3A_432 : vector<16xi32>
      %gather3A_434 = tpu.vector_load_idx %arg13[%add3A_433] : memref<1536xf32, #tpu.memory_space<vmem>>[vector<16xi32>], vector<16xf32>,
      %add3A_435 = arith.addf %gather3A_425, %gather3A_434 : vector<16xf32>
      %add3A_436 = arith.constant 772 : i32
      %add3A_437 = vector.broadcast %add3A_436 : i32 to vector<16xi32>
      %add3A_438 = arith.addi %mul3A_3, %add3A_437 : vector<16xi32>
      %gather3A_439 = tpu.vector_load_idx %arg13[%add3A_438] : memref<1536xf32, #tpu.memory_space<vmem>>[vector<16xi32>], vector<16xf32>,
      %add3A_440 = arith.addf %add3A_430, %gather3A_439 : vector<16xf32>
      %add3A_441 = arith.constant 773 : i32
      %add3A_442 = vector.broadcast %add3A_441 : i32 to vector<16xi32>
      %add3A_443 = arith.addi %mul3A_3, %add3A_442 : vector<16xi32>
      %gather3A_444 = tpu.vector_load_idx %arg13[%add3A_443] : memref<1536xf32, #tpu.memory_space<vmem>>[vector<16xi32>], vector<16xf32>,
      %add3A_445 = arith.addf %add3A_435, %gather3A_444 : vector<16xf32>
      %add3A_446 = arith.constant 774 : i32
      %add3A_447 = vector.broadcast %add3A_446 : i32 to vector<16xi32>
      %add3A_448 = arith.addi %mul3A_3, %add3A_447 : vector<16xi32>
      %gather3A_449 = tpu.vector_load_idx %arg13[%add3A_448] : memref<1536xf32, #tpu.memory_space<vmem>>[vector<16xi32>], vector<16xf32>,
      %add3A_450 = arith.addf %add3A_440, %gather3A_449 : vector<16xf32>
      %add3A_451 = arith.constant 775 : i32
      %add3A_452 = vector.broadcast %add3A_451 : i32 to vector<16xi32>
      %add3A_453 = arith.addi %mul3A_3, %add3A_452 : vector<16xi32>
      %gather3A_454 = tpu.vector_load_idx %arg13[%add3A_453] : memref<1536xf32, #tpu.memory_space<vmem>>[vector<16xi32>], vector<16xf32>,
      %add3A_455 = arith.addf %add3A_445, %gather3A_454 : vector<16xf32>
      %add3A_456 = arith.constant 776 : i32
      %add3A_457 = vector.broadcast %add3A_456 : i32 to vector<16xi32>
      %add3A_458 = arith.addi %mul3A_3, %add3A_457 : vector<16xi32>
      %gather3A_459 = tpu.vector_load_idx %arg13[%add3A_458] : memref<1536xf32, #tpu.memory_space<vmem>>[vector<16xi32>], vector<16xf32>,
      %add3A_460 = arith.addf %add3A_450, %gather3A_459 : vector<16xf32>
      %add3A_461 = arith.constant 777 : i32
      %add3A_462 = vector.broadcast %add3A_461 : i32 to vector<16xi32>
      %add3A_463 = arith.addi %mul3A_3, %add3A_462 : vector<16xi32>
      %gather3A_464 = tpu.vector_load_idx %arg13[%add3A_463] : memref<1536xf32, #tpu.memory_space<vmem>>[vector<16xi32>], vector<16xf32>,
      %add3A_465 = arith.addf %add3A_455, %gather3A_464 : vector<16xf32>
      %add3A_466 = arith.constant 778 : i32
      %add3A_467 = vector.broadcast %add3A_466 : i32 to vector<16xi32>
      %add3A_468 = arith.addi %mul3A_3, %add3A_467 : vector<16xi32>
      %gather3A_469 = tpu.vector_load_idx %arg13[%add3A_468] : memref<1536xf32, #tpu.memory_space<vmem>>[vector<16xi32>], vector<16xf32>,
      %add3A_470 = arith.addf %add3A_460, %gather3A_469 : vector<16xf32>
      %add3A_471 = arith.constant 779 : i32
      %add3A_472 = vector.broadcast %add3A_471 : i32 to vector<16xi32>
      %add3A_473 = arith.addi %mul3A_3, %add3A_472 : vector<16xi32>
      %gather3A_474 = tpu.vector_load_idx %arg13[%add3A_473] : memref<1536xf32, #tpu.memory_space<vmem>>[vector<16xi32>], vector<16xf32>,
      %add3A_475 = arith.addf %add3A_465, %gather3A_474 : vector<16xf32>
      %add3A_476 = arith.constant 780 : i32
      %add3A_477 = vector.broadcast %add3A_476 : i32 to vector<16xi32>
      %add3A_478 = arith.addi %mul3A_3, %add3A_477 : vector<16xi32>
      %gather3A_479 = tpu.vector_load_idx %arg13[%add3A_478] : memref<1536xf32, #tpu.memory_space<vmem>>[vector<16xi32>], vector<16xf32>,
      %add3A_480 = arith.addf %add3A_470, %gather3A_479 : vector<16xf32>
      %add3A_481 = arith.constant 781 : i32
      %add3A_482 = vector.broadcast %add3A_481 : i32 to vector<16xi32>
      %add3A_483 = arith.addi %mul3A_3, %add3A_482 : vector<16xi32>
      %gather3A_484 = tpu.vector_load_idx %arg13[%add3A_483] : memref<1536xf32, #tpu.memory_space<vmem>>[vector<16xi32>], vector<16xf32>,
      %add3A_485 = arith.addf %add3A_475, %gather3A_484 : vector<16xf32>
      %add3A_486 = arith.constant 782 : i32
      %add3A_487 = vector.broadcast %add3A_486 : i32 to vector<16xi32>
      %add3A_488 = arith.addi %mul3A_3, %add3A_487 : vector<16xi32>
      %gather3A_489 = tpu.vector_load_idx %arg13[%add3A_488] : memref<1536xf32, #tpu.memory_space<vmem>>[vector<16xi32>], vector<16xf32>,
      %add3A_490 = arith.addf %add3A_480, %gather3A_489 : vector<16xf32>
      %add3A_491 = arith.constant 783 : i32
      %add3A_492 = vector.broadcast %add3A_491 : i32 to vector<16xi32>
      %add3A_493 = arith.addi %mul3A_3, %add3A_492 : vector<16xi32>
      %gather3A_494 = tpu.vector_load_idx %arg13[%add3A_493] : memref<1536xf32, #tpu.memory_space<vmem>>[vector<16xi32>], vector<16xf32>,
      %add3A_495 = arith.addf %add3A_485, %gather3A_494 : vector<16xf32>
      %add3A_496 = arith.addf %add3A_490, %add3A_495 : vector<16xf32>
      %mul3A_497 = arith.constant 96 : i32
      %mul3A_498 = arith.muli %mul3A_57, %mul3A_497 : i32
      %add3A_499 = arith.constant 48 : i32
      %add3A_500 = arith.addi %mul3A_498, %add3A_499 : i32
      %jit3A_501 = arith.constant 512 : i32
      %div3A_502 = arith.divsi %add3A_500, %jit3A_501 : i32
      %sign3A_503 = arith.constant 0 : i32
      %sign3A_504 = arith.cmpi sgt, %add3A_500, %sign3A_503 : i32
      %sign3A_505 = arith.extui %sign3A_504 : i1 to i32
      %sign3A_506 = arith.constant 0 : i32
      %sign3A_507 = arith.cmpi slt, %add3A_500, %sign3A_506 : i32
      %sign3A_508 = arith.extui %sign3A_507 : i1 to i32
      %sign3A_509 = arith.subi %sign3A_505, %sign3A_508 : i32
      %sign3A_510 = arith.constant 0 : i32
      %sign3A_511 = arith.cmpi sgt, %jit3A_501, %sign3A_510 : i32
      %sign3A_512 = arith.extui %sign3A_511 : i1 to i32
      %sign3A_513 = arith.constant 0 : i32
      %sign3A_514 = arith.cmpi slt, %jit3A_501, %sign3A_513 : i32
      %sign3A_515 = arith.extui %sign3A_514 : i1 to i32
      %sign3A_516 = arith.subi %sign3A_512, %sign3A_515 : i32
      %ne3A_517 = arith.cmpi ne, %sign3A_509, %sign3A_516 : i32
      %rem3A_518 = arith.remsi %add3A_500, %jit3A_501 : i32
      %ne3A_519 = arith.constant 0 : i32
      %ne3A_520 = arith.cmpi ne, %rem3A_518, %ne3A_519 : i32
      %and3A_521 = arith.andi %ne3A_517, %ne3A_520 : i1
      %sub3A_522 = arith.constant 1 : i32
      %sub3A_523 = arith.subi %div3A_502, %sub3A_522 : i32
      %select_n3A_524 = arith.select %and3A_521, %sub3A_523, %div3A_502 : i32
      %mul3A_525 = arith.constant 512 : i32
      %mul3A_526 = arith.muli %select_n3A_524, %mul3A_525 : i32
      %sub3A_527 = arith.subi %add3A_500, %mul3A_526 : i32
      %swap3A_528 = arith.index_cast %select_n3A_524 : i32 to index
      %swap3A_529 = arith.index_cast %sub3A_527 : i32 to index
      %swap3A_530 = tpu.vector_load %arg14[%swap3A_528, %swap3A_529] {strides = array<i32>} : memref<21x512xf32, #tpu.memory_space<vmem>>, vector<16xf32>,
      tpu.vector_store %arg14[%swap3A_528, %swap3A_529], %add3A_496 {strides = array<i32>} : memref<21x512xf32, #tpu.memory_space<vmem>>, vector<16xf32>,
      %add3A_531 = arith.constant 1024 : i32
      %add3A_532 = vector.broadcast %add3A_531 : i32 to vector<16xi32>
      %add3A_533 = arith.addi %mul3A_3, %add3A_532 : vector<16xi32>
      %gather3A_534 = tpu.vector_load_idx %arg13[%add3A_533] : memref<1536xf32, #tpu.memory_space<vmem>>[vector<16xi32>], vector<16xf32>,
      %add3A_535 = arith.constant 1025 : i32
      %add3A_536 = vector.broadcast %add3A_535 : i32 to vector<16xi32>
      %add3A_537 = arith.addi %mul3A_3, %add3A_536 : vector<16xi32>
      %gather3A_538 = tpu.vector_load_idx %arg13[%add3A_537] : memref<1536xf32, #tpu.memory_space<vmem>>[vector<16xi32>], vector<16xf32>,
      %add3A_539 = arith.constant 1026 : i32
      %add3A_540 = vector.broadcast %add3A_539 : i32 to vector<16xi32>
      %add3A_541 = arith.addi %mul3A_3, %add3A_540 : vector<16xi32>
      %gather3A_542 = tpu.vector_load_idx %arg13[%add3A_541] : memref<1536xf32, #tpu.memory_space<vmem>>[vector<16xi32>], vector<16xf32>,
      %add3A_543 = arith.addf %gather3A_534, %gather3A_542 : vector<16xf32>
      %add3A_544 = arith.constant 1027 : i32
      %add3A_545 = vector.broadcast %add3A_544 : i32 to vector<16xi32>
      %add3A_546 = arith.addi %mul3A_3, %add3A_545 : vector<16xi32>
      %gather3A_547 = tpu.vector_load_idx %arg13[%add3A_546] : memref<1536xf32, #tpu.memory_space<vmem>>[vector<16xi32>], vector<16xf32>,
      %add3A_548 = arith.addf %gather3A_538, %gather3A_547 : vector<16xf32>
      %add3A_549 = arith.constant 1028 : i32
      %add3A_550 = vector.broadcast %add3A_549 : i32 to vector<16xi32>
      %add3A_551 = arith.addi %mul3A_3, %add3A_550 : vector<16xi32>
      %gather3A_552 = tpu.vector_load_idx %arg13[%add3A_551] : memref<1536xf32, #tpu.memory_space<vmem>>[vector<16xi32>], vector<16xf32>,
      %add3A_553 = arith.addf %add3A_543, %gather3A_552 : vector<16xf32>
      %add3A_554 = arith.constant 1029 : i32
      %add3A_555 = vector.broadcast %add3A_554 : i32 to vector<16xi32>
      %add3A_556 = arith.addi %mul3A_3, %add3A_555 : vector<16xi32>
      %gather3A_557 = tpu.vector_load_idx %arg13[%add3A_556] : memref<1536xf32, #tpu.memory_space<vmem>>[vector<16xi32>], vector<16xf32>,
      %add3A_558 = arith.addf %add3A_548, %gather3A_557 : vector<16xf32>
      %add3A_559 = arith.constant 1030 : i32
      %add3A_560 = vector.broadcast %add3A_559 : i32 to vector<16xi32>
      %add3A_561 = arith.addi %mul3A_3, %add3A_560 : vector<16xi32>
      %gather3A_562 = tpu.vector_load_idx %arg13[%add3A_561] : memref<1536xf32, #tpu.memory_space<vmem>>[vector<16xi32>], vector<16xf32>,
      %add3A_563 = arith.addf %add3A_553, %gather3A_562 : vector<16xf32>
      %add3A_564 = arith.constant 1031 : i32
      %add3A_565 = vector.broadcast %add3A_564 : i32 to vector<16xi32>
      %add3A_566 = arith.addi %mul3A_3, %add3A_565 : vector<16xi32>
      %gather3A_567 = tpu.vector_load_idx %arg13[%add3A_566] : memref<1536xf32, #tpu.memory_space<vmem>>[vector<16xi32>], vector<16xf32>,
      %add3A_568 = arith.addf %add3A_558, %gather3A_567 : vector<16xf32>
      %add3A_569 = arith.constant 1032 : i32
      %add3A_570 = vector.broadcast %add3A_569 : i32 to vector<16xi32>
      %add3A_571 = arith.addi %mul3A_3, %add3A_570 : vector<16xi32>
      %gather3A_572 = tpu.vector_load_idx %arg13[%add3A_571] : memref<1536xf32, #tpu.memory_space<vmem>>[vector<16xi32>], vector<16xf32>,
      %add3A_573 = arith.addf %add3A_563, %gather3A_572 : vector<16xf32>
      %add3A_574 = arith.constant 1033 : i32
      %add3A_575 = vector.broadcast %add3A_574 : i32 to vector<16xi32>
      %add3A_576 = arith.addi %mul3A_3, %add3A_575 : vector<16xi32>
      %gather3A_577 = tpu.vector_load_idx %arg13[%add3A_576] : memref<1536xf32, #tpu.memory_space<vmem>>[vector<16xi32>], vector<16xf32>,
      %add3A_578 = arith.addf %add3A_568, %gather3A_577 : vector<16xf32>
      %add3A_579 = arith.constant 1034 : i32
      %add3A_580 = vector.broadcast %add3A_579 : i32 to vector<16xi32>
      %add3A_581 = arith.addi %mul3A_3, %add3A_580 : vector<16xi32>
      %gather3A_582 = tpu.vector_load_idx %arg13[%add3A_581] : memref<1536xf32, #tpu.memory_space<vmem>>[vector<16xi32>], vector<16xf32>,
      %add3A_583 = arith.addf %add3A_573, %gather3A_582 : vector<16xf32>
      %add3A_584 = arith.constant 1035 : i32
      %add3A_585 = vector.broadcast %add3A_584 : i32 to vector<16xi32>
      %add3A_586 = arith.addi %mul3A_3, %add3A_585 : vector<16xi32>
      %gather3A_587 = tpu.vector_load_idx %arg13[%add3A_586] : memref<1536xf32, #tpu.memory_space<vmem>>[vector<16xi32>], vector<16xf32>,
      %add3A_588 = arith.addf %add3A_578, %gather3A_587 : vector<16xf32>
      %add3A_589 = arith.constant 1036 : i32
      %add3A_590 = vector.broadcast %add3A_589 : i32 to vector<16xi32>
      %add3A_591 = arith.addi %mul3A_3, %add3A_590 : vector<16xi32>
      %gather3A_592 = tpu.vector_load_idx %arg13[%add3A_591] : memref<1536xf32, #tpu.memory_space<vmem>>[vector<16xi32>], vector<16xf32>,
      %add3A_593 = arith.addf %add3A_583, %gather3A_592 : vector<16xf32>
      %add3A_594 = arith.constant 1037 : i32
      %add3A_595 = vector.broadcast %add3A_594 : i32 to vector<16xi32>
      %add3A_596 = arith.addi %mul3A_3, %add3A_595 : vector<16xi32>
      %gather3A_597 = tpu.vector_load_idx %arg13[%add3A_596] : memref<1536xf32, #tpu.memory_space<vmem>>[vector<16xi32>], vector<16xf32>,
      %add3A_598 = arith.addf %add3A_588, %gather3A_597 : vector<16xf32>
      %add3A_599 = arith.constant 1038 : i32
      %add3A_600 = vector.broadcast %add3A_599 : i32 to vector<16xi32>
      %add3A_601 = arith.addi %mul3A_3, %add3A_600 : vector<16xi32>
      %gather3A_602 = tpu.vector_load_idx %arg13[%add3A_601] : memref<1536xf32, #tpu.memory_space<vmem>>[vector<16xi32>], vector<16xf32>,
      %add3A_603 = arith.addf %add3A_593, %gather3A_602 : vector<16xf32>
      %add3A_604 = arith.constant 1039 : i32
      %add3A_605 = vector.broadcast %add3A_604 : i32 to vector<16xi32>
      %add3A_606 = arith.addi %mul3A_3, %add3A_605 : vector<16xi32>
      %gather3A_607 = tpu.vector_load_idx %arg13[%add3A_606] : memref<1536xf32, #tpu.memory_space<vmem>>[vector<16xi32>], vector<16xf32>,
      %add3A_608 = arith.addf %add3A_598, %gather3A_607 : vector<16xf32>
      %add3A_609 = arith.addf %add3A_603, %add3A_608 : vector<16xf32>
      %mul3A_610 = arith.constant 96 : i32
      %mul3A_611 = arith.muli %mul3A_57, %mul3A_610 : i32
      %add3A_612 = arith.constant 64 : i32
      %add3A_613 = arith.addi %mul3A_611, %add3A_612 : i32
      %jit3A_614 = arith.constant 512 : i32
      %div3A_615 = arith.divsi %add3A_613, %jit3A_614 : i32
      %sign3A_616 = arith.constant 0 : i32
      %sign3A_617 = arith.cmpi sgt, %add3A_613, %sign3A_616 : i32
      %sign3A_618 = arith.extui %sign3A_617 : i1 to i32
      %sign3A_619 = arith.constant 0 : i32
      %sign3A_620 = arith.cmpi slt, %add3A_613, %sign3A_619 : i32
      %sign3A_621 = arith.extui %sign3A_620 : i1 to i32
      %sign3A_622 = arith.subi %sign3A_618, %sign3A_621 : i32
      %sign3A_623 = arith.constant 0 : i32
      %sign3A_624 = arith.cmpi sgt, %jit3A_614, %sign3A_623 : i32
      %sign3A_625 = arith.extui %sign3A_624 : i1 to i32
      %sign3A_626 = arith.constant 0 : i32
      %sign3A_627 = arith.cmpi slt, %jit3A_614, %sign3A_626 : i32
      %sign3A_628 = arith.extui %sign3A_627 : i1 to i32
      %sign3A_629 = arith.subi %sign3A_625, %sign3A_628 : i32
      %ne3A_630 = arith.cmpi ne, %sign3A_622, %sign3A_629 : i32
      %rem3A_631 = arith.remsi %add3A_613, %jit3A_614 : i32
      %ne3A_632 = arith.constant 0 : i32
      %ne3A_633 = arith.cmpi ne, %rem3A_631, %ne3A_632 : i32
      %and3A_634 = arith.andi %ne3A_630, %ne3A_633 : i1
      %sub3A_635 = arith.constant 1 : i32
      %sub3A_636 = arith.subi %div3A_615, %sub3A_635 : i32
      %select_n3A_637 = arith.select %and3A_634, %sub3A_636, %div3A_615 : i32
      %mul3A_638 = arith.constant 512 : i32
      %mul3A_639 = arith.muli %select_n3A_637, %mul3A_638 : i32
      %sub3A_640 = arith.subi %add3A_613, %mul3A_639 : i32
      %swap3A_641 = arith.index_cast %select_n3A_637 : i32 to index
      %swap3A_642 = arith.index_cast %sub3A_640 : i32 to index
      %swap3A_643 = tpu.vector_load %arg14[%swap3A_641, %swap3A_642] {strides = array<i32>} : memref<21x512xf32, #tpu.memory_space<vmem>>, vector<16xf32>,
      tpu.vector_store %arg14[%swap3A_641, %swap3A_642], %add3A_609 {strides = array<i32>} : memref<21x512xf32, #tpu.memory_space<vmem>>, vector<16xf32>,
      %add3A_644 = arith.constant 1280 : i32
      %add3A_645 = vector.broadcast %add3A_644 : i32 to vector<16xi32>
      %add3A_646 = arith.addi %mul3A_3, %add3A_645 : vector<16xi32>
      %gather3A_647 = tpu.vector_load_idx %arg13[%add3A_646] : memref<1536xf32, #tpu.memory_space<vmem>>[vector<16xi32>], vector<16xf32>,
      %add3A_648 = arith.constant 1281 : i32
      %add3A_649 = vector.broadcast %add3A_648 : i32 to vector<16xi32>
      %add3A_650 = arith.addi %mul3A_3, %add3A_649 : vector<16xi32>
      %gather3A_651 = tpu.vector_load_idx %arg13[%add3A_650] : memref<1536xf32, #tpu.memory_space<vmem>>[vector<16xi32>], vector<16xf32>,
      %add3A_652 = arith.constant 1282 : i32
      %add3A_653 = vector.broadcast %add3A_652 : i32 to vector<16xi32>
      %add3A_654 = arith.addi %mul3A_3, %add3A_653 : vector<16xi32>
      %gather3A_655 = tpu.vector_load_idx %arg13[%add3A_654] : memref<1536xf32, #tpu.memory_space<vmem>>[vector<16xi32>], vector<16xf32>,
      %add3A_656 = arith.addf %gather3A_647, %gather3A_655 : vector<16xf32>
      %add3A_657 = arith.constant 1283 : i32
      %add3A_658 = vector.broadcast %add3A_657 : i32 to vector<16xi32>
      %add3A_659 = arith.addi %mul3A_3, %add3A_658 : vector<16xi32>
      %gather3A_660 = tpu.vector_load_idx %arg13[%add3A_659] : memref<1536xf32, #tpu.memory_space<vmem>>[vector<16xi32>], vector<16xf32>,
      %add3A_661 = arith.addf %gather3A_651, %gather3A_660 : vector<16xf32>
      %add3A_662 = arith.constant 1284 : i32
      %add3A_663 = vector.broadcast %add3A_662 : i32 to vector<16xi32>
      %add3A_664 = arith.addi %mul3A_3, %add3A_663 : vector<16xi32>
      %gather3A_665 = tpu.vector_load_idx %arg13[%add3A_664] : memref<1536xf32, #tpu.memory_space<vmem>>[vector<16xi32>], vector<16xf32>,
      %add3A_666 = arith.addf %add3A_656, %gather3A_665 : vector<16xf32>
      %add3A_667 = arith.constant 1285 : i32
      %add3A_668 = vector.broadcast %add3A_667 : i32 to vector<16xi32>
      %add3A_669 = arith.addi %mul3A_3, %add3A_668 : vector<16xi32>
      %gather3A_670 = tpu.vector_load_idx %arg13[%add3A_669] : memref<1536xf32, #tpu.memory_space<vmem>>[vector<16xi32>], vector<16xf32>,
      %add3A_671 = arith.addf %add3A_661, %gather3A_670 : vector<16xf32>
      %add3A_672 = arith.constant 1286 : i32
      %add3A_673 = vector.broadcast %add3A_672 : i32 to vector<16xi32>
      %add3A_674 = arith.addi %mul3A_3, %add3A_673 : vector<16xi32>
      %gather3A_675 = tpu.vector_load_idx %arg13[%add3A_674] : memref<1536xf32, #tpu.memory_space<vmem>>[vector<16xi32>], vector<16xf32>,
      %add3A_676 = arith.addf %add3A_666, %gather3A_675 : vector<16xf32>
      %add3A_677 = arith.constant 1287 : i32
      %add3A_678 = vector.broadcast %add3A_677 : i32 to vector<16xi32>
      %add3A_679 = arith.addi %mul3A_3, %add3A_678 : vector<16xi32>
      %gather3A_680 = tpu.vector_load_idx %arg13[%add3A_679] : memref<1536xf32, #tpu.memory_space<vmem>>[vector<16xi32>], vector<16xf32>,
      %add3A_681 = arith.addf %add3A_671, %gather3A_680 : vector<16xf32>
      %add3A_682 = arith.constant 1288 : i32
      %add3A_683 = vector.broadcast %add3A_682 : i32 to vector<16xi32>
      %add3A_684 = arith.addi %mul3A_3, %add3A_683 : vector<16xi32>
      %gather3A_685 = tpu.vector_load_idx %arg13[%add3A_684] : memref<1536xf32, #tpu.memory_space<vmem>>[vector<16xi32>], vector<16xf32>,
      %add3A_686 = arith.addf %add3A_676, %gather3A_685 : vector<16xf32>
      %add3A_687 = arith.constant 1289 : i32
      %add3A_688 = vector.broadcast %add3A_687 : i32 to vector<16xi32>
      %add3A_689 = arith.addi %mul3A_3, %add3A_688 : vector<16xi32>
      %gather3A_690 = tpu.vector_load_idx %arg13[%add3A_689] : memref<1536xf32, #tpu.memory_space<vmem>>[vector<16xi32>], vector<16xf32>,
      %add3A_691 = arith.addf %add3A_681, %gather3A_690 : vector<16xf32>
      %add3A_692 = arith.constant 1290 : i32
      %add3A_693 = vector.broadcast %add3A_692 : i32 to vector<16xi32>
      %add3A_694 = arith.addi %mul3A_3, %add3A_693 : vector<16xi32>
      %gather3A_695 = tpu.vector_load_idx %arg13[%add3A_694] : memref<1536xf32, #tpu.memory_space<vmem>>[vector<16xi32>], vector<16xf32>,
      %add3A_696 = arith.addf %add3A_686, %gather3A_695 : vector<16xf32>
      %add3A_697 = arith.constant 1291 : i32
      %add3A_698 = vector.broadcast %add3A_697 : i32 to vector<16xi32>
      %add3A_699 = arith.addi %mul3A_3, %add3A_698 : vector<16xi32>
      %gather3A_700 = tpu.vector_load_idx %arg13[%add3A_699] : memref<1536xf32, #tpu.memory_space<vmem>>[vector<16xi32>], vector<16xf32>,
      %add3A_701 = arith.addf %add3A_691, %gather3A_700 : vector<16xf32>
      %add3A_702 = arith.constant 1292 : i32
      %add3A_703 = vector.broadcast %add3A_702 : i32 to vector<16xi32>
      %add3A_704 = arith.addi %mul3A_3, %add3A_703 : vector<16xi32>
      %gather3A_705 = tpu.vector_load_idx %arg13[%add3A_704] : memref<1536xf32, #tpu.memory_space<vmem>>[vector<16xi32>], vector<16xf32>,
      %add3A_706 = arith.addf %add3A_696, %gather3A_705 : vector<16xf32>
      %add3A_707 = arith.constant 1293 : i32
      %add3A_708 = vector.broadcast %add3A_707 : i32 to vector<16xi32>
      %add3A_709 = arith.addi %mul3A_3, %add3A_708 : vector<16xi32>
      %gather3A_710 = tpu.vector_load_idx %arg13[%add3A_709] : memref<1536xf32, #tpu.memory_space<vmem>>[vector<16xi32>], vector<16xf32>,
      %add3A_711 = arith.addf %add3A_701, %gather3A_710 : vector<16xf32>
      %add3A_712 = arith.constant 1294 : i32
      %add3A_713 = vector.broadcast %add3A_712 : i32 to vector<16xi32>
      %add3A_714 = arith.addi %mul3A_3, %add3A_713 : vector<16xi32>
      %gather3A_715 = tpu.vector_load_idx %arg13[%add3A_714] : memref<1536xf32, #tpu.memory_space<vmem>>[vector<16xi32>], vector<16xf32>,
      %add3A_716 = arith.addf %add3A_706, %gather3A_715 : vector<16xf32>
      %add3A_717 = arith.constant 1295 : i32
      %add3A_718 = vector.broadcast %add3A_717 : i32 to vector<16xi32>
      %add3A_719 = arith.addi %mul3A_3, %add3A_718 : vector<16xi32>
      %gather3A_720 = tpu.vector_load_idx %arg13[%add3A_719] : memref<1536xf32, #tpu.memory_space<vmem>>[vector<16xi32>], vector<16xf32>,
      %add3A_721 = arith.addf %add3A_711, %gather3A_720 : vector<16xf32>
      %add3A_722 = arith.addf %add3A_716, %add3A_721 : vector<16xf32>
      %mul3A_723 = arith.constant 96 : i32
      %mul3A_724 = arith.muli %mul3A_57, %mul3A_723 : i32
      %add3A_725 = arith.constant 80 : i32
      %add3A_726 = arith.addi %mul3A_724, %add3A_725 : i32
      %jit3A_727 = arith.constant 512 : i32
      %div3A_728 = arith.divsi %add3A_726, %jit3A_727 : i32
      %sign3A_729 = arith.constant 0 : i32
      %sign3A_730 = arith.cmpi sgt, %add3A_726, %sign3A_729 : i32
      %sign3A_731 = arith.extui %sign3A_730 : i1 to i32
      %sign3A_732 = arith.constant 0 : i32
      %sign3A_733 = arith.cmpi slt, %add3A_726, %sign3A_732 : i32
      %sign3A_734 = arith.extui %sign3A_733 : i1 to i32
      %sign3A_735 = arith.subi %sign3A_731, %sign3A_734 : i32
      %sign3A_736 = arith.constant 0 : i32
      %sign3A_737 = arith.cmpi sgt, %jit3A_727, %sign3A_736 : i32
      %sign3A_738 = arith.extui %sign3A_737 : i1 to i32
      %sign3A_739 = arith.constant 0 : i32
      %sign3A_740 = arith.cmpi slt, %jit3A_727, %sign3A_739 : i32
      %sign3A_741 = arith.extui %sign3A_740 : i1 to i32
      %sign3A_742 = arith.subi %sign3A_738, %sign3A_741 : i32
      %ne3A_743 = arith.cmpi ne, %sign3A_735, %sign3A_742 : i32
      %rem3A_744 = arith.remsi %add3A_726, %jit3A_727 : i32
      %ne3A_745 = arith.constant 0 : i32
      %ne3A_746 = arith.cmpi ne, %rem3A_744, %ne3A_745 : i32
      %and3A_747 = arith.andi %ne3A_743, %ne3A_746 : i1
      %sub3A_748 = arith.constant 1 : i32
      %sub3A_749 = arith.subi %div3A_728, %sub3A_748 : i32
      %select_n3A_750 = arith.select %and3A_747, %sub3A_749, %div3A_728 : i32
      %mul3A_751 = arith.constant 512 : i32
      %mul3A_752 = arith.muli %select_n3A_750, %mul3A_751 : i32
      %sub3A_753 = arith.subi %add3A_726, %mul3A_752 : i32
      %swap3A_754 = arith.index_cast %select_n3A_750 : i32 to index
      %swap3A_755 = arith.index_cast %sub3A_753 : i32 to index
      %swap3A_756 = tpu.vector_load %arg14[%swap3A_754, %swap3A_755] {strides = array<i32>} : memref<21x512xf32, #tpu.memory_space<vmem>>, vector<16xf32>,
      tpu.vector_store %arg14[%swap3A_754, %swap3A_755], %add3A_722 {strides = array<i32>} : memref<21x512xf32, #tpu.memory_space<vmem>>, vector<16xf32>,
      %mul3A_757 = arith.constant 96 : i32
      %mul3A_758 = arith.muli %add3A_59, %mul3A_757 : i32
      %dma_wait3A_759 = tpu.memref_slice %arg7[%mul3A_758] : memref<10752xi32, #tpu.memory_space<vmem>> -> memref<96xi32, #tpu.memory_space<vmem>>
      %dma_wait3A_760 = arith.constant 0 : i32
      %dma_wait3A_761 = arith.constant 0 : i32
      %dma_wait3A_762 = tpu.memref_slice %arg3[%dma_wait3A_760, %dma_wait3A_761] : memref<1000000x64xf32, #tpu.memory_space<hbm>> -> memref<1000000x64xf32, #tpu.memory_space<hbm>>
      tpu.wait_indirect_dma semaphore(%arg17 : memref<!tpu.dma_semaphore, #tpu.memory_space<semaphore_mem>>) src(%dma_wait3A_762 : memref<1000000x64xf32, #tpu.memory_space<hbm>>) dst(%arg11 : memref<96x64xf32, #tpu.memory_space<vmem>>)
      %mul3A_763 = arith.constant 96 : i32
      %mul3A_764 = arith.muli %add3A_59, %mul3A_763 : i32
      %dma_wait3A_765 = tpu.memref_slice %arg8[%mul3A_764] : memref<10752xi32, #tpu.memory_space<vmem>> -> memref<96xi32, #tpu.memory_space<vmem>>
      %dma_wait3A_766 = arith.constant 0 : i32
      %dma_wait3A_767 = arith.constant 0 : i32
      %dma_wait3A_768 = tpu.memref_slice %arg4[%dma_wait3A_766, %dma_wait3A_767] : memref<1000000x64xf32, #tpu.memory_space<hbm>> -> memref<1000000x64xf32, #tpu.memory_space<hbm>>
      tpu.wait_indirect_dma semaphore(%arg18 : memref<!tpu.dma_semaphore, #tpu.memory_space<semaphore_mem>>) src(%dma_wait3A_768 : memref<1000000x64xf32, #tpu.memory_space<hbm>>) dst(%arg12 : memref<96x64xf32, #tpu.memory_space<vmem>>)
      %add3A_769 = arith.constant 2 : i32
      %add3A_770 = arith.addi %mul3A_57, %add3A_769 : i32
      %min3A = arith.constant 111 : i32
      %min3A_771 = arith.minsi %add3A_770, %min3A : i32
      %mul3A_772 = arith.constant 96 : i32
      %mul3A_773 = arith.muli %min3A_771, %mul3A_772 : i32
      %dma_start3A_774 = tpu.memref_slice %arg7[%mul3A_773] : memref<10752xi32, #tpu.memory_space<vmem>> -> memref<96xi32, #tpu.memory_space<vmem>>
      %dma_start3A_775 = arith.constant 0 : i32
      %dma_start3A_776 = arith.constant 0 : i32
      %dma_start3A_777 = tpu.memref_slice %arg3[%dma_start3A_775, %dma_start3A_776] : memref<1000000x64xf32, #tpu.memory_space<hbm>> -> memref<1000000x64xf32, #tpu.memory_space<hbm>>
      tpu.enqueue_indirect_dma source(%dma_start3A_777 : memref<1000000x64xf32, #tpu.memory_space<hbm>>) target(%arg9 : memref<96x64xf32, #tpu.memory_space<vmem>>) offsets(%dma_start3A_774 : memref<96xi32, #tpu.memory_space<vmem>>) semaphore(%arg15 : memref<!tpu.dma_semaphore, #tpu.memory_space<semaphore_mem>>)
      %mul3A_778 = arith.constant 96 : i32
      %mul3A_779 = arith.muli %min3A_771, %mul3A_778 : i32
      %dma_start3A_780 = tpu.memref_slice %arg8[%mul3A_779] : memref<10752xi32, #tpu.memory_space<vmem>> -> memref<96xi32, #tpu.memory_space<vmem>>
      %dma_start3A_781 = arith.constant 0 : i32
      %dma_start3A_782 = arith.constant 0 : i32
      %dma_start3A_783 = tpu.memref_slice %arg4[%dma_start3A_781, %dma_start3A_782] : memref<1000000x64xf32, #tpu.memory_space<hbm>> -> memref<1000000x64xf32, #tpu.memory_space<hbm>>
      tpu.enqueue_indirect_dma source(%dma_start3A_783 : memref<1000000x64xf32, #tpu.memory_space<hbm>>) target(%arg10 : memref<96x64xf32, #tpu.memory_space<vmem>>) offsets(%dma_start3A_780 : memref<96xi32, #tpu.memory_space<vmem>>) semaphore(%arg16 : memref<!tpu.dma_semaphore, #tpu.memory_space<semaphore_mem>>)
      %scan3A_784 = arith.constant 0 : i32
      %scan3A_785 = arith.constant 96 : i32
      %scan3A_786 = arith.addi %scan3A_784, %scan3A_785 : i32
      %scan3A_787 = arith.constant 8 : i32
      scf.for %scan3A_1467 = %scan3A_784 to %scan3A_786 step %scan3A_787  : i32 {
        %mul3A_1468 = arith.constant 1 : i32
        %mul3A_1469 = arith.muli %scan3A_1467, %mul3A_1468 : i32
        %add3A_1470 = arith.constant 0 : i32
        %add3A_1471 = arith.addi %add3A_1470, %mul3A_1469 : i32
        %get3A = arith.index_cast %add3A_1471 : i32 to index
        %get3A_1472 = arith.constant 0 : index
        %get3A_1473 = tpu.vector_load %arg11[%get3A, %get3A_1472] {strides = array<i32>} : memref<96x64xf32, #tpu.memory_space<vmem>>, vector<16xf32>,
        %get3A_1474 = arith.index_cast %add3A_1471 : i32 to index
        %get3A_1475 = arith.constant 0 : index
        %get3A_1476 = tpu.vector_load %arg12[%get3A_1474, %get3A_1475] {strides = array<i32>} : memref<96x64xf32, #tpu.memory_space<vmem>>, vector<16xf32>,
        %mul3A_1477 = arith.mulf %get3A_1473, %get3A_1476 : vector<16xf32>
        %get3A_1478 = arith.index_cast %add3A_1471 : i32 to index
        %get3A_1479 = arith.constant 16 : index
        %get3A_1480 = tpu.vector_load %arg11[%get3A_1478, %get3A_1479] {strides = array<i32>} : memref<96x64xf32, #tpu.memory_space<vmem>>, vector<16xf32>,
        %get3A_1481 = arith.index_cast %add3A_1471 : i32 to index
        %get3A_1482 = arith.constant 16 : index
        %get3A_1483 = tpu.vector_load %arg12[%get3A_1481, %get3A_1482] {strides = array<i32>} : memref<96x64xf32, #tpu.memory_space<vmem>>, vector<16xf32>,
        %mul3A_1484 = arith.mulf %get3A_1480, %get3A_1483 : vector<16xf32>
        %add3A_1485 = arith.addf %mul3A_1477, %mul3A_1484 : vector<16xf32>
        %get3A_1486 = arith.index_cast %add3A_1471 : i32 to index
        %get3A_1487 = arith.constant 32 : index
        %get3A_1488 = tpu.vector_load %arg11[%get3A_1486, %get3A_1487] {strides = array<i32>} : memref<96x64xf32, #tpu.memory_space<vmem>>, vector<16xf32>,
        %get3A_1489 = arith.index_cast %add3A_1471 : i32 to index
        %get3A_1490 = arith.constant 32 : index
        %get3A_1491 = tpu.vector_load %arg12[%get3A_1489, %get3A_1490] {strides = array<i32>} : memref<96x64xf32, #tpu.memory_space<vmem>>, vector<16xf32>,
        %mul3A_1492 = arith.mulf %get3A_1488, %get3A_1491 : vector<16xf32>
        %add3A_1493 = arith.addf %add3A_1485, %mul3A_1492 : vector<16xf32>
        %get3A_1494 = arith.index_cast %add3A_1471 : i32 to index
        %get3A_1495 = arith.constant 48 : index
        %get3A_1496 = tpu.vector_load %arg11[%get3A_1494, %get3A_1495] {strides = array<i32>} : memref<96x64xf32, #tpu.memory_space<vmem>>, vector<16xf32>,
        %get3A_1497 = arith.index_cast %add3A_1471 : i32 to index
        %get3A_1498 = arith.constant 48 : index
        %get3A_1499 = tpu.vector_load %arg12[%get3A_1497, %get3A_1498] {strides = array<i32>} : memref<96x64xf32, #tpu.memory_space<vmem>>, vector<16xf32>,
        %mul3A_1500 = arith.mulf %get3A_1496, %get3A_1499 : vector<16xf32>
        %add3A_1501 = arith.addf %add3A_1493, %mul3A_1500 : vector<16xf32>
        %mul3A_1502 = arith.constant 16 : i32
        %mul3A_1503 = arith.muli %add3A_1471, %mul3A_1502 : i32
        %swap3A_1504 = arith.index_cast %mul3A_1503 : i32 to index
        %swap3A_1505 = tpu.vector_load %arg13[%swap3A_1504] {strides = array<i32>} : memref<1536xf32, #tpu.memory_space<vmem>>, vector<16xf32>,
        tpu.vector_store %arg13[%swap3A_1504], %add3A_1501 {strides = array<i32>} : memref<1536xf32, #tpu.memory_space<vmem>>, vector<16xf32>,
        %scan3A_1506 = arith.constant 1 : i32
        %scan3A_1507 = arith.addi %scan3A_1467, %scan3A_1506 : i32
        %mul3A_1508 = arith.constant 1 : i32
        %mul3A_1509 = arith.muli %scan3A_1507, %mul3A_1508 : i32
        %add3A_1510 = arith.constant 0 : i32
        %add3A_1511 = arith.addi %add3A_1510, %mul3A_1509 : i32
        %get3A_1512 = arith.index_cast %add3A_1511 : i32 to index
        %get3A_1513 = arith.constant 0 : index
        %get3A_1514 = tpu.vector_load %arg11[%get3A_1512, %get3A_1513] {strides = array<i32>} : memref<96x64xf32, #tpu.memory_space<vmem>>, vector<16xf32>,
        %get3A_1515 = arith.index_cast %add3A_1511 : i32 to index
        %get3A_1516 = arith.constant 0 : index
        %get3A_1517 = tpu.vector_load %arg12[%get3A_1515, %get3A_1516] {strides = array<i32>} : memref<96x64xf32, #tpu.memory_space<vmem>>, vector<16xf32>,
        %mul3A_1518 = arith.mulf %get3A_1514, %get3A_1517 : vector<16xf32>
        %get3A_1519 = arith.index_cast %add3A_1511 : i32 to index
        %get3A_1520 = arith.constant 16 : index
        %get3A_1521 = tpu.vector_load %arg11[%get3A_1519, %get3A_1520] {strides = array<i32>} : memref<96x64xf32, #tpu.memory_space<vmem>>, vector<16xf32>,
        %get3A_1522 = arith.index_cast %add3A_1511 : i32 to index
        %get3A_1523 = arith.constant 16 : index
        %get3A_1524 = tpu.vector_load %arg12[%get3A_1522, %get3A_1523] {strides = array<i32>} : memref<96x64xf32, #tpu.memory_space<vmem>>, vector<16xf32>,
        %mul3A_1525 = arith.mulf %get3A_1521, %get3A_1524 : vector<16xf32>
        %add3A_1526 = arith.addf %mul3A_1518, %mul3A_1525 : vector<16xf32>
        %get3A_1527 = arith.index_cast %add3A_1511 : i32 to index
        %get3A_1528 = arith.constant 32 : index
        %get3A_1529 = tpu.vector_load %arg11[%get3A_1527, %get3A_1528] {strides = array<i32>} : memref<96x64xf32, #tpu.memory_space<vmem>>, vector<16xf32>,
        %get3A_1530 = arith.index_cast %add3A_1511 : i32 to index
        %get3A_1531 = arith.constant 32 : index
        %get3A_1532 = tpu.vector_load %arg12[%get3A_1530, %get3A_1531] {strides = array<i32>} : memref<96x64xf32, #tpu.memory_space<vmem>>, vector<16xf32>,
        %mul3A_1533 = arith.mulf %get3A_1529, %get3A_1532 : vector<16xf32>
        %add3A_1534 = arith.addf %add3A_1526, %mul3A_1533 : vector<16xf32>
        %get3A_1535 = arith.index_cast %add3A_1511 : i32 to index
        %get3A_1536 = arith.constant 48 : index
        %get3A_1537 = tpu.vector_load %arg11[%get3A_1535, %get3A_1536] {strides = array<i32>} : memref<96x64xf32, #tpu.memory_space<vmem>>, vector<16xf32>,
        %get3A_1538 = arith.index_cast %add3A_1511 : i32 to index
        %get3A_1539 = arith.constant 48 : index
        %get3A_1540 = tpu.vector_load %arg12[%get3A_1538, %get3A_1539] {strides = array<i32>} : memref<96x64xf32, #tpu.memory_space<vmem>>, vector<16xf32>,
        %mul3A_1541 = arith.mulf %get3A_1537, %get3A_1540 : vector<16xf32>
        %add3A_1542 = arith.addf %add3A_1534, %mul3A_1541 : vector<16xf32>
        %mul3A_1543 = arith.constant 16 : i32
        %mul3A_1544 = arith.muli %add3A_1511, %mul3A_1543 : i32
        %swap3A_1545 = arith.index_cast %mul3A_1544 : i32 to index
        %swap3A_1546 = tpu.vector_load %arg13[%swap3A_1545] {strides = array<i32>} : memref<1536xf32, #tpu.memory_space<vmem>>, vector<16xf32>,
        tpu.vector_store %arg13[%swap3A_1545], %add3A_1542 {strides = array<i32>} : memref<1536xf32, #tpu.memory_space<vmem>>, vector<16xf32>,
        %scan3A_1547 = arith.constant 2 : i32
        %scan3A_1548 = arith.addi %scan3A_1467, %scan3A_1547 : i32
        %mul3A_1549 = arith.constant 1 : i32
        %mul3A_1550 = arith.muli %scan3A_1548, %mul3A_1549 : i32
        %add3A_1551 = arith.constant 0 : i32
        %add3A_1552 = arith.addi %add3A_1551, %mul3A_1550 : i32
        %get3A_1553 = arith.index_cast %add3A_1552 : i32 to index
        %get3A_1554 = arith.constant 0 : index
        %get3A_1555 = tpu.vector_load %arg11[%get3A_1553, %get3A_1554] {strides = array<i32>} : memref<96x64xf32, #tpu.memory_space<vmem>>, vector<16xf32>,
        %get3A_1556 = arith.index_cast %add3A_1552 : i32 to index
        %get3A_1557 = arith.constant 0 : index
        %get3A_1558 = tpu.vector_load %arg12[%get3A_1556, %get3A_1557] {strides = array<i32>} : memref<96x64xf32, #tpu.memory_space<vmem>>, vector<16xf32>,
        %mul3A_1559 = arith.mulf %get3A_1555, %get3A_1558 : vector<16xf32>
        %get3A_1560 = arith.index_cast %add3A_1552 : i32 to index
        %get3A_1561 = arith.constant 16 : index
        %get3A_1562 = tpu.vector_load %arg11[%get3A_1560, %get3A_1561] {strides = array<i32>} : memref<96x64xf32, #tpu.memory_space<vmem>>, vector<16xf32>,
        %get3A_1563 = arith.index_cast %add3A_1552 : i32 to index
        %get3A_1564 = arith.constant 16 : index
        %get3A_1565 = tpu.vector_load %arg12[%get3A_1563, %get3A_1564] {strides = array<i32>} : memref<96x64xf32, #tpu.memory_space<vmem>>, vector<16xf32>,
        %mul3A_1566 = arith.mulf %get3A_1562, %get3A_1565 : vector<16xf32>
        %add3A_1567 = arith.addf %mul3A_1559, %mul3A_1566 : vector<16xf32>
        %get3A_1568 = arith.index_cast %add3A_1552 : i32 to index
        %get3A_1569 = arith.constant 32 : index
        %get3A_1570 = tpu.vector_load %arg11[%get3A_1568, %get3A_1569] {strides = array<i32>} : memref<96x64xf32, #tpu.memory_space<vmem>>, vector<16xf32>,
        %get3A_1571 = arith.index_cast %add3A_1552 : i32 to index
        %get3A_1572 = arith.constant 32 : index
        %get3A_1573 = tpu.vector_load %arg12[%get3A_1571, %get3A_1572] {strides = array<i32>} : memref<96x64xf32, #tpu.memory_space<vmem>>, vector<16xf32>,
        %mul3A_1574 = arith.mulf %get3A_1570, %get3A_1573 : vector<16xf32>
        %add3A_1575 = arith.addf %add3A_1567, %mul3A_1574 : vector<16xf32>
        %get3A_1576 = arith.index_cast %add3A_1552 : i32 to index
        %get3A_1577 = arith.constant 48 : index
        %get3A_1578 = tpu.vector_load %arg11[%get3A_1576, %get3A_1577] {strides = array<i32>} : memref<96x64xf32, #tpu.memory_space<vmem>>, vector<16xf32>,
        %get3A_1579 = arith.index_cast %add3A_1552 : i32 to index
        %get3A_1580 = arith.constant 48 : index
        %get3A_1581 = tpu.vector_load %arg12[%get3A_1579, %get3A_1580] {strides = array<i32>} : memref<96x64xf32, #tpu.memory_space<vmem>>, vector<16xf32>,
        %mul3A_1582 = arith.mulf %get3A_1578, %get3A_1581 : vector<16xf32>
        %add3A_1583 = arith.addf %add3A_1575, %mul3A_1582 : vector<16xf32>
        %mul3A_1584 = arith.constant 16 : i32
        %mul3A_1585 = arith.muli %add3A_1552, %mul3A_1584 : i32
        %swap3A_1586 = arith.index_cast %mul3A_1585 : i32 to index
        %swap3A_1587 = tpu.vector_load %arg13[%swap3A_1586] {strides = array<i32>} : memref<1536xf32, #tpu.memory_space<vmem>>, vector<16xf32>,
        tpu.vector_store %arg13[%swap3A_1586], %add3A_1583 {strides = array<i32>} : memref<1536xf32, #tpu.memory_space<vmem>>, vector<16xf32>,
        %scan3A_1588 = arith.constant 3 : i32
        %scan3A_1589 = arith.addi %scan3A_1467, %scan3A_1588 : i32
        %mul3A_1590 = arith.constant 1 : i32
        %mul3A_1591 = arith.muli %scan3A_1589, %mul3A_1590 : i32
        %add3A_1592 = arith.constant 0 : i32
        %add3A_1593 = arith.addi %add3A_1592, %mul3A_1591 : i32
        %get3A_1594 = arith.index_cast %add3A_1593 : i32 to index
        %get3A_1595 = arith.constant 0 : index
        %get3A_1596 = tpu.vector_load %arg11[%get3A_1594, %get3A_1595] {strides = array<i32>} : memref<96x64xf32, #tpu.memory_space<vmem>>, vector<16xf32>,
        %get3A_1597 = arith.index_cast %add3A_1593 : i32 to index
        %get3A_1598 = arith.constant 0 : index
        %get3A_1599 = tpu.vector_load %arg12[%get3A_1597, %get3A_1598] {strides = array<i32>} : memref<96x64xf32, #tpu.memory_space<vmem>>, vector<16xf32>,
        %mul3A_1600 = arith.mulf %get3A_1596, %get3A_1599 : vector<16xf32>
        %get3A_1601 = arith.index_cast %add3A_1593 : i32 to index
        %get3A_1602 = arith.constant 16 : index
        %get3A_1603 = tpu.vector_load %arg11[%get3A_1601, %get3A_1602] {strides = array<i32>} : memref<96x64xf32, #tpu.memory_space<vmem>>, vector<16xf32>,
        %get3A_1604 = arith.index_cast %add3A_1593 : i32 to index
        %get3A_1605 = arith.constant 16 : index
        %get3A_1606 = tpu.vector_load %arg12[%get3A_1604, %get3A_1605] {strides = array<i32>} : memref<96x64xf32, #tpu.memory_space<vmem>>, vector<16xf32>,
        %mul3A_1607 = arith.mulf %get3A_1603, %get3A_1606 : vector<16xf32>
        %add3A_1608 = arith.addf %mul3A_1600, %mul3A_1607 : vector<16xf32>
        %get3A_1609 = arith.index_cast %add3A_1593 : i32 to index
        %get3A_1610 = arith.constant 32 : index
        %get3A_1611 = tpu.vector_load %arg11[%get3A_1609, %get3A_1610] {strides = array<i32>} : memref<96x64xf32, #tpu.memory_space<vmem>>, vector<16xf32>,
        %get3A_1612 = arith.index_cast %add3A_1593 : i32 to index
        %get3A_1613 = arith.constant 32 : index
        %get3A_1614 = tpu.vector_load %arg12[%get3A_1612, %get3A_1613] {strides = array<i32>} : memref<96x64xf32, #tpu.memory_space<vmem>>, vector<16xf32>,
        %mul3A_1615 = arith.mulf %get3A_1611, %get3A_1614 : vector<16xf32>
        %add3A_1616 = arith.addf %add3A_1608, %mul3A_1615 : vector<16xf32>
        %get3A_1617 = arith.index_cast %add3A_1593 : i32 to index
        %get3A_1618 = arith.constant 48 : index
        %get3A_1619 = tpu.vector_load %arg11[%get3A_1617, %get3A_1618] {strides = array<i32>} : memref<96x64xf32, #tpu.memory_space<vmem>>, vector<16xf32>,
        %get3A_1620 = arith.index_cast %add3A_1593 : i32 to index
        %get3A_1621 = arith.constant 48 : index
        %get3A_1622 = tpu.vector_load %arg12[%get3A_1620, %get3A_1621] {strides = array<i32>} : memref<96x64xf32, #tpu.memory_space<vmem>>, vector<16xf32>,
        %mul3A_1623 = arith.mulf %get3A_1619, %get3A_1622 : vector<16xf32>
        %add3A_1624 = arith.addf %add3A_1616, %mul3A_1623 : vector<16xf32>
        %mul3A_1625 = arith.constant 16 : i32
        %mul3A_1626 = arith.muli %add3A_1593, %mul3A_1625 : i32
        %swap3A_1627 = arith.index_cast %mul3A_1626 : i32 to index
        %swap3A_1628 = tpu.vector_load %arg13[%swap3A_1627] {strides = array<i32>} : memref<1536xf32, #tpu.memory_space<vmem>>, vector<16xf32>,
        tpu.vector_store %arg13[%swap3A_1627], %add3A_1624 {strides = array<i32>} : memref<1536xf32, #tpu.memory_space<vmem>>, vector<16xf32>,
        %scan3A_1629 = arith.constant 4 : i32
        %scan3A_1630 = arith.addi %scan3A_1467, %scan3A_1629 : i32
        %mul3A_1631 = arith.constant 1 : i32
        %mul3A_1632 = arith.muli %scan3A_1630, %mul3A_1631 : i32
        %add3A_1633 = arith.constant 0 : i32
        %add3A_1634 = arith.addi %add3A_1633, %mul3A_1632 : i32
        %get3A_1635 = arith.index_cast %add3A_1634 : i32 to index
        %get3A_1636 = arith.constant 0 : index
        %get3A_1637 = tpu.vector_load %arg11[%get3A_1635, %get3A_1636] {strides = array<i32>} : memref<96x64xf32, #tpu.memory_space<vmem>>, vector<16xf32>,
        %get3A_1638 = arith.index_cast %add3A_1634 : i32 to index
        %get3A_1639 = arith.constant 0 : index
        %get3A_1640 = tpu.vector_load %arg12[%get3A_1638, %get3A_1639] {strides = array<i32>} : memref<96x64xf32, #tpu.memory_space<vmem>>, vector<16xf32>,
        %mul3A_1641 = arith.mulf %get3A_1637, %get3A_1640 : vector<16xf32>
        %get3A_1642 = arith.index_cast %add3A_1634 : i32 to index
        %get3A_1643 = arith.constant 16 : index
        %get3A_1644 = tpu.vector_load %arg11[%get3A_1642, %get3A_1643] {strides = array<i32>} : memref<96x64xf32, #tpu.memory_space<vmem>>, vector<16xf32>,
        %get3A_1645 = arith.index_cast %add3A_1634 : i32 to index
        %get3A_1646 = arith.constant 16 : index
        %get3A_1647 = tpu.vector_load %arg12[%get3A_1645, %get3A_1646] {strides = array<i32>} : memref<96x64xf32, #tpu.memory_space<vmem>>, vector<16xf32>,
        %mul3A_1648 = arith.mulf %get3A_1644, %get3A_1647 : vector<16xf32>
        %add3A_1649 = arith.addf %mul3A_1641, %mul3A_1648 : vector<16xf32>
        %get3A_1650 = arith.index_cast %add3A_1634 : i32 to index
        %get3A_1651 = arith.constant 32 : index
        %get3A_1652 = tpu.vector_load %arg11[%get3A_1650, %get3A_1651] {strides = array<i32>} : memref<96x64xf32, #tpu.memory_space<vmem>>, vector<16xf32>,
        %get3A_1653 = arith.index_cast %add3A_1634 : i32 to index
        %get3A_1654 = arith.constant 32 : index
        %get3A_1655 = tpu.vector_load %arg12[%get3A_1653, %get3A_1654] {strides = array<i32>} : memref<96x64xf32, #tpu.memory_space<vmem>>, vector<16xf32>,
        %mul3A_1656 = arith.mulf %get3A_1652, %get3A_1655 : vector<16xf32>
        %add3A_1657 = arith.addf %add3A_1649, %mul3A_1656 : vector<16xf32>
        %get3A_1658 = arith.index_cast %add3A_1634 : i32 to index
        %get3A_1659 = arith.constant 48 : index
        %get3A_1660 = tpu.vector_load %arg11[%get3A_1658, %get3A_1659] {strides = array<i32>} : memref<96x64xf32, #tpu.memory_space<vmem>>, vector<16xf32>,
        %get3A_1661 = arith.index_cast %add3A_1634 : i32 to index
        %get3A_1662 = arith.constant 48 : index
        %get3A_1663 = tpu.vector_load %arg12[%get3A_1661, %get3A_1662] {strides = array<i32>} : memref<96x64xf32, #tpu.memory_space<vmem>>, vector<16xf32>,
        %mul3A_1664 = arith.mulf %get3A_1660, %get3A_1663 : vector<16xf32>
        %add3A_1665 = arith.addf %add3A_1657, %mul3A_1664 : vector<16xf32>
        %mul3A_1666 = arith.constant 16 : i32
        %mul3A_1667 = arith.muli %add3A_1634, %mul3A_1666 : i32
        %swap3A_1668 = arith.index_cast %mul3A_1667 : i32 to index
        %swap3A_1669 = tpu.vector_load %arg13[%swap3A_1668] {strides = array<i32>} : memref<1536xf32, #tpu.memory_space<vmem>>, vector<16xf32>,
        tpu.vector_store %arg13[%swap3A_1668], %add3A_1665 {strides = array<i32>} : memref<1536xf32, #tpu.memory_space<vmem>>, vector<16xf32>,
        %scan3A_1670 = arith.constant 5 : i32
        %scan3A_1671 = arith.addi %scan3A_1467, %scan3A_1670 : i32
        %mul3A_1672 = arith.constant 1 : i32
        %mul3A_1673 = arith.muli %scan3A_1671, %mul3A_1672 : i32
        %add3A_1674 = arith.constant 0 : i32
        %add3A_1675 = arith.addi %add3A_1674, %mul3A_1673 : i32
        %get3A_1676 = arith.index_cast %add3A_1675 : i32 to index
        %get3A_1677 = arith.constant 0 : index
        %get3A_1678 = tpu.vector_load %arg11[%get3A_1676, %get3A_1677] {strides = array<i32>} : memref<96x64xf32, #tpu.memory_space<vmem>>, vector<16xf32>,
        %get3A_1679 = arith.index_cast %add3A_1675 : i32 to index
        %get3A_1680 = arith.constant 0 : index
        %get3A_1681 = tpu.vector_load %arg12[%get3A_1679, %get3A_1680] {strides = array<i32>} : memref<96x64xf32, #tpu.memory_space<vmem>>, vector<16xf32>,
        %mul3A_1682 = arith.mulf %get3A_1678, %get3A_1681 : vector<16xf32>
        %get3A_1683 = arith.index_cast %add3A_1675 : i32 to index
        %get3A_1684 = arith.constant 16 : index
        %get3A_1685 = tpu.vector_load %arg11[%get3A_1683, %get3A_1684] {strides = array<i32>} : memref<96x64xf32, #tpu.memory_space<vmem>>, vector<16xf32>,
        %get3A_1686 = arith.index_cast %add3A_1675 : i32 to index
        %get3A_1687 = arith.constant 16 : index
        %get3A_1688 = tpu.vector_load %arg12[%get3A_1686, %get3A_1687] {strides = array<i32>} : memref<96x64xf32, #tpu.memory_space<vmem>>, vector<16xf32>,
        %mul3A_1689 = arith.mulf %get3A_1685, %get3A_1688 : vector<16xf32>
        %add3A_1690 = arith.addf %mul3A_1682, %mul3A_1689 : vector<16xf32>
        %get3A_1691 = arith.index_cast %add3A_1675 : i32 to index
        %get3A_1692 = arith.constant 32 : index
        %get3A_1693 = tpu.vector_load %arg11[%get3A_1691, %get3A_1692] {strides = array<i32>} : memref<96x64xf32, #tpu.memory_space<vmem>>, vector<16xf32>,
        %get3A_1694 = arith.index_cast %add3A_1675 : i32 to index
        %get3A_1695 = arith.constant 32 : index
        %get3A_1696 = tpu.vector_load %arg12[%get3A_1694, %get3A_1695] {strides = array<i32>} : memref<96x64xf32, #tpu.memory_space<vmem>>, vector<16xf32>,
        %mul3A_1697 = arith.mulf %get3A_1693, %get3A_1696 : vector<16xf32>
        %add3A_1698 = arith.addf %add3A_1690, %mul3A_1697 : vector<16xf32>
        %get3A_1699 = arith.index_cast %add3A_1675 : i32 to index
        %get3A_1700 = arith.constant 48 : index
        %get3A_1701 = tpu.vector_load %arg11[%get3A_1699, %get3A_1700] {strides = array<i32>} : memref<96x64xf32, #tpu.memory_space<vmem>>, vector<16xf32>,
        %get3A_1702 = arith.index_cast %add3A_1675 : i32 to index
        %get3A_1703 = arith.constant 48 : index
        %get3A_1704 = tpu.vector_load %arg12[%get3A_1702, %get3A_1703] {strides = array<i32>} : memref<96x64xf32, #tpu.memory_space<vmem>>, vector<16xf32>,
        %mul3A_1705 = arith.mulf %get3A_1701, %get3A_1704 : vector<16xf32>
        %add3A_1706 = arith.addf %add3A_1698, %mul3A_1705 : vector<16xf32>
        %mul3A_1707 = arith.constant 16 : i32
        %mul3A_1708 = arith.muli %add3A_1675, %mul3A_1707 : i32
        %swap3A_1709 = arith.index_cast %mul3A_1708 : i32 to index
        %swap3A_1710 = tpu.vector_load %arg13[%swap3A_1709] {strides = array<i32>} : memref<1536xf32, #tpu.memory_space<vmem>>, vector<16xf32>,
        tpu.vector_store %arg13[%swap3A_1709], %add3A_1706 {strides = array<i32>} : memref<1536xf32, #tpu.memory_space<vmem>>, vector<16xf32>,
        %scan3A_1711 = arith.constant 6 : i32
        %scan3A_1712 = arith.addi %scan3A_1467, %scan3A_1711 : i32
        %mul3A_1713 = arith.constant 1 : i32
        %mul3A_1714 = arith.muli %scan3A_1712, %mul3A_1713 : i32
        %add3A_1715 = arith.constant 0 : i32
        %add3A_1716 = arith.addi %add3A_1715, %mul3A_1714 : i32
        %get3A_1717 = arith.index_cast %add3A_1716 : i32 to index
        %get3A_1718 = arith.constant 0 : index
        %get3A_1719 = tpu.vector_load %arg11[%get3A_1717, %get3A_1718] {strides = array<i32>} : memref<96x64xf32, #tpu.memory_space<vmem>>, vector<16xf32>,
        %get3A_1720 = arith.index_cast %add3A_1716 : i32 to index
        %get3A_1721 = arith.constant 0 : index
        %get3A_1722 = tpu.vector_load %arg12[%get3A_1720, %get3A_1721] {strides = array<i32>} : memref<96x64xf32, #tpu.memory_space<vmem>>, vector<16xf32>,
        %mul3A_1723 = arith.mulf %get3A_1719, %get3A_1722 : vector<16xf32>
        %get3A_1724 = arith.index_cast %add3A_1716 : i32 to index
        %get3A_1725 = arith.constant 16 : index
        %get3A_1726 = tpu.vector_load %arg11[%get3A_1724, %get3A_1725] {strides = array<i32>} : memref<96x64xf32, #tpu.memory_space<vmem>>, vector<16xf32>,
        %get3A_1727 = arith.index_cast %add3A_1716 : i32 to index
        %get3A_1728 = arith.constant 16 : index
        %get3A_1729 = tpu.vector_load %arg12[%get3A_1727, %get3A_1728] {strides = array<i32>} : memref<96x64xf32, #tpu.memory_space<vmem>>, vector<16xf32>,
        %mul3A_1730 = arith.mulf %get3A_1726, %get3A_1729 : vector<16xf32>
        %add3A_1731 = arith.addf %mul3A_1723, %mul3A_1730 : vector<16xf32>
        %get3A_1732 = arith.index_cast %add3A_1716 : i32 to index
        %get3A_1733 = arith.constant 32 : index
        %get3A_1734 = tpu.vector_load %arg11[%get3A_1732, %get3A_1733] {strides = array<i32>} : memref<96x64xf32, #tpu.memory_space<vmem>>, vector<16xf32>,
        %get3A_1735 = arith.index_cast %add3A_1716 : i32 to index
        %get3A_1736 = arith.constant 32 : index
        %get3A_1737 = tpu.vector_load %arg12[%get3A_1735, %get3A_1736] {strides = array<i32>} : memref<96x64xf32, #tpu.memory_space<vmem>>, vector<16xf32>,
        %mul3A_1738 = arith.mulf %get3A_1734, %get3A_1737 : vector<16xf32>
        %add3A_1739 = arith.addf %add3A_1731, %mul3A_1738 : vector<16xf32>
        %get3A_1740 = arith.index_cast %add3A_1716 : i32 to index
        %get3A_1741 = arith.constant 48 : index
        %get3A_1742 = tpu.vector_load %arg11[%get3A_1740, %get3A_1741] {strides = array<i32>} : memref<96x64xf32, #tpu.memory_space<vmem>>, vector<16xf32>,
        %get3A_1743 = arith.index_cast %add3A_1716 : i32 to index
        %get3A_1744 = arith.constant 48 : index
        %get3A_1745 = tpu.vector_load %arg12[%get3A_1743, %get3A_1744] {strides = array<i32>} : memref<96x64xf32, #tpu.memory_space<vmem>>, vector<16xf32>,
        %mul3A_1746 = arith.mulf %get3A_1742, %get3A_1745 : vector<16xf32>
        %add3A_1747 = arith.addf %add3A_1739, %mul3A_1746 : vector<16xf32>
        %mul3A_1748 = arith.constant 16 : i32
        %mul3A_1749 = arith.muli %add3A_1716, %mul3A_1748 : i32
        %swap3A_1750 = arith.index_cast %mul3A_1749 : i32 to index
        %swap3A_1751 = tpu.vector_load %arg13[%swap3A_1750] {strides = array<i32>} : memref<1536xf32, #tpu.memory_space<vmem>>, vector<16xf32>,
        tpu.vector_store %arg13[%swap3A_1750], %add3A_1747 {strides = array<i32>} : memref<1536xf32, #tpu.memory_space<vmem>>, vector<16xf32>,
        %scan3A_1752 = arith.constant 7 : i32
        %scan3A_1753 = arith.addi %scan3A_1467, %scan3A_1752 : i32
        %mul3A_1754 = arith.constant 1 : i32
        %mul3A_1755 = arith.muli %scan3A_1753, %mul3A_1754 : i32
        %add3A_1756 = arith.constant 0 : i32
        %add3A_1757 = arith.addi %add3A_1756, %mul3A_1755 : i32
        %get3A_1758 = arith.index_cast %add3A_1757 : i32 to index
        %get3A_1759 = arith.constant 0 : index
        %get3A_1760 = tpu.vector_load %arg11[%get3A_1758, %get3A_1759] {strides = array<i32>} : memref<96x64xf32, #tpu.memory_space<vmem>>, vector<16xf32>,
        %get3A_1761 = arith.index_cast %add3A_1757 : i32 to index
        %get3A_1762 = arith.constant 0 : index
        %get3A_1763 = tpu.vector_load %arg12[%get3A_1761, %get3A_1762] {strides = array<i32>} : memref<96x64xf32, #tpu.memory_space<vmem>>, vector<16xf32>,
        %mul3A_1764 = arith.mulf %get3A_1760, %get3A_1763 : vector<16xf32>
        %get3A_1765 = arith.index_cast %add3A_1757 : i32 to index
        %get3A_1766 = arith.constant 16 : index
        %get3A_1767 = tpu.vector_load %arg11[%get3A_1765, %get3A_1766] {strides = array<i32>} : memref<96x64xf32, #tpu.memory_space<vmem>>, vector<16xf32>,
        %get3A_1768 = arith.index_cast %add3A_1757 : i32 to index
        %get3A_1769 = arith.constant 16 : index
        %get3A_1770 = tpu.vector_load %arg12[%get3A_1768, %get3A_1769] {strides = array<i32>} : memref<96x64xf32, #tpu.memory_space<vmem>>, vector<16xf32>,
        %mul3A_1771 = arith.mulf %get3A_1767, %get3A_1770 : vector<16xf32>
        %add3A_1772 = arith.addf %mul3A_1764, %mul3A_1771 : vector<16xf32>
        %get3A_1773 = arith.index_cast %add3A_1757 : i32 to index
        %get3A_1774 = arith.constant 32 : index
        %get3A_1775 = tpu.vector_load %arg11[%get3A_1773, %get3A_1774] {strides = array<i32>} : memref<96x64xf32, #tpu.memory_space<vmem>>, vector<16xf32>,
        %get3A_1776 = arith.index_cast %add3A_1757 : i32 to index
        %get3A_1777 = arith.constant 32 : index
        %get3A_1778 = tpu.vector_load %arg12[%get3A_1776, %get3A_1777] {strides = array<i32>} : memref<96x64xf32, #tpu.memory_space<vmem>>, vector<16xf32>,
        %mul3A_1779 = arith.mulf %get3A_1775, %get3A_1778 : vector<16xf32>
        %add3A_1780 = arith.addf %add3A_1772, %mul3A_1779 : vector<16xf32>
        %get3A_1781 = arith.index_cast %add3A_1757 : i32 to index
        %get3A_1782 = arith.constant 48 : index
        %get3A_1783 = tpu.vector_load %arg11[%get3A_1781, %get3A_1782] {strides = array<i32>} : memref<96x64xf32, #tpu.memory_space<vmem>>, vector<16xf32>,
        %get3A_1784 = arith.index_cast %add3A_1757 : i32 to index
        %get3A_1785 = arith.constant 48 : index
        %get3A_1786 = tpu.vector_load %arg12[%get3A_1784, %get3A_1785] {strides = array<i32>} : memref<96x64xf32, #tpu.memory_space<vmem>>, vector<16xf32>,
        %mul3A_1787 = arith.mulf %get3A_1783, %get3A_1786 : vector<16xf32>
        %add3A_1788 = arith.addf %add3A_1780, %mul3A_1787 : vector<16xf32>
        %mul3A_1789 = arith.constant 16 : i32
        %mul3A_1790 = arith.muli %add3A_1757, %mul3A_1789 : i32
        %swap3A_1791 = arith.index_cast %mul3A_1790 : i32 to index
        %swap3A_1792 = tpu.vector_load %arg13[%swap3A_1791] {strides = array<i32>} : memref<1536xf32, #tpu.memory_space<vmem>>, vector<16xf32>,
        tpu.vector_store %arg13[%swap3A_1791], %add3A_1788 {strides = array<i32>} : memref<1536xf32, #tpu.memory_space<vmem>>, vector<16xf32>,
      }
      %scan3A_788 = arith.constant 96 : i32
      %add3A_789 = arith.constant 0 : i32
      %add3A_790 = vector.broadcast %add3A_789 : i32 to vector<16xi32>
      %add3A_791 = arith.addi %mul3A_3, %add3A_790 : vector<16xi32>
      %gather3A_792 = tpu.vector_load_idx %arg13[%add3A_791] : memref<1536xf32, #tpu.memory_space<vmem>>[vector<16xi32>], vector<16xf32>,
      %add3A_793 = arith.constant 1 : i32
      %add3A_794 = vector.broadcast %add3A_793 : i32 to vector<16xi32>
      %add3A_795 = arith.addi %mul3A_3, %add3A_794 : vector<16xi32>
      %gather3A_796 = tpu.vector_load_idx %arg13[%add3A_795] : memref<1536xf32, #tpu.memory_space<vmem>>[vector<16xi32>], vector<16xf32>,
      %add3A_797 = arith.constant 2 : i32
      %add3A_798 = vector.broadcast %add3A_797 : i32 to vector<16xi32>
      %add3A_799 = arith.addi %mul3A_3, %add3A_798 : vector<16xi32>
      %gather3A_800 = tpu.vector_load_idx %arg13[%add3A_799] : memref<1536xf32, #tpu.memory_space<vmem>>[vector<16xi32>], vector<16xf32>,
      %add3A_801 = arith.addf %gather3A_792, %gather3A_800 : vector<16xf32>
      %add3A_802 = arith.constant 3 : i32
      %add3A_803 = vector.broadcast %add3A_802 : i32 to vector<16xi32>
      %add3A_804 = arith.addi %mul3A_3, %add3A_803 : vector<16xi32>
      %gather3A_805 = tpu.vector_load_idx %arg13[%add3A_804] : memref<1536xf32, #tpu.memory_space<vmem>>[vector<16xi32>], vector<16xf32>,
      %add3A_806 = arith.addf %gather3A_796, %gather3A_805 : vector<16xf32>
      %add3A_807 = arith.constant 4 : i32
      %add3A_808 = vector.broadcast %add3A_807 : i32 to vector<16xi32>
      %add3A_809 = arith.addi %mul3A_3, %add3A_808 : vector<16xi32>
      %gather3A_810 = tpu.vector_load_idx %arg13[%add3A_809] : memref<1536xf32, #tpu.memory_space<vmem>>[vector<16xi32>], vector<16xf32>,
      %add3A_811 = arith.addf %add3A_801, %gather3A_810 : vector<16xf32>
      %add3A_812 = arith.constant 5 : i32
      %add3A_813 = vector.broadcast %add3A_812 : i32 to vector<16xi32>
      %add3A_814 = arith.addi %mul3A_3, %add3A_813 : vector<16xi32>
      %gather3A_815 = tpu.vector_load_idx %arg13[%add3A_814] : memref<1536xf32, #tpu.memory_space<vmem>>[vector<16xi32>], vector<16xf32>,
      %add3A_816 = arith.addf %add3A_806, %gather3A_815 : vector<16xf32>
      %add3A_817 = arith.constant 6 : i32
      %add3A_818 = vector.broadcast %add3A_817 : i32 to vector<16xi32>
      %add3A_819 = arith.addi %mul3A_3, %add3A_818 : vector<16xi32>
      %gather3A_820 = tpu.vector_load_idx %arg13[%add3A_819] : memref<1536xf32, #tpu.memory_space<vmem>>[vector<16xi32>], vector<16xf32>,
      %add3A_821 = arith.addf %add3A_811, %gather3A_820 : vector<16xf32>
      %add3A_822 = arith.constant 7 : i32
      %add3A_823 = vector.broadcast %add3A_822 : i32 to vector<16xi32>
      %add3A_824 = arith.addi %mul3A_3, %add3A_823 : vector<16xi32>
      %gather3A_825 = tpu.vector_load_idx %arg13[%add3A_824] : memref<1536xf32, #tpu.memory_space<vmem>>[vector<16xi32>], vector<16xf32>,
      %add3A_826 = arith.addf %add3A_816, %gather3A_825 : vector<16xf32>
      %add3A_827 = arith.constant 8 : i32
      %add3A_828 = vector.broadcast %add3A_827 : i32 to vector<16xi32>
      %add3A_829 = arith.addi %mul3A_3, %add3A_828 : vector<16xi32>
      %gather3A_830 = tpu.vector_load_idx %arg13[%add3A_829] : memref<1536xf32, #tpu.memory_space<vmem>>[vector<16xi32>], vector<16xf32>,
      %add3A_831 = arith.addf %add3A_821, %gather3A_830 : vector<16xf32>
      %add3A_832 = arith.constant 9 : i32
      %add3A_833 = vector.broadcast %add3A_832 : i32 to vector<16xi32>
      %add3A_834 = arith.addi %mul3A_3, %add3A_833 : vector<16xi32>
      %gather3A_835 = tpu.vector_load_idx %arg13[%add3A_834] : memref<1536xf32, #tpu.memory_space<vmem>>[vector<16xi32>], vector<16xf32>,
      %add3A_836 = arith.addf %add3A_826, %gather3A_835 : vector<16xf32>
      %add3A_837 = arith.constant 10 : i32
      %add3A_838 = vector.broadcast %add3A_837 : i32 to vector<16xi32>
      %add3A_839 = arith.addi %mul3A_3, %add3A_838 : vector<16xi32>
      %gather3A_840 = tpu.vector_load_idx %arg13[%add3A_839] : memref<1536xf32, #tpu.memory_space<vmem>>[vector<16xi32>], vector<16xf32>,
      %add3A_841 = arith.addf %add3A_831, %gather3A_840 : vector<16xf32>
      %add3A_842 = arith.constant 11 : i32
      %add3A_843 = vector.broadcast %add3A_842 : i32 to vector<16xi32>
      %add3A_844 = arith.addi %mul3A_3, %add3A_843 : vector<16xi32>
      %gather3A_845 = tpu.vector_load_idx %arg13[%add3A_844] : memref<1536xf32, #tpu.memory_space<vmem>>[vector<16xi32>], vector<16xf32>,
      %add3A_846 = arith.addf %add3A_836, %gather3A_845 : vector<16xf32>
      %add3A_847 = arith.constant 12 : i32
      %add3A_848 = vector.broadcast %add3A_847 : i32 to vector<16xi32>
      %add3A_849 = arith.addi %mul3A_3, %add3A_848 : vector<16xi32>
      %gather3A_850 = tpu.vector_load_idx %arg13[%add3A_849] : memref<1536xf32, #tpu.memory_space<vmem>>[vector<16xi32>], vector<16xf32>,
      %add3A_851 = arith.addf %add3A_841, %gather3A_850 : vector<16xf32>
      %add3A_852 = arith.constant 13 : i32
      %add3A_853 = vector.broadcast %add3A_852 : i32 to vector<16xi32>
      %add3A_854 = arith.addi %mul3A_3, %add3A_853 : vector<16xi32>
      %gather3A_855 = tpu.vector_load_idx %arg13[%add3A_854] : memref<1536xf32, #tpu.memory_space<vmem>>[vector<16xi32>], vector<16xf32>,
      %add3A_856 = arith.addf %add3A_846, %gather3A_855 : vector<16xf32>
      %add3A_857 = arith.constant 14 : i32
      %add3A_858 = vector.broadcast %add3A_857 : i32 to vector<16xi32>
      %add3A_859 = arith.addi %mul3A_3, %add3A_858 : vector<16xi32>
      %gather3A_860 = tpu.vector_load_idx %arg13[%add3A_859] : memref<1536xf32, #tpu.memory_space<vmem>>[vector<16xi32>], vector<16xf32>,
      %add3A_861 = arith.addf %add3A_851, %gather3A_860 : vector<16xf32>
      %add3A_862 = arith.constant 15 : i32
      %add3A_863 = vector.broadcast %add3A_862 : i32 to vector<16xi32>
      %add3A_864 = arith.addi %mul3A_3, %add3A_863 : vector<16xi32>
      %gather3A_865 = tpu.vector_load_idx %arg13[%add3A_864] : memref<1536xf32, #tpu.memory_space<vmem>>[vector<16xi32>], vector<16xf32>,
      %add3A_866 = arith.addf %add3A_856, %gather3A_865 : vector<16xf32>
      %add3A_867 = arith.addf %add3A_861, %add3A_866 : vector<16xf32>
      %mul3A_868 = arith.constant 96 : i32
      %mul3A_869 = arith.muli %add3A_59, %mul3A_868 : i32
      %add3A_870 = arith.constant 0 : i32
      %add3A_871 = arith.addi %mul3A_869, %add3A_870 : i32
      %jit3A_872 = arith.constant 512 : i32
      %div3A_873 = arith.divsi %add3A_871, %jit3A_872 : i32
      %sign3A_874 = arith.constant 0 : i32
      %sign3A_875 = arith.cmpi sgt, %add3A_871, %sign3A_874 : i32
      %sign3A_876 = arith.extui %sign3A_875 : i1 to i32
      %sign3A_877 = arith.constant 0 : i32
      %sign3A_878 = arith.cmpi slt, %add3A_871, %sign3A_877 : i32
      %sign3A_879 = arith.extui %sign3A_878 : i1 to i32
      %sign3A_880 = arith.subi %sign3A_876, %sign3A_879 : i32
      %sign3A_881 = arith.constant 0 : i32
      %sign3A_882 = arith.cmpi sgt, %jit3A_872, %sign3A_881 : i32
      %sign3A_883 = arith.extui %sign3A_882 : i1 to i32
      %sign3A_884 = arith.constant 0 : i32
      %sign3A_885 = arith.cmpi slt, %jit3A_872, %sign3A_884 : i32
      %sign3A_886 = arith.extui %sign3A_885 : i1 to i32
      %sign3A_887 = arith.subi %sign3A_883, %sign3A_886 : i32
      %ne3A_888 = arith.cmpi ne, %sign3A_880, %sign3A_887 : i32
      %rem3A_889 = arith.remsi %add3A_871, %jit3A_872 : i32
      %ne3A_890 = arith.constant 0 : i32
      %ne3A_891 = arith.cmpi ne, %rem3A_889, %ne3A_890 : i32
      %and3A_892 = arith.andi %ne3A_888, %ne3A_891 : i1
      %sub3A_893 = arith.constant 1 : i32
      %sub3A_894 = arith.subi %div3A_873, %sub3A_893 : i32
      %select_n3A_895 = arith.select %and3A_892, %sub3A_894, %div3A_873 : i32
      %mul3A_896 = arith.constant 512 : i32
      %mul3A_897 = arith.muli %select_n3A_895, %mul3A_896 : i32
      %sub3A_898 = arith.subi %add3A_871, %mul3A_897 : i32
      %swap3A_899 = arith.index_cast %select_n3A_895 : i32 to index
      %swap3A_900 = arith.index_cast %sub3A_898 : i32 to index
      %swap3A_901 = tpu.vector_load %arg14[%swap3A_899, %swap3A_900] {strides = array<i32>} : memref<21x512xf32, #tpu.memory_space<vmem>>, vector<16xf32>,
      tpu.vector_store %arg14[%swap3A_899, %swap3A_900], %add3A_867 {strides = array<i32>} : memref<21x512xf32, #tpu.memory_space<vmem>>, vector<16xf32>,
      %add3A_902 = arith.constant 256 : i32
      %add3A_903 = vector.broadcast %add3A_902 : i32 to vector<16xi32>
      %add3A_904 = arith.addi %mul3A_3, %add3A_903 : vector<16xi32>
      %gather3A_905 = tpu.vector_load_idx %arg13[%add3A_904] : memref<1536xf32, #tpu.memory_space<vmem>>[vector<16xi32>], vector<16xf32>,
      %add3A_906 = arith.constant 257 : i32
      %add3A_907 = vector.broadcast %add3A_906 : i32 to vector<16xi32>
      %add3A_908 = arith.addi %mul3A_3, %add3A_907 : vector<16xi32>
      %gather3A_909 = tpu.vector_load_idx %arg13[%add3A_908] : memref<1536xf32, #tpu.memory_space<vmem>>[vector<16xi32>], vector<16xf32>,
      %add3A_910 = arith.constant 258 : i32
      %add3A_911 = vector.broadcast %add3A_910 : i32 to vector<16xi32>
      %add3A_912 = arith.addi %mul3A_3, %add3A_911 : vector<16xi32>
      %gather3A_913 = tpu.vector_load_idx %arg13[%add3A_912] : memref<1536xf32, #tpu.memory_space<vmem>>[vector<16xi32>], vector<16xf32>,
      %add3A_914 = arith.addf %gather3A_905, %gather3A_913 : vector<16xf32>
      %add3A_915 = arith.constant 259 : i32
      %add3A_916 = vector.broadcast %add3A_915 : i32 to vector<16xi32>
      %add3A_917 = arith.addi %mul3A_3, %add3A_916 : vector<16xi32>
      %gather3A_918 = tpu.vector_load_idx %arg13[%add3A_917] : memref<1536xf32, #tpu.memory_space<vmem>>[vector<16xi32>], vector<16xf32>,
      %add3A_919 = arith.addf %gather3A_909, %gather3A_918 : vector<16xf32>
      %add3A_920 = arith.constant 260 : i32
      %add3A_921 = vector.broadcast %add3A_920 : i32 to vector<16xi32>
      %add3A_922 = arith.addi %mul3A_3, %add3A_921 : vector<16xi32>
      %gather3A_923 = tpu.vector_load_idx %arg13[%add3A_922] : memref<1536xf32, #tpu.memory_space<vmem>>[vector<16xi32>], vector<16xf32>,
      %add3A_924 = arith.addf %add3A_914, %gather3A_923 : vector<16xf32>
      %add3A_925 = arith.constant 261 : i32
      %add3A_926 = vector.broadcast %add3A_925 : i32 to vector<16xi32>
      %add3A_927 = arith.addi %mul3A_3, %add3A_926 : vector<16xi32>
      %gather3A_928 = tpu.vector_load_idx %arg13[%add3A_927] : memref<1536xf32, #tpu.memory_space<vmem>>[vector<16xi32>], vector<16xf32>,
      %add3A_929 = arith.addf %add3A_919, %gather3A_928 : vector<16xf32>
      %add3A_930 = arith.constant 262 : i32
      %add3A_931 = vector.broadcast %add3A_930 : i32 to vector<16xi32>
      %add3A_932 = arith.addi %mul3A_3, %add3A_931 : vector<16xi32>
      %gather3A_933 = tpu.vector_load_idx %arg13[%add3A_932] : memref<1536xf32, #tpu.memory_space<vmem>>[vector<16xi32>], vector<16xf32>,
      %add3A_934 = arith.addf %add3A_924, %gather3A_933 : vector<16xf32>
      %add3A_935 = arith.constant 263 : i32
      %add3A_936 = vector.broadcast %add3A_935 : i32 to vector<16xi32>
      %add3A_937 = arith.addi %mul3A_3, %add3A_936 : vector<16xi32>
      %gather3A_938 = tpu.vector_load_idx %arg13[%add3A_937] : memref<1536xf32, #tpu.memory_space<vmem>>[vector<16xi32>], vector<16xf32>,
      %add3A_939 = arith.addf %add3A_929, %gather3A_938 : vector<16xf32>
      %add3A_940 = arith.constant 264 : i32
      %add3A_941 = vector.broadcast %add3A_940 : i32 to vector<16xi32>
      %add3A_942 = arith.addi %mul3A_3, %add3A_941 : vector<16xi32>
      %gather3A_943 = tpu.vector_load_idx %arg13[%add3A_942] : memref<1536xf32, #tpu.memory_space<vmem>>[vector<16xi32>], vector<16xf32>,
      %add3A_944 = arith.addf %add3A_934, %gather3A_943 : vector<16xf32>
      %add3A_945 = arith.constant 265 : i32
      %add3A_946 = vector.broadcast %add3A_945 : i32 to vector<16xi32>
      %add3A_947 = arith.addi %mul3A_3, %add3A_946 : vector<16xi32>
      %gather3A_948 = tpu.vector_load_idx %arg13[%add3A_947] : memref<1536xf32, #tpu.memory_space<vmem>>[vector<16xi32>], vector<16xf32>,
      %add3A_949 = arith.addf %add3A_939, %gather3A_948 : vector<16xf32>
      %add3A_950 = arith.constant 266 : i32
      %add3A_951 = vector.broadcast %add3A_950 : i32 to vector<16xi32>
      %add3A_952 = arith.addi %mul3A_3, %add3A_951 : vector<16xi32>
      %gather3A_953 = tpu.vector_load_idx %arg13[%add3A_952] : memref<1536xf32, #tpu.memory_space<vmem>>[vector<16xi32>], vector<16xf32>,
      %add3A_954 = arith.addf %add3A_944, %gather3A_953 : vector<16xf32>
      %add3A_955 = arith.constant 267 : i32
      %add3A_956 = vector.broadcast %add3A_955 : i32 to vector<16xi32>
      %add3A_957 = arith.addi %mul3A_3, %add3A_956 : vector<16xi32>
      %gather3A_958 = tpu.vector_load_idx %arg13[%add3A_957] : memref<1536xf32, #tpu.memory_space<vmem>>[vector<16xi32>], vector<16xf32>,
      %add3A_959 = arith.addf %add3A_949, %gather3A_958 : vector<16xf32>
      %add3A_960 = arith.constant 268 : i32
      %add3A_961 = vector.broadcast %add3A_960 : i32 to vector<16xi32>
      %add3A_962 = arith.addi %mul3A_3, %add3A_961 : vector<16xi32>
      %gather3A_963 = tpu.vector_load_idx %arg13[%add3A_962] : memref<1536xf32, #tpu.memory_space<vmem>>[vector<16xi32>], vector<16xf32>,
      %add3A_964 = arith.addf %add3A_954, %gather3A_963 : vector<16xf32>
      %add3A_965 = arith.constant 269 : i32
      %add3A_966 = vector.broadcast %add3A_965 : i32 to vector<16xi32>
      %add3A_967 = arith.addi %mul3A_3, %add3A_966 : vector<16xi32>
      %gather3A_968 = tpu.vector_load_idx %arg13[%add3A_967] : memref<1536xf32, #tpu.memory_space<vmem>>[vector<16xi32>], vector<16xf32>,
      %add3A_969 = arith.addf %add3A_959, %gather3A_968 : vector<16xf32>
      %add3A_970 = arith.constant 270 : i32
      %add3A_971 = vector.broadcast %add3A_970 : i32 to vector<16xi32>
      %add3A_972 = arith.addi %mul3A_3, %add3A_971 : vector<16xi32>
      %gather3A_973 = tpu.vector_load_idx %arg13[%add3A_972] : memref<1536xf32, #tpu.memory_space<vmem>>[vector<16xi32>], vector<16xf32>,
      %add3A_974 = arith.addf %add3A_964, %gather3A_973 : vector<16xf32>
      %add3A_975 = arith.constant 271 : i32
      %add3A_976 = vector.broadcast %add3A_975 : i32 to vector<16xi32>
      %add3A_977 = arith.addi %mul3A_3, %add3A_976 : vector<16xi32>
      %gather3A_978 = tpu.vector_load_idx %arg13[%add3A_977] : memref<1536xf32, #tpu.memory_space<vmem>>[vector<16xi32>], vector<16xf32>,
      %add3A_979 = arith.addf %add3A_969, %gather3A_978 : vector<16xf32>
      %add3A_980 = arith.addf %add3A_974, %add3A_979 : vector<16xf32>
      %mul3A_981 = arith.constant 96 : i32
      %mul3A_982 = arith.muli %add3A_59, %mul3A_981 : i32
      %add3A_983 = arith.constant 16 : i32
      %add3A_984 = arith.addi %mul3A_982, %add3A_983 : i32
      %jit3A_985 = arith.constant 512 : i32
      %div3A_986 = arith.divsi %add3A_984, %jit3A_985 : i32
      %sign3A_987 = arith.constant 0 : i32
      %sign3A_988 = arith.cmpi sgt, %add3A_984, %sign3A_987 : i32
      %sign3A_989 = arith.extui %sign3A_988 : i1 to i32
      %sign3A_990 = arith.constant 0 : i32
      %sign3A_991 = arith.cmpi slt, %add3A_984, %sign3A_990 : i32
      %sign3A_992 = arith.extui %sign3A_991 : i1 to i32
      %sign3A_993 = arith.subi %sign3A_989, %sign3A_992 : i32
      %sign3A_994 = arith.constant 0 : i32
      %sign3A_995 = arith.cmpi sgt, %jit3A_985, %sign3A_994 : i32
      %sign3A_996 = arith.extui %sign3A_995 : i1 to i32
      %sign3A_997 = arith.constant 0 : i32
      %sign3A_998 = arith.cmpi slt, %jit3A_985, %sign3A_997 : i32
      %sign3A_999 = arith.extui %sign3A_998 : i1 to i32
      %sign3A_1000 = arith.subi %sign3A_996, %sign3A_999 : i32
      %ne3A_1001 = arith.cmpi ne, %sign3A_993, %sign3A_1000 : i32
      %rem3A_1002 = arith.remsi %add3A_984, %jit3A_985 : i32
      %ne3A_1003 = arith.constant 0 : i32
      %ne3A_1004 = arith.cmpi ne, %rem3A_1002, %ne3A_1003 : i32
      %and3A_1005 = arith.andi %ne3A_1001, %ne3A_1004 : i1
      %sub3A_1006 = arith.constant 1 : i32
      %sub3A_1007 = arith.subi %div3A_986, %sub3A_1006 : i32
      %select_n3A_1008 = arith.select %and3A_1005, %sub3A_1007, %div3A_986 : i32
      %mul3A_1009 = arith.constant 512 : i32
      %mul3A_1010 = arith.muli %select_n3A_1008, %mul3A_1009 : i32
      %sub3A_1011 = arith.subi %add3A_984, %mul3A_1010 : i32
      %swap3A_1012 = arith.index_cast %select_n3A_1008 : i32 to index
      %swap3A_1013 = arith.index_cast %sub3A_1011 : i32 to index
      %swap3A_1014 = tpu.vector_load %arg14[%swap3A_1012, %swap3A_1013] {strides = array<i32>} : memref<21x512xf32, #tpu.memory_space<vmem>>, vector<16xf32>,
      tpu.vector_store %arg14[%swap3A_1012, %swap3A_1013], %add3A_980 {strides = array<i32>} : memref<21x512xf32, #tpu.memory_space<vmem>>, vector<16xf32>,
      %add3A_1015 = arith.constant 512 : i32
      %add3A_1016 = vector.broadcast %add3A_1015 : i32 to vector<16xi32>
      %add3A_1017 = arith.addi %mul3A_3, %add3A_1016 : vector<16xi32>
      %gather3A_1018 = tpu.vector_load_idx %arg13[%add3A_1017] : memref<1536xf32, #tpu.memory_space<vmem>>[vector<16xi32>], vector<16xf32>,
      %add3A_1019 = arith.constant 513 : i32
      %add3A_1020 = vector.broadcast %add3A_1019 : i32 to vector<16xi32>
      %add3A_1021 = arith.addi %mul3A_3, %add3A_1020 : vector<16xi32>
      %gather3A_1022 = tpu.vector_load_idx %arg13[%add3A_1021] : memref<1536xf32, #tpu.memory_space<vmem>>[vector<16xi32>], vector<16xf32>,
      %add3A_1023 = arith.constant 514 : i32
      %add3A_1024 = vector.broadcast %add3A_1023 : i32 to vector<16xi32>
      %add3A_1025 = arith.addi %mul3A_3, %add3A_1024 : vector<16xi32>
      %gather3A_1026 = tpu.vector_load_idx %arg13[%add3A_1025] : memref<1536xf32, #tpu.memory_space<vmem>>[vector<16xi32>], vector<16xf32>,
      %add3A_1027 = arith.addf %gather3A_1018, %gather3A_1026 : vector<16xf32>
      %add3A_1028 = arith.constant 515 : i32
      %add3A_1029 = vector.broadcast %add3A_1028 : i32 to vector<16xi32>
      %add3A_1030 = arith.addi %mul3A_3, %add3A_1029 : vector<16xi32>
      %gather3A_1031 = tpu.vector_load_idx %arg13[%add3A_1030] : memref<1536xf32, #tpu.memory_space<vmem>>[vector<16xi32>], vector<16xf32>,
      %add3A_1032 = arith.addf %gather3A_1022, %gather3A_1031 : vector<16xf32>
      %add3A_1033 = arith.constant 516 : i32
      %add3A_1034 = vector.broadcast %add3A_1033 : i32 to vector<16xi32>
      %add3A_1035 = arith.addi %mul3A_3, %add3A_1034 : vector<16xi32>
      %gather3A_1036 = tpu.vector_load_idx %arg13[%add3A_1035] : memref<1536xf32, #tpu.memory_space<vmem>>[vector<16xi32>], vector<16xf32>,
      %add3A_1037 = arith.addf %add3A_1027, %gather3A_1036 : vector<16xf32>
      %add3A_1038 = arith.constant 517 : i32
      %add3A_1039 = vector.broadcast %add3A_1038 : i32 to vector<16xi32>
      %add3A_1040 = arith.addi %mul3A_3, %add3A_1039 : vector<16xi32>
      %gather3A_1041 = tpu.vector_load_idx %arg13[%add3A_1040] : memref<1536xf32, #tpu.memory_space<vmem>>[vector<16xi32>], vector<16xf32>,
      %add3A_1042 = arith.addf %add3A_1032, %gather3A_1041 : vector<16xf32>
      %add3A_1043 = arith.constant 518 : i32
      %add3A_1044 = vector.broadcast %add3A_1043 : i32 to vector<16xi32>
      %add3A_1045 = arith.addi %mul3A_3, %add3A_1044 : vector<16xi32>
      %gather3A_1046 = tpu.vector_load_idx %arg13[%add3A_1045] : memref<1536xf32, #tpu.memory_space<vmem>>[vector<16xi32>], vector<16xf32>,
      %add3A_1047 = arith.addf %add3A_1037, %gather3A_1046 : vector<16xf32>
      %add3A_1048 = arith.constant 519 : i32
      %add3A_1049 = vector.broadcast %add3A_1048 : i32 to vector<16xi32>
      %add3A_1050 = arith.addi %mul3A_3, %add3A_1049 : vector<16xi32>
      %gather3A_1051 = tpu.vector_load_idx %arg13[%add3A_1050] : memref<1536xf32, #tpu.memory_space<vmem>>[vector<16xi32>], vector<16xf32>,
      %add3A_1052 = arith.addf %add3A_1042, %gather3A_1051 : vector<16xf32>
      %add3A_1053 = arith.constant 520 : i32
      %add3A_1054 = vector.broadcast %add3A_1053 : i32 to vector<16xi32>
      %add3A_1055 = arith.addi %mul3A_3, %add3A_1054 : vector<16xi32>
      %gather3A_1056 = tpu.vector_load_idx %arg13[%add3A_1055] : memref<1536xf32, #tpu.memory_space<vmem>>[vector<16xi32>], vector<16xf32>,
      %add3A_1057 = arith.addf %add3A_1047, %gather3A_1056 : vector<16xf32>
      %add3A_1058 = arith.constant 521 : i32
      %add3A_1059 = vector.broadcast %add3A_1058 : i32 to vector<16xi32>
      %add3A_1060 = arith.addi %mul3A_3, %add3A_1059 : vector<16xi32>
      %gather3A_1061 = tpu.vector_load_idx %arg13[%add3A_1060] : memref<1536xf32, #tpu.memory_space<vmem>>[vector<16xi32>], vector<16xf32>,
      %add3A_1062 = arith.addf %add3A_1052, %gather3A_1061 : vector<16xf32>
      %add3A_1063 = arith.constant 522 : i32
      %add3A_1064 = vector.broadcast %add3A_1063 : i32 to vector<16xi32>
      %add3A_1065 = arith.addi %mul3A_3, %add3A_1064 : vector<16xi32>
      %gather3A_1066 = tpu.vector_load_idx %arg13[%add3A_1065] : memref<1536xf32, #tpu.memory_space<vmem>>[vector<16xi32>], vector<16xf32>,
      %add3A_1067 = arith.addf %add3A_1057, %gather3A_1066 : vector<16xf32>
      %add3A_1068 = arith.constant 523 : i32
      %add3A_1069 = vector.broadcast %add3A_1068 : i32 to vector<16xi32>
      %add3A_1070 = arith.addi %mul3A_3, %add3A_1069 : vector<16xi32>
      %gather3A_1071 = tpu.vector_load_idx %arg13[%add3A_1070] : memref<1536xf32, #tpu.memory_space<vmem>>[vector<16xi32>], vector<16xf32>,
      %add3A_1072 = arith.addf %add3A_1062, %gather3A_1071 : vector<16xf32>
      %add3A_1073 = arith.constant 524 : i32
      %add3A_1074 = vector.broadcast %add3A_1073 : i32 to vector<16xi32>
      %add3A_1075 = arith.addi %mul3A_3, %add3A_1074 : vector<16xi32>
      %gather3A_1076 = tpu.vector_load_idx %arg13[%add3A_1075] : memref<1536xf32, #tpu.memory_space<vmem>>[vector<16xi32>], vector<16xf32>,
      %add3A_1077 = arith.addf %add3A_1067, %gather3A_1076 : vector<16xf32>
      %add3A_1078 = arith.constant 525 : i32
      %add3A_1079 = vector.broadcast %add3A_1078 : i32 to vector<16xi32>
      %add3A_1080 = arith.addi %mul3A_3, %add3A_1079 : vector<16xi32>
      %gather3A_1081 = tpu.vector_load_idx %arg13[%add3A_1080] : memref<1536xf32, #tpu.memory_space<vmem>>[vector<16xi32>], vector<16xf32>,
      %add3A_1082 = arith.addf %add3A_1072, %gather3A_1081 : vector<16xf32>
      %add3A_1083 = arith.constant 526 : i32
      %add3A_1084 = vector.broadcast %add3A_1083 : i32 to vector<16xi32>
      %add3A_1085 = arith.addi %mul3A_3, %add3A_1084 : vector<16xi32>
      %gather3A_1086 = tpu.vector_load_idx %arg13[%add3A_1085] : memref<1536xf32, #tpu.memory_space<vmem>>[vector<16xi32>], vector<16xf32>,
      %add3A_1087 = arith.addf %add3A_1077, %gather3A_1086 : vector<16xf32>
      %add3A_1088 = arith.constant 527 : i32
      %add3A_1089 = vector.broadcast %add3A_1088 : i32 to vector<16xi32>
      %add3A_1090 = arith.addi %mul3A_3, %add3A_1089 : vector<16xi32>
      %gather3A_1091 = tpu.vector_load_idx %arg13[%add3A_1090] : memref<1536xf32, #tpu.memory_space<vmem>>[vector<16xi32>], vector<16xf32>,
      %add3A_1092 = arith.addf %add3A_1082, %gather3A_1091 : vector<16xf32>
      %add3A_1093 = arith.addf %add3A_1087, %add3A_1092 : vector<16xf32>
      %mul3A_1094 = arith.constant 96 : i32
      %mul3A_1095 = arith.muli %add3A_59, %mul3A_1094 : i32
      %add3A_1096 = arith.constant 32 : i32
      %add3A_1097 = arith.addi %mul3A_1095, %add3A_1096 : i32
      %jit3A_1098 = arith.constant 512 : i32
      %div3A_1099 = arith.divsi %add3A_1097, %jit3A_1098 : i32
      %sign3A_1100 = arith.constant 0 : i32
      %sign3A_1101 = arith.cmpi sgt, %add3A_1097, %sign3A_1100 : i32
      %sign3A_1102 = arith.extui %sign3A_1101 : i1 to i32
      %sign3A_1103 = arith.constant 0 : i32
      %sign3A_1104 = arith.cmpi slt, %add3A_1097, %sign3A_1103 : i32
      %sign3A_1105 = arith.extui %sign3A_1104 : i1 to i32
      %sign3A_1106 = arith.subi %sign3A_1102, %sign3A_1105 : i32
      %sign3A_1107 = arith.constant 0 : i32
      %sign3A_1108 = arith.cmpi sgt, %jit3A_1098, %sign3A_1107 : i32
      %sign3A_1109 = arith.extui %sign3A_1108 : i1 to i32
      %sign3A_1110 = arith.constant 0 : i32
      %sign3A_1111 = arith.cmpi slt, %jit3A_1098, %sign3A_1110 : i32
      %sign3A_1112 = arith.extui %sign3A_1111 : i1 to i32
      %sign3A_1113 = arith.subi %sign3A_1109, %sign3A_1112 : i32
      %ne3A_1114 = arith.cmpi ne, %sign3A_1106, %sign3A_1113 : i32
      %rem3A_1115 = arith.remsi %add3A_1097, %jit3A_1098 : i32
      %ne3A_1116 = arith.constant 0 : i32
      %ne3A_1117 = arith.cmpi ne, %rem3A_1115, %ne3A_1116 : i32
      %and3A_1118 = arith.andi %ne3A_1114, %ne3A_1117 : i1
      %sub3A_1119 = arith.constant 1 : i32
      %sub3A_1120 = arith.subi %div3A_1099, %sub3A_1119 : i32
      %select_n3A_1121 = arith.select %and3A_1118, %sub3A_1120, %div3A_1099 : i32
      %mul3A_1122 = arith.constant 512 : i32
      %mul3A_1123 = arith.muli %select_n3A_1121, %mul3A_1122 : i32
      %sub3A_1124 = arith.subi %add3A_1097, %mul3A_1123 : i32
      %swap3A_1125 = arith.index_cast %select_n3A_1121 : i32 to index
      %swap3A_1126 = arith.index_cast %sub3A_1124 : i32 to index
      %swap3A_1127 = tpu.vector_load %arg14[%swap3A_1125, %swap3A_1126] {strides = array<i32>} : memref<21x512xf32, #tpu.memory_space<vmem>>, vector<16xf32>,
      tpu.vector_store %arg14[%swap3A_1125, %swap3A_1126], %add3A_1093 {strides = array<i32>} : memref<21x512xf32, #tpu.memory_space<vmem>>, vector<16xf32>,
      %add3A_1128 = arith.constant 768 : i32
      %add3A_1129 = vector.broadcast %add3A_1128 : i32 to vector<16xi32>
      %add3A_1130 = arith.addi %mul3A_3, %add3A_1129 : vector<16xi32>
      %gather3A_1131 = tpu.vector_load_idx %arg13[%add3A_1130] : memref<1536xf32, #tpu.memory_space<vmem>>[vector<16xi32>], vector<16xf32>,
      %add3A_1132 = arith.constant 769 : i32
      %add3A_1133 = vector.broadcast %add3A_1132 : i32 to vector<16xi32>
      %add3A_1134 = arith.addi %mul3A_3, %add3A_1133 : vector<16xi32>
      %gather3A_1135 = tpu.vector_load_idx %arg13[%add3A_1134] : memref<1536xf32, #tpu.memory_space<vmem>>[vector<16xi32>], vector<16xf32>,
      %add3A_1136 = arith.constant 770 : i32
      %add3A_1137 = vector.broadcast %add3A_1136 : i32 to vector<16xi32>
      %add3A_1138 = arith.addi %mul3A_3, %add3A_1137 : vector<16xi32>
      %gather3A_1139 = tpu.vector_load_idx %arg13[%add3A_1138] : memref<1536xf32, #tpu.memory_space<vmem>>[vector<16xi32>], vector<16xf32>,
      %add3A_1140 = arith.addf %gather3A_1131, %gather3A_1139 : vector<16xf32>
      %add3A_1141 = arith.constant 771 : i32
      %add3A_1142 = vector.broadcast %add3A_1141 : i32 to vector<16xi32>
      %add3A_1143 = arith.addi %mul3A_3, %add3A_1142 : vector<16xi32>
      %gather3A_1144 = tpu.vector_load_idx %arg13[%add3A_1143] : memref<1536xf32, #tpu.memory_space<vmem>>[vector<16xi32>], vector<16xf32>,
      %add3A_1145 = arith.addf %gather3A_1135, %gather3A_1144 : vector<16xf32>
      %add3A_1146 = arith.constant 772 : i32
      %add3A_1147 = vector.broadcast %add3A_1146 : i32 to vector<16xi32>
      %add3A_1148 = arith.addi %mul3A_3, %add3A_1147 : vector<16xi32>
      %gather3A_1149 = tpu.vector_load_idx %arg13[%add3A_1148] : memref<1536xf32, #tpu.memory_space<vmem>>[vector<16xi32>], vector<16xf32>,
      %add3A_1150 = arith.addf %add3A_1140, %gather3A_1149 : vector<16xf32>
      %add3A_1151 = arith.constant 773 : i32
      %add3A_1152 = vector.broadcast %add3A_1151 : i32 to vector<16xi32>
      %add3A_1153 = arith.addi %mul3A_3, %add3A_1152 : vector<16xi32>
      %gather3A_1154 = tpu.vector_load_idx %arg13[%add3A_1153] : memref<1536xf32, #tpu.memory_space<vmem>>[vector<16xi32>], vector<16xf32>,
      %add3A_1155 = arith.addf %add3A_1145, %gather3A_1154 : vector<16xf32>
      %add3A_1156 = arith.constant 774 : i32
      %add3A_1157 = vector.broadcast %add3A_1156 : i32 to vector<16xi32>
      %add3A_1158 = arith.addi %mul3A_3, %add3A_1157 : vector<16xi32>
      %gather3A_1159 = tpu.vector_load_idx %arg13[%add3A_1158] : memref<1536xf32, #tpu.memory_space<vmem>>[vector<16xi32>], vector<16xf32>,
      %add3A_1160 = arith.addf %add3A_1150, %gather3A_1159 : vector<16xf32>
      %add3A_1161 = arith.constant 775 : i32
      %add3A_1162 = vector.broadcast %add3A_1161 : i32 to vector<16xi32>
      %add3A_1163 = arith.addi %mul3A_3, %add3A_1162 : vector<16xi32>
      %gather3A_1164 = tpu.vector_load_idx %arg13[%add3A_1163] : memref<1536xf32, #tpu.memory_space<vmem>>[vector<16xi32>], vector<16xf32>,
      %add3A_1165 = arith.addf %add3A_1155, %gather3A_1164 : vector<16xf32>
      %add3A_1166 = arith.constant 776 : i32
      %add3A_1167 = vector.broadcast %add3A_1166 : i32 to vector<16xi32>
      %add3A_1168 = arith.addi %mul3A_3, %add3A_1167 : vector<16xi32>
      %gather3A_1169 = tpu.vector_load_idx %arg13[%add3A_1168] : memref<1536xf32, #tpu.memory_space<vmem>>[vector<16xi32>], vector<16xf32>,
      %add3A_1170 = arith.addf %add3A_1160, %gather3A_1169 : vector<16xf32>
      %add3A_1171 = arith.constant 777 : i32
      %add3A_1172 = vector.broadcast %add3A_1171 : i32 to vector<16xi32>
      %add3A_1173 = arith.addi %mul3A_3, %add3A_1172 : vector<16xi32>
      %gather3A_1174 = tpu.vector_load_idx %arg13[%add3A_1173] : memref<1536xf32, #tpu.memory_space<vmem>>[vector<16xi32>], vector<16xf32>,
      %add3A_1175 = arith.addf %add3A_1165, %gather3A_1174 : vector<16xf32>
      %add3A_1176 = arith.constant 778 : i32
      %add3A_1177 = vector.broadcast %add3A_1176 : i32 to vector<16xi32>
      %add3A_1178 = arith.addi %mul3A_3, %add3A_1177 : vector<16xi32>
      %gather3A_1179 = tpu.vector_load_idx %arg13[%add3A_1178] : memref<1536xf32, #tpu.memory_space<vmem>>[vector<16xi32>], vector<16xf32>,
      %add3A_1180 = arith.addf %add3A_1170, %gather3A_1179 : vector<16xf32>
      %add3A_1181 = arith.constant 779 : i32
      %add3A_1182 = vector.broadcast %add3A_1181 : i32 to vector<16xi32>
      %add3A_1183 = arith.addi %mul3A_3, %add3A_1182 : vector<16xi32>
      %gather3A_1184 = tpu.vector_load_idx %arg13[%add3A_1183] : memref<1536xf32, #tpu.memory_space<vmem>>[vector<16xi32>], vector<16xf32>,
      %add3A_1185 = arith.addf %add3A_1175, %gather3A_1184 : vector<16xf32>
      %add3A_1186 = arith.constant 780 : i32
      %add3A_1187 = vector.broadcast %add3A_1186 : i32 to vector<16xi32>
      %add3A_1188 = arith.addi %mul3A_3, %add3A_1187 : vector<16xi32>
      %gather3A_1189 = tpu.vector_load_idx %arg13[%add3A_1188] : memref<1536xf32, #tpu.memory_space<vmem>>[vector<16xi32>], vector<16xf32>,
      %add3A_1190 = arith.addf %add3A_1180, %gather3A_1189 : vector<16xf32>
      %add3A_1191 = arith.constant 781 : i32
      %add3A_1192 = vector.broadcast %add3A_1191 : i32 to vector<16xi32>
      %add3A_1193 = arith.addi %mul3A_3, %add3A_1192 : vector<16xi32>
      %gather3A_1194 = tpu.vector_load_idx %arg13[%add3A_1193] : memref<1536xf32, #tpu.memory_space<vmem>>[vector<16xi32>], vector<16xf32>,
      %add3A_1195 = arith.addf %add3A_1185, %gather3A_1194 : vector<16xf32>
      %add3A_1196 = arith.constant 782 : i32
      %add3A_1197 = vector.broadcast %add3A_1196 : i32 to vector<16xi32>
      %add3A_1198 = arith.addi %mul3A_3, %add3A_1197 : vector<16xi32>
      %gather3A_1199 = tpu.vector_load_idx %arg13[%add3A_1198] : memref<1536xf32, #tpu.memory_space<vmem>>[vector<16xi32>], vector<16xf32>,
      %add3A_1200 = arith.addf %add3A_1190, %gather3A_1199 : vector<16xf32>
      %add3A_1201 = arith.constant 783 : i32
      %add3A_1202 = vector.broadcast %add3A_1201 : i32 to vector<16xi32>
      %add3A_1203 = arith.addi %mul3A_3, %add3A_1202 : vector<16xi32>
      %gather3A_1204 = tpu.vector_load_idx %arg13[%add3A_1203] : memref<1536xf32, #tpu.memory_space<vmem>>[vector<16xi32>], vector<16xf32>,
      %add3A_1205 = arith.addf %add3A_1195, %gather3A_1204 : vector<16xf32>
      %add3A_1206 = arith.addf %add3A_1200, %add3A_1205 : vector<16xf32>
      %mul3A_1207 = arith.constant 96 : i32
      %mul3A_1208 = arith.muli %add3A_59, %mul3A_1207 : i32
      %add3A_1209 = arith.constant 48 : i32
      %add3A_1210 = arith.addi %mul3A_1208, %add3A_1209 : i32
      %jit3A_1211 = arith.constant 512 : i32
      %div3A_1212 = arith.divsi %add3A_1210, %jit3A_1211 : i32
      %sign3A_1213 = arith.constant 0 : i32
      %sign3A_1214 = arith.cmpi sgt, %add3A_1210, %sign3A_1213 : i32
      %sign3A_1215 = arith.extui %sign3A_1214 : i1 to i32
      %sign3A_1216 = arith.constant 0 : i32
      %sign3A_1217 = arith.cmpi slt, %add3A_1210, %sign3A_1216 : i32
      %sign3A_1218 = arith.extui %sign3A_1217 : i1 to i32
      %sign3A_1219 = arith.subi %sign3A_1215, %sign3A_1218 : i32
      %sign3A_1220 = arith.constant 0 : i32
      %sign3A_1221 = arith.cmpi sgt, %jit3A_1211, %sign3A_1220 : i32
      %sign3A_1222 = arith.extui %sign3A_1221 : i1 to i32
      %sign3A_1223 = arith.constant 0 : i32
      %sign3A_1224 = arith.cmpi slt, %jit3A_1211, %sign3A_1223 : i32
      %sign3A_1225 = arith.extui %sign3A_1224 : i1 to i32
      %sign3A_1226 = arith.subi %sign3A_1222, %sign3A_1225 : i32
      %ne3A_1227 = arith.cmpi ne, %sign3A_1219, %sign3A_1226 : i32
      %rem3A_1228 = arith.remsi %add3A_1210, %jit3A_1211 : i32
      %ne3A_1229 = arith.constant 0 : i32
      %ne3A_1230 = arith.cmpi ne, %rem3A_1228, %ne3A_1229 : i32
      %and3A_1231 = arith.andi %ne3A_1227, %ne3A_1230 : i1
      %sub3A_1232 = arith.constant 1 : i32
      %sub3A_1233 = arith.subi %div3A_1212, %sub3A_1232 : i32
      %select_n3A_1234 = arith.select %and3A_1231, %sub3A_1233, %div3A_1212 : i32
      %mul3A_1235 = arith.constant 512 : i32
      %mul3A_1236 = arith.muli %select_n3A_1234, %mul3A_1235 : i32
      %sub3A_1237 = arith.subi %add3A_1210, %mul3A_1236 : i32
      %swap3A_1238 = arith.index_cast %select_n3A_1234 : i32 to index
      %swap3A_1239 = arith.index_cast %sub3A_1237 : i32 to index
      %swap3A_1240 = tpu.vector_load %arg14[%swap3A_1238, %swap3A_1239] {strides = array<i32>} : memref<21x512xf32, #tpu.memory_space<vmem>>, vector<16xf32>,
      tpu.vector_store %arg14[%swap3A_1238, %swap3A_1239], %add3A_1206 {strides = array<i32>} : memref<21x512xf32, #tpu.memory_space<vmem>>, vector<16xf32>,
      %add3A_1241 = arith.constant 1024 : i32
      %add3A_1242 = vector.broadcast %add3A_1241 : i32 to vector<16xi32>
      %add3A_1243 = arith.addi %mul3A_3, %add3A_1242 : vector<16xi32>
      %gather3A_1244 = tpu.vector_load_idx %arg13[%add3A_1243] : memref<1536xf32, #tpu.memory_space<vmem>>[vector<16xi32>], vector<16xf32>,
      %add3A_1245 = arith.constant 1025 : i32
      %add3A_1246 = vector.broadcast %add3A_1245 : i32 to vector<16xi32>
      %add3A_1247 = arith.addi %mul3A_3, %add3A_1246 : vector<16xi32>
      %gather3A_1248 = tpu.vector_load_idx %arg13[%add3A_1247] : memref<1536xf32, #tpu.memory_space<vmem>>[vector<16xi32>], vector<16xf32>,
      %add3A_1249 = arith.constant 1026 : i32
      %add3A_1250 = vector.broadcast %add3A_1249 : i32 to vector<16xi32>
      %add3A_1251 = arith.addi %mul3A_3, %add3A_1250 : vector<16xi32>
      %gather3A_1252 = tpu.vector_load_idx %arg13[%add3A_1251] : memref<1536xf32, #tpu.memory_space<vmem>>[vector<16xi32>], vector<16xf32>,
      %add3A_1253 = arith.addf %gather3A_1244, %gather3A_1252 : vector<16xf32>
      %add3A_1254 = arith.constant 1027 : i32
      %add3A_1255 = vector.broadcast %add3A_1254 : i32 to vector<16xi32>
      %add3A_1256 = arith.addi %mul3A_3, %add3A_1255 : vector<16xi32>
      %gather3A_1257 = tpu.vector_load_idx %arg13[%add3A_1256] : memref<1536xf32, #tpu.memory_space<vmem>>[vector<16xi32>], vector<16xf32>,
      %add3A_1258 = arith.addf %gather3A_1248, %gather3A_1257 : vector<16xf32>
      %add3A_1259 = arith.constant 1028 : i32
      %add3A_1260 = vector.broadcast %add3A_1259 : i32 to vector<16xi32>
      %add3A_1261 = arith.addi %mul3A_3, %add3A_1260 : vector<16xi32>
      %gather3A_1262 = tpu.vector_load_idx %arg13[%add3A_1261] : memref<1536xf32, #tpu.memory_space<vmem>>[vector<16xi32>], vector<16xf32>,
      %add3A_1263 = arith.addf %add3A_1253, %gather3A_1262 : vector<16xf32>
      %add3A_1264 = arith.constant 1029 : i32
      %add3A_1265 = vector.broadcast %add3A_1264 : i32 to vector<16xi32>
      %add3A_1266 = arith.addi %mul3A_3, %add3A_1265 : vector<16xi32>
      %gather3A_1267 = tpu.vector_load_idx %arg13[%add3A_1266] : memref<1536xf32, #tpu.memory_space<vmem>>[vector<16xi32>], vector<16xf32>,
      %add3A_1268 = arith.addf %add3A_1258, %gather3A_1267 : vector<16xf32>
      %add3A_1269 = arith.constant 1030 : i32
      %add3A_1270 = vector.broadcast %add3A_1269 : i32 to vector<16xi32>
      %add3A_1271 = arith.addi %mul3A_3, %add3A_1270 : vector<16xi32>
      %gather3A_1272 = tpu.vector_load_idx %arg13[%add3A_1271] : memref<1536xf32, #tpu.memory_space<vmem>>[vector<16xi32>], vector<16xf32>,
      %add3A_1273 = arith.addf %add3A_1263, %gather3A_1272 : vector<16xf32>
      %add3A_1274 = arith.constant 1031 : i32
      %add3A_1275 = vector.broadcast %add3A_1274 : i32 to vector<16xi32>
      %add3A_1276 = arith.addi %mul3A_3, %add3A_1275 : vector<16xi32>
      %gather3A_1277 = tpu.vector_load_idx %arg13[%add3A_1276] : memref<1536xf32, #tpu.memory_space<vmem>>[vector<16xi32>], vector<16xf32>,
      %add3A_1278 = arith.addf %add3A_1268, %gather3A_1277 : vector<16xf32>
      %add3A_1279 = arith.constant 1032 : i32
      %add3A_1280 = vector.broadcast %add3A_1279 : i32 to vector<16xi32>
      %add3A_1281 = arith.addi %mul3A_3, %add3A_1280 : vector<16xi32>
      %gather3A_1282 = tpu.vector_load_idx %arg13[%add3A_1281] : memref<1536xf32, #tpu.memory_space<vmem>>[vector<16xi32>], vector<16xf32>,
      %add3A_1283 = arith.addf %add3A_1273, %gather3A_1282 : vector<16xf32>
      %add3A_1284 = arith.constant 1033 : i32
      %add3A_1285 = vector.broadcast %add3A_1284 : i32 to vector<16xi32>
      %add3A_1286 = arith.addi %mul3A_3, %add3A_1285 : vector<16xi32>
      %gather3A_1287 = tpu.vector_load_idx %arg13[%add3A_1286] : memref<1536xf32, #tpu.memory_space<vmem>>[vector<16xi32>], vector<16xf32>,
      %add3A_1288 = arith.addf %add3A_1278, %gather3A_1287 : vector<16xf32>
      %add3A_1289 = arith.constant 1034 : i32
      %add3A_1290 = vector.broadcast %add3A_1289 : i32 to vector<16xi32>
      %add3A_1291 = arith.addi %mul3A_3, %add3A_1290 : vector<16xi32>
      %gather3A_1292 = tpu.vector_load_idx %arg13[%add3A_1291] : memref<1536xf32, #tpu.memory_space<vmem>>[vector<16xi32>], vector<16xf32>,
      %add3A_1293 = arith.addf %add3A_1283, %gather3A_1292 : vector<16xf32>
      %add3A_1294 = arith.constant 1035 : i32
      %add3A_1295 = vector.broadcast %add3A_1294 : i32 to vector<16xi32>
      %add3A_1296 = arith.addi %mul3A_3, %add3A_1295 : vector<16xi32>
      %gather3A_1297 = tpu.vector_load_idx %arg13[%add3A_1296] : memref<1536xf32, #tpu.memory_space<vmem>>[vector<16xi32>], vector<16xf32>,
      %add3A_1298 = arith.addf %add3A_1288, %gather3A_1297 : vector<16xf32>
      %add3A_1299 = arith.constant 1036 : i32
      %add3A_1300 = vector.broadcast %add3A_1299 : i32 to vector<16xi32>
      %add3A_1301 = arith.addi %mul3A_3, %add3A_1300 : vector<16xi32>
      %gather3A_1302 = tpu.vector_load_idx %arg13[%add3A_1301] : memref<1536xf32, #tpu.memory_space<vmem>>[vector<16xi32>], vector<16xf32>,
      %add3A_1303 = arith.addf %add3A_1293, %gather3A_1302 : vector<16xf32>
      %add3A_1304 = arith.constant 1037 : i32
      %add3A_1305 = vector.broadcast %add3A_1304 : i32 to vector<16xi32>
      %add3A_1306 = arith.addi %mul3A_3, %add3A_1305 : vector<16xi32>
      %gather3A_1307 = tpu.vector_load_idx %arg13[%add3A_1306] : memref<1536xf32, #tpu.memory_space<vmem>>[vector<16xi32>], vector<16xf32>,
      %add3A_1308 = arith.addf %add3A_1298, %gather3A_1307 : vector<16xf32>
      %add3A_1309 = arith.constant 1038 : i32
      %add3A_1310 = vector.broadcast %add3A_1309 : i32 to vector<16xi32>
      %add3A_1311 = arith.addi %mul3A_3, %add3A_1310 : vector<16xi32>
      %gather3A_1312 = tpu.vector_load_idx %arg13[%add3A_1311] : memref<1536xf32, #tpu.memory_space<vmem>>[vector<16xi32>], vector<16xf32>,
      %add3A_1313 = arith.addf %add3A_1303, %gather3A_1312 : vector<16xf32>
      %add3A_1314 = arith.constant 1039 : i32
      %add3A_1315 = vector.broadcast %add3A_1314 : i32 to vector<16xi32>
      %add3A_1316 = arith.addi %mul3A_3, %add3A_1315 : vector<16xi32>
      %gather3A_1317 = tpu.vector_load_idx %arg13[%add3A_1316] : memref<1536xf32, #tpu.memory_space<vmem>>[vector<16xi32>], vector<16xf32>,
      %add3A_1318 = arith.addf %add3A_1308, %gather3A_1317 : vector<16xf32>
      %add3A_1319 = arith.addf %add3A_1313, %add3A_1318 : vector<16xf32>
      %mul3A_1320 = arith.constant 96 : i32
      %mul3A_1321 = arith.muli %add3A_59, %mul3A_1320 : i32
      %add3A_1322 = arith.constant 64 : i32
      %add3A_1323 = arith.addi %mul3A_1321, %add3A_1322 : i32
      %jit3A_1324 = arith.constant 512 : i32
      %div3A_1325 = arith.divsi %add3A_1323, %jit3A_1324 : i32
      %sign3A_1326 = arith.constant 0 : i32
      %sign3A_1327 = arith.cmpi sgt, %add3A_1323, %sign3A_1326 : i32
      %sign3A_1328 = arith.extui %sign3A_1327 : i1 to i32
      %sign3A_1329 = arith.constant 0 : i32
      %sign3A_1330 = arith.cmpi slt, %add3A_1323, %sign3A_1329 : i32
      %sign3A_1331 = arith.extui %sign3A_1330 : i1 to i32
      %sign3A_1332 = arith.subi %sign3A_1328, %sign3A_1331 : i32
      %sign3A_1333 = arith.constant 0 : i32
      %sign3A_1334 = arith.cmpi sgt, %jit3A_1324, %sign3A_1333 : i32
      %sign3A_1335 = arith.extui %sign3A_1334 : i1 to i32
      %sign3A_1336 = arith.constant 0 : i32
      %sign3A_1337 = arith.cmpi slt, %jit3A_1324, %sign3A_1336 : i32
      %sign3A_1338 = arith.extui %sign3A_1337 : i1 to i32
      %sign3A_1339 = arith.subi %sign3A_1335, %sign3A_1338 : i32
      %ne3A_1340 = arith.cmpi ne, %sign3A_1332, %sign3A_1339 : i32
      %rem3A_1341 = arith.remsi %add3A_1323, %jit3A_1324 : i32
      %ne3A_1342 = arith.constant 0 : i32
      %ne3A_1343 = arith.cmpi ne, %rem3A_1341, %ne3A_1342 : i32
      %and3A_1344 = arith.andi %ne3A_1340, %ne3A_1343 : i1
      %sub3A_1345 = arith.constant 1 : i32
      %sub3A_1346 = arith.subi %div3A_1325, %sub3A_1345 : i32
      %select_n3A_1347 = arith.select %and3A_1344, %sub3A_1346, %div3A_1325 : i32
      %mul3A_1348 = arith.constant 512 : i32
      %mul3A_1349 = arith.muli %select_n3A_1347, %mul3A_1348 : i32
      %sub3A_1350 = arith.subi %add3A_1323, %mul3A_1349 : i32
      %swap3A_1351 = arith.index_cast %select_n3A_1347 : i32 to index
      %swap3A_1352 = arith.index_cast %sub3A_1350 : i32 to index
      %swap3A_1353 = tpu.vector_load %arg14[%swap3A_1351, %swap3A_1352] {strides = array<i32>} : memref<21x512xf32, #tpu.memory_space<vmem>>, vector<16xf32>,
      tpu.vector_store %arg14[%swap3A_1351, %swap3A_1352], %add3A_1319 {strides = array<i32>} : memref<21x512xf32, #tpu.memory_space<vmem>>, vector<16xf32>,
      %add3A_1354 = arith.constant 1280 : i32
      %add3A_1355 = vector.broadcast %add3A_1354 : i32 to vector<16xi32>
      %add3A_1356 = arith.addi %mul3A_3, %add3A_1355 : vector<16xi32>
      %gather3A_1357 = tpu.vector_load_idx %arg13[%add3A_1356] : memref<1536xf32, #tpu.memory_space<vmem>>[vector<16xi32>], vector<16xf32>,
      %add3A_1358 = arith.constant 1281 : i32
      %add3A_1359 = vector.broadcast %add3A_1358 : i32 to vector<16xi32>
      %add3A_1360 = arith.addi %mul3A_3, %add3A_1359 : vector<16xi32>
      %gather3A_1361 = tpu.vector_load_idx %arg13[%add3A_1360] : memref<1536xf32, #tpu.memory_space<vmem>>[vector<16xi32>], vector<16xf32>,
      %add3A_1362 = arith.constant 1282 : i32
      %add3A_1363 = vector.broadcast %add3A_1362 : i32 to vector<16xi32>
      %add3A_1364 = arith.addi %mul3A_3, %add3A_1363 : vector<16xi32>
      %gather3A_1365 = tpu.vector_load_idx %arg13[%add3A_1364] : memref<1536xf32, #tpu.memory_space<vmem>>[vector<16xi32>], vector<16xf32>,
      %add3A_1366 = arith.addf %gather3A_1357, %gather3A_1365 : vector<16xf32>
      %add3A_1367 = arith.constant 1283 : i32
      %add3A_1368 = vector.broadcast %add3A_1367 : i32 to vector<16xi32>
      %add3A_1369 = arith.addi %mul3A_3, %add3A_1368 : vector<16xi32>
      %gather3A_1370 = tpu.vector_load_idx %arg13[%add3A_1369] : memref<1536xf32, #tpu.memory_space<vmem>>[vector<16xi32>], vector<16xf32>,
      %add3A_1371 = arith.addf %gather3A_1361, %gather3A_1370 : vector<16xf32>
      %add3A_1372 = arith.constant 1284 : i32
      %add3A_1373 = vector.broadcast %add3A_1372 : i32 to vector<16xi32>
      %add3A_1374 = arith.addi %mul3A_3, %add3A_1373 : vector<16xi32>
      %gather3A_1375 = tpu.vector_load_idx %arg13[%add3A_1374] : memref<1536xf32, #tpu.memory_space<vmem>>[vector<16xi32>], vector<16xf32>,
      %add3A_1376 = arith.addf %add3A_1366, %gather3A_1375 : vector<16xf32>
      %add3A_1377 = arith.constant 1285 : i32
      %add3A_1378 = vector.broadcast %add3A_1377 : i32 to vector<16xi32>
      %add3A_1379 = arith.addi %mul3A_3, %add3A_1378 : vector<16xi32>
      %gather3A_1380 = tpu.vector_load_idx %arg13[%add3A_1379] : memref<1536xf32, #tpu.memory_space<vmem>>[vector<16xi32>], vector<16xf32>,
      %add3A_1381 = arith.addf %add3A_1371, %gather3A_1380 : vector<16xf32>
      %add3A_1382 = arith.constant 1286 : i32
      %add3A_1383 = vector.broadcast %add3A_1382 : i32 to vector<16xi32>
      %add3A_1384 = arith.addi %mul3A_3, %add3A_1383 : vector<16xi32>
      %gather3A_1385 = tpu.vector_load_idx %arg13[%add3A_1384] : memref<1536xf32, #tpu.memory_space<vmem>>[vector<16xi32>], vector<16xf32>,
      %add3A_1386 = arith.addf %add3A_1376, %gather3A_1385 : vector<16xf32>
      %add3A_1387 = arith.constant 1287 : i32
      %add3A_1388 = vector.broadcast %add3A_1387 : i32 to vector<16xi32>
      %add3A_1389 = arith.addi %mul3A_3, %add3A_1388 : vector<16xi32>
      %gather3A_1390 = tpu.vector_load_idx %arg13[%add3A_1389] : memref<1536xf32, #tpu.memory_space<vmem>>[vector<16xi32>], vector<16xf32>,
      %add3A_1391 = arith.addf %add3A_1381, %gather3A_1390 : vector<16xf32>
      %add3A_1392 = arith.constant 1288 : i32
      %add3A_1393 = vector.broadcast %add3A_1392 : i32 to vector<16xi32>
      %add3A_1394 = arith.addi %mul3A_3, %add3A_1393 : vector<16xi32>
      %gather3A_1395 = tpu.vector_load_idx %arg13[%add3A_1394] : memref<1536xf32, #tpu.memory_space<vmem>>[vector<16xi32>], vector<16xf32>,
      %add3A_1396 = arith.addf %add3A_1386, %gather3A_1395 : vector<16xf32>
      %add3A_1397 = arith.constant 1289 : i32
      %add3A_1398 = vector.broadcast %add3A_1397 : i32 to vector<16xi32>
      %add3A_1399 = arith.addi %mul3A_3, %add3A_1398 : vector<16xi32>
      %gather3A_1400 = tpu.vector_load_idx %arg13[%add3A_1399] : memref<1536xf32, #tpu.memory_space<vmem>>[vector<16xi32>], vector<16xf32>,
      %add3A_1401 = arith.addf %add3A_1391, %gather3A_1400 : vector<16xf32>
      %add3A_1402 = arith.constant 1290 : i32
      %add3A_1403 = vector.broadcast %add3A_1402 : i32 to vector<16xi32>
      %add3A_1404 = arith.addi %mul3A_3, %add3A_1403 : vector<16xi32>
      %gather3A_1405 = tpu.vector_load_idx %arg13[%add3A_1404] : memref<1536xf32, #tpu.memory_space<vmem>>[vector<16xi32>], vector<16xf32>,
      %add3A_1406 = arith.addf %add3A_1396, %gather3A_1405 : vector<16xf32>
      %add3A_1407 = arith.constant 1291 : i32
      %add3A_1408 = vector.broadcast %add3A_1407 : i32 to vector<16xi32>
      %add3A_1409 = arith.addi %mul3A_3, %add3A_1408 : vector<16xi32>
      %gather3A_1410 = tpu.vector_load_idx %arg13[%add3A_1409] : memref<1536xf32, #tpu.memory_space<vmem>>[vector<16xi32>], vector<16xf32>,
      %add3A_1411 = arith.addf %add3A_1401, %gather3A_1410 : vector<16xf32>
      %add3A_1412 = arith.constant 1292 : i32
      %add3A_1413 = vector.broadcast %add3A_1412 : i32 to vector<16xi32>
      %add3A_1414 = arith.addi %mul3A_3, %add3A_1413 : vector<16xi32>
      %gather3A_1415 = tpu.vector_load_idx %arg13[%add3A_1414] : memref<1536xf32, #tpu.memory_space<vmem>>[vector<16xi32>], vector<16xf32>,
      %add3A_1416 = arith.addf %add3A_1406, %gather3A_1415 : vector<16xf32>
      %add3A_1417 = arith.constant 1293 : i32
      %add3A_1418 = vector.broadcast %add3A_1417 : i32 to vector<16xi32>
      %add3A_1419 = arith.addi %mul3A_3, %add3A_1418 : vector<16xi32>
      %gather3A_1420 = tpu.vector_load_idx %arg13[%add3A_1419] : memref<1536xf32, #tpu.memory_space<vmem>>[vector<16xi32>], vector<16xf32>,
      %add3A_1421 = arith.addf %add3A_1411, %gather3A_1420 : vector<16xf32>
      %add3A_1422 = arith.constant 1294 : i32
      %add3A_1423 = vector.broadcast %add3A_1422 : i32 to vector<16xi32>
      %add3A_1424 = arith.addi %mul3A_3, %add3A_1423 : vector<16xi32>
      %gather3A_1425 = tpu.vector_load_idx %arg13[%add3A_1424] : memref<1536xf32, #tpu.memory_space<vmem>>[vector<16xi32>], vector<16xf32>,
      %add3A_1426 = arith.addf %add3A_1416, %gather3A_1425 : vector<16xf32>
      %add3A_1427 = arith.constant 1295 : i32
      %add3A_1428 = vector.broadcast %add3A_1427 : i32 to vector<16xi32>
      %add3A_1429 = arith.addi %mul3A_3, %add3A_1428 : vector<16xi32>
      %gather3A_1430 = tpu.vector_load_idx %arg13[%add3A_1429] : memref<1536xf32, #tpu.memory_space<vmem>>[vector<16xi32>], vector<16xf32>,
      %add3A_1431 = arith.addf %add3A_1421, %gather3A_1430 : vector<16xf32>
      %add3A_1432 = arith.addf %add3A_1426, %add3A_1431 : vector<16xf32>
      %mul3A_1433 = arith.constant 96 : i32
      %mul3A_1434 = arith.muli %add3A_59, %mul3A_1433 : i32
      %add3A_1435 = arith.constant 80 : i32
      %add3A_1436 = arith.addi %mul3A_1434, %add3A_1435 : i32
      %jit3A_1437 = arith.constant 512 : i32
      %div3A_1438 = arith.divsi %add3A_1436, %jit3A_1437 : i32
      %sign3A_1439 = arith.constant 0 : i32
      %sign3A_1440 = arith.cmpi sgt, %add3A_1436, %sign3A_1439 : i32
      %sign3A_1441 = arith.extui %sign3A_1440 : i1 to i32
      %sign3A_1442 = arith.constant 0 : i32
      %sign3A_1443 = arith.cmpi slt, %add3A_1436, %sign3A_1442 : i32
      %sign3A_1444 = arith.extui %sign3A_1443 : i1 to i32
      %sign3A_1445 = arith.subi %sign3A_1441, %sign3A_1444 : i32
      %sign3A_1446 = arith.constant 0 : i32
      %sign3A_1447 = arith.cmpi sgt, %jit3A_1437, %sign3A_1446 : i32
      %sign3A_1448 = arith.extui %sign3A_1447 : i1 to i32
      %sign3A_1449 = arith.constant 0 : i32
      %sign3A_1450 = arith.cmpi slt, %jit3A_1437, %sign3A_1449 : i32
      %sign3A_1451 = arith.extui %sign3A_1450 : i1 to i32
      %sign3A_1452 = arith.subi %sign3A_1448, %sign3A_1451 : i32
      %ne3A_1453 = arith.cmpi ne, %sign3A_1445, %sign3A_1452 : i32
      %rem3A_1454 = arith.remsi %add3A_1436, %jit3A_1437 : i32
      %ne3A_1455 = arith.constant 0 : i32
      %ne3A_1456 = arith.cmpi ne, %rem3A_1454, %ne3A_1455 : i32
      %and3A_1457 = arith.andi %ne3A_1453, %ne3A_1456 : i1
      %sub3A_1458 = arith.constant 1 : i32
      %sub3A_1459 = arith.subi %div3A_1438, %sub3A_1458 : i32
      %select_n3A_1460 = arith.select %and3A_1457, %sub3A_1459, %div3A_1438 : i32
      %mul3A_1461 = arith.constant 512 : i32
      %mul3A_1462 = arith.muli %select_n3A_1460, %mul3A_1461 : i32
      %sub3A_1463 = arith.subi %add3A_1436, %mul3A_1462 : i32
      %swap3A_1464 = arith.index_cast %select_n3A_1460 : i32 to index
      %swap3A_1465 = arith.index_cast %sub3A_1463 : i32 to index
      %swap3A_1466 = tpu.vector_load %arg14[%swap3A_1464, %swap3A_1465] {strides = array<i32>} : memref<21x512xf32, #tpu.memory_space<vmem>>, vector<16xf32>,
      tpu.vector_store %arg14[%swap3A_1464, %swap3A_1465], %add3A_1432 {strides = array<i32>} : memref<21x512xf32, #tpu.memory_space<vmem>>, vector<16xf32>,
    }
    %scan3A_38 = arith.constant 56 : i32
    %dma_wait3A_39 = arith.constant 10656 : i32
    %dma_wait3A_40 = tpu.memref_slice %arg7[%dma_wait3A_39] : memref<10752xi32, #tpu.memory_space<vmem>> -> memref<96xi32, #tpu.memory_space<vmem>>
    %dma_wait3A_41 = arith.constant 0 : i32
    %dma_wait3A_42 = arith.constant 0 : i32
    %dma_wait3A_43 = tpu.memref_slice %arg3[%dma_wait3A_41, %dma_wait3A_42] : memref<1000000x64xf32, #tpu.memory_space<hbm>> -> memref<1000000x64xf32, #tpu.memory_space<hbm>>
    tpu.wait_indirect_dma semaphore(%arg15 : memref<!tpu.dma_semaphore, #tpu.memory_space<semaphore_mem>>) src(%dma_wait3A_43 : memref<1000000x64xf32, #tpu.memory_space<hbm>>) dst(%arg9 : memref<96x64xf32, #tpu.memory_space<vmem>>)
    %dma_wait3A_44 = arith.constant 10656 : i32
    %dma_wait3A_45 = tpu.memref_slice %arg8[%dma_wait3A_44] : memref<10752xi32, #tpu.memory_space<vmem>> -> memref<96xi32, #tpu.memory_space<vmem>>
    %dma_wait3A_46 = arith.constant 0 : i32
    %dma_wait3A_47 = arith.constant 0 : i32
    %dma_wait3A_48 = tpu.memref_slice %arg4[%dma_wait3A_46, %dma_wait3A_47] : memref<1000000x64xf32, #tpu.memory_space<hbm>> -> memref<1000000x64xf32, #tpu.memory_space<hbm>>
    tpu.wait_indirect_dma semaphore(%arg16 : memref<!tpu.dma_semaphore, #tpu.memory_space<semaphore_mem>>) src(%dma_wait3A_48 : memref<1000000x64xf32, #tpu.memory_space<hbm>>) dst(%arg10 : memref<96x64xf32, #tpu.memory_space<vmem>>)
    %mul3A_49 = arith.constant 512 : i32
    %mul3A_50 = arith.muli %add3A, %mul3A_49 : i32
    "tpu.region"() ({
      %run_scoped3A = tpu.sem_alloc : memref<!tpu.dma_semaphore, #tpu.memory_space<semaphore_mem>>
      %dma_start3A_51 = arith.constant 0 : i32
      %dma_start3A_52 = tpu.memref_slice %arg5[%dma_start3A_51, %mul3A_50] : memref<21x16384xf32, #tpu.memory_space<hbm>> -> memref<21x512xf32, #tpu.memory_space<hbm>>
      %dma_start3A_53 = arith.constant 0 : i32
      %dma_start3A_54 = tpu.memref_slice %arg5[%dma_start3A_53, %mul3A_50] : memref<21x16384xf32, #tpu.memory_space<hbm>> -> memref<21x512xf32, #tpu.memory_space<hbm>>
      tpu.enqueue_dma source(%arg14 : memref<21x512xf32, #tpu.memory_space<vmem>>) target(%dma_start3A_54 : memref<21x512xf32, #tpu.memory_space<hbm>>) target_semaphore(%run_scoped3A : memref<!tpu.dma_semaphore, #tpu.memory_space<semaphore_mem>>)
      %dma_wait3A_55 = arith.constant 0 : i32
      %dma_wait3A_56 = tpu.memref_slice %arg5[%dma_wait3A_55, %mul3A_50] : memref<21x16384xf32, #tpu.memory_space<hbm>> -> memref<21x512xf32, #tpu.memory_space<hbm>>
      %dma_wait3A_57 = arith.constant 0 : i32
      %dma_wait3A_58 = tpu.memref_slice %arg5[%dma_wait3A_57, %mul3A_50] : memref<21x16384xf32, #tpu.memory_space<hbm>> -> memref<21x512xf32, #tpu.memory_space<hbm>>
      tpu.wait_dma2 semaphore(%run_scoped3A : memref<!tpu.dma_semaphore, #tpu.memory_space<semaphore_mem>>) src(%arg14 : memref<21x512xf32, #tpu.memory_space<vmem>>) dst(%dma_wait3A_58 : memref<21x512xf32, #tpu.memory_space<hbm>>)
      tpu.yield
    }) : () -> ()
    return
  }
}

</mosaic_0001>

<sc_bundles>
// kernel: _sc_dot.3.cloned.1.call-start
scs
__scs_entry_jumppad:
0x0: {  	(pc) =	sbr.rel $0x88, $3  }
0x1: {  	(tag) =	ssettag $0x0;
	lr =	simm.s32 $0x1  }
0x2: {  	[smem:$0x3F9E] =	sst lr;
	_ =	strace $0xD0000000  }
0x3: {  	_ = 	snop  }
0x4: {  	_ = 	snop  }
0x5: {  	_ = 	snop  }
0x6: {  	_ = 	snop  }
0x7: {  	_ = 	snop  }
__scs_overlays_trampoline_lowered:
0x8: {  	[smem:$0x3FAD] =	sst s0  }
0x9: {  	[smem:$0x3FAE] =	sst s1  }
0xa: {  	[smem:$0x3FAF] =	sst s2  }
0xb: {  	[smem:$0x3FB0] =	sst s3  }
0xc: {  	[smem:$0x3FB1] =	sst s4  }
0xd: {  	[smem:$0x3FB2] =	sst s5  }
0xe: {  	[smem:$0x3FB3] =	sst s6  }
0xf: {  	[smem:$0x3FB4] =	sst s7  }
0x10: {  	[smem:$0x3FB5] =	sst s8  }
0x11: {  	[smem:$0x3FB6] =	sst s9;
	s0 =	simm.s32 @!p0 $0x0  }
0x12: {  	s1 =	sld [smem:$0x3F9C];
	s0 =	simm.s32 @p0 $0x1  }
0x13: {  	[smem:$0x3FB7] =	sst s0;
	s0 =	simm.s32 @!p1 $0x0  }
0x14: {  	s2 =	sld [smem:$0x3F9B];
	s0 =	simm.s32 @p1 $0x1  }
0x15: {  	[smem:$0x3FB8] =	sst s0;
	s0 =	simm.s32 @!p2 $0x0  }
0x16: {  	s3 =	sld [smem:$0x3FDB];
	s0 =	simm.s32 @p2 $0x1  }
0x17: {  	s4 =	simm.s32 $0x1BF5;
	[smem:$0x3FBA] =	sst s0  }
0x18: {  	s0 =	sld [smem:$0x3F9D];
	_ =	swait.ge [sflag:s4], $0x0  }
0x19: {  	s7 =	sld [smem:$0x3F9E]  }
0x1a: {  	s8 =	sadd.s32 $0xFFFFE003, lr  }
0x1b: {  	s9 =	sadd.s32 $0xFFFFFEF7, lr;
	s5 =	simm.s32 $0xFFFFFFFF;
	p2 =	slt.u32 s8, $0xFFFFF086  }
0x1c: {  	p1 =	slt.u32 s9, $0xF7A;
	s5 =	simm.s32 @!p2 $0x0  }
0x1d: {  	s5 =	simm.s32 @p1 $0x1;
	p0 =	seq.s32 s7, s2  }
0x1e: {  	s7 =	smul.u32 @!p0 $0xF7A, s2;
	p2 =	seq.s32 @!p0 s5, $0x0  }
0x1f: {  	s9 =	smul.u32 $0xF7A, s1;
	s8 =	simm.s32 @!p0 $0x1BF5;
	p2 =	por !p2, p0  }
0x20: {  	[sflag:s8] =	ssyncset.s32 @!p0 $0xFFFFF086;
	s6 =	sadd.s32 @!p0 s3, s7;
	s7 =	simm.s32 @!p0 $0x108  }
0x21: {  	s3 =	sadd.s32 s3, s9;
	s6 =	sadd.s32 @!p0 $0x88, s6;
	s7 =	simm.s32 @p2 $0x1082  }
0x22: {  	[simem:s7], [sflag:s8] =	dma.local @!p0 [hbm:s6], $0xF7A  }
0x23: {  	s9 =	sor.u32 $0xD0000000, s2;
	s6 =	simm.s32 $0x108;
	_ =	swait.ge @!p0 [sflag:s8], $0x0  }
0x24: {  	s3 =	sadd.s32 $0x88, s3;
	s6 =	simm.s32 @!p1 $0x1082;
	[sflag:s4] =	ssyncset.s32 $0xFFFFF086  }
0x25: {  	[simem:s6], [sflag:s4] =	dma.local [hbm:s3], $0xF7A  }
0x26: {  	[smem:$0x3F9E] =	sst s1;
	(tag) =	ssettag s2;
	_ =	strace s9  }
0x27: {  	s1 =	sld [smem:$0x3FAE]  }
0x28: {  	s2 =	sld [smem:$0x3FAF]  }
0x29: {  	s4 =	sld [smem:$0x3FB1]  }
0x2a: {  	p0 =	seq.s32 s5, $0x0;
	s5 =	sld [smem:$0x3FB2]  }
0x2b: {  	s6 =	sld [smem:$0x3FB3]  }
0x2c: {  	s7 =	sld [smem:$0x3FB4]  }
0x2d: {  	s3 =	simm.s32 $0x108;
	s8 =	sld [smem:$0x3FB5]  }
0x2e: {  	s3 =	simm.s32 @!p0 $0x1082;
	s9 =	sld [smem:$0x3FB6]  }
0x2f: {  	lr =	sadd.s32 s0, s3;
	s0 =	sld [smem:$0x3FAD]  }
0x30: {  	s3 =	sld [smem:$0x3FB0]  }
0x31: {  	[smem:$0x3FB9] =	sst s10  }
0x32: {  	s10 =	sld [smem:$0x3FB7];
	_ =	sdelay $0x3  }
0x33: {  	p0 =	seq.s32 s10, $0x1;
	s10 =	sld [smem:$0x3FB9];
	_ =	sdelay $0x3  }
0x34: {  	[smem:$0x3FB9] =	sst s10  }
0x35: {  	s10 =	sld [smem:$0x3FB8];
	_ =	sdelay $0x3  }
0x36: {  	p1 =	seq.s32 s10, $0x1;
	s10 =	sld [smem:$0x3FB9];
	_ =	sdelay $0x3  }
0x37: {  	[smem:$0x3FB9] =	sst s10  }
0x38: {  	s10 =	sld [smem:$0x3FBA]  }
0x39: {  	_ = 	snop;
	(pc) =	sbr.ind lr, $3  }
0x3a: {  	_ = 	snop  }
0x3b: {  	_ = 	snop  }
0x3c: {  	p2 =	seq.s32 s10, $0x1;
	s10 =	sld [smem:$0x3FB9]  }
0x3d: {  	_ =	shalt  }
0x3e: {  	_ =	shalt  }
0x3f: {  	_ =	shalt  }
0x40: {  	_ =	shalt  }
0x41: {  	_ =	shalt  }
0x42: {  	_ =	shalt  }
0x43: {  	_ =	shalt  }
0x44: {  	_ =	shalt  }
0x45: {  	_ =	shalt  }
0x46: {  	_ =	shalt  }
0x47: {  	_ =	shalt  }
0x48: {  	_ =	shalt  }
0x49: {  	_ =	shalt  }
0x4a: {  	_ =	shalt  }
0x4b: {  	_ =	shalt  }
0x4c: {  	_ =	shalt  }
0x4d: {  	_ =	shalt  }
0x4e: {  	_ =	shalt  }
0x4f: {  	_ =	shalt  }
0x50: {  	_ =	shalt  }
0x51: {  	_ =	shalt  }
0x52: {  	_ =	shalt  }
0x53: {  	_ =	shalt  }
0x54: {  	_ =	shalt  }
0x55: {  	_ =	shalt  }
0x56: {  	_ =	shalt  }
0x57: {  	_ =	shalt  }
0x58: {  	_ =	shalt  }
0x59: {  	_ =	shalt  }
0x5a: {  	_ =	shalt  }
0x5b: {  	_ =	shalt  }
0x5c: {  	_ =	shalt  }
0x5d: {  	_ =	shalt  }
0x5e: {  	_ =	shalt  }
0x5f: {  	_ =	shalt  }
0x60: {  	_ =	shalt  }
0x61: {  	_ =	shalt  }
0x62: {  	_ =	shalt  }
0x63: {  	_ =	shalt  }
0x64: {  	_ =	shalt  }
0x65: {  	_ =	shalt  }
0x66: {  	_ =	shalt  }
0x67: {  	_ =	shalt  }
0x68: {  	_ =	shalt  }
0x69: {  	_ =	shalt  }
0x6a: {  	_ =	shalt  }
0x6b: {  	_ =	shalt  }
0x6c: {  	_ =	shalt  }
0x6d: {  	_ =	shalt  }
0x6e: {  	_ =	shalt  }
0x6f: {  	_ =	shalt  }
0x70: {  	_ =	shalt  }
0x71: {  	_ =	shalt  }
0x72: {  	_ =	shalt  }
0x73: {  	_ =	shalt  }
0x74: {  	_ =	shalt  }
0x75: {  	_ =	shalt  }
0x76: {  	_ =	shalt  }
0x77: {  	_ =	shalt  }
0x78: {  	_ =	shalt  }
0x79: {  	_ =	shalt  }
0x7a: {  	_ =	shalt  }
0x7b: {  	_ =	shalt  }
0x7c: {  	_ =	shalt  }
0x7d: {  	_ =	shalt  }
0x7e: {  	_ =	shalt  }
0x7f: {  	_ =	shalt  }
0x80: {  	_ =	shalt  }
0x81: {  	_ =	shalt  }
0x82: {  	_ =	shalt  }
0x83: {  	_ =	shalt  }
0x84: {  	_ =	shalt  }
0x85: {  	_ =	shalt  }
0x86: {  	_ =	shalt  }
0x87: {  	_ =	shalt  }
.Lfunc_end0:
.L_simem_size_0:
called_computation_lowered:
.L_overlay_start_0:
0x88: {  	s2 =	sld [smem:$0x3FD9]  }
0x89: {  	s3 =	sld [smem:$0x3FFE];
	_ =	sdelay $0x1  }
0x8a: {  	s1 =	srdreg.scid  }
0x8b: {  	s0 =	sand.u32 $0x1, s1  }
0x8c: {  	s17 =	sshll.u32 s0, $0xA;
	s2 =	sadd.s32 s3, s2  }
0x8d: {  	s2 =	sadd.s32 s2, s17  }
0x8e: {  	[smem:$0x3FC5] =	sst s2  }
0x8f: {  	_ = 	snop  }
0x90: {  	s2 =	sld [smem:$0x3FC9];
	(tm) =	ssettm $0x1  }
0x91: {  	s18 =	sld [smem:$0x3FFB];
	_ =	sdelay $0x3  }
0x92: {  	_ =	strace s18  }
0x93: {  	s3 =	sld [smem:$0x3FFC];
	_ =	sdelay $0x3  }
0x94: {  	_ =	strace s3  }
0x95: {  	s3 =	sld [smem:$0x3FFD];
	_ =	sdelay $0x3  }
0x96: {  	_ =	strace s3  }
0x97: {  	_ =	strace $0x8FFFFFFF  }
0x98: {  	s19 =	sld [smem:$0x3FDB];
	_ =	sdelay $0x1  }
0x99: {  	s4 =	simm.s32 $_scs_section_size  }
0x9a: {  	s5 =	simm.s32 $_size__tile_overlayer_lowered;
	s6 =	simm.s32 $_tile_overlayer_lowered  }
0x9b: {  	s22 =	simm.s32 $0x1BFF;
	s21 =	sshll.u32 s6, $0x1;
	s3 =	sadd.s32 s4, s19  }
0x9c: {  	s7 =	simm.s32 $0x0;
	s20 =	sshll.u32 s5, $0x1;
	s5 =	sadd.s32 s21, s3  }
0x9d: {  	[timem:s7], [sflag:s22] =	dma.local [hbm:s5], s20  }
0x9e: {  	_ =	swait.ge [sflag:s22], s20  }
0x9f: {  	s4 =	ssub.s32 $0x0, s20;
	[sflag:s22] =	ssyncset.done $0x0  }
0xa0: {  	[sflag:s22] =	ssyncadd.s32 s4;
	_ =	sdelay $0x1  }
0xa1: {  	s23 =	simm.s32 $0x1B8B  }
0xa2: {  	_ =	swait.ge [sflag:s23], $0x1  }
0xa3: {  	[sflag:s23] =	ssyncset.done $0x0  }
0xa4: {  	s25 =	simm.s32 $0x1B8E;
	s24 =	sld [smem:$0x3FFE];
	[sflag:s23] =	ssyncadd.s32 $0xFFFFFFFF  }
0xa5: {  	s26 =	simm.s32 $execute0_lowered;
	[smem:$0x3FD2] =	sst s25  }
0xa6: {  	s5 =	sshll.u32 s26, $0x1;
	_ =	strace $0x80000046;
	[dreg:$0x1] =	wrdreg $0xFFFFFFFF  }
0xa7: {  	s28 =	simm.s32 $_size_execute0_lowered;
	s3 =	sadd.s32 s3, s5;
	[dreg:$0x0] =	wrdreg $0x0  }
0xa8: {  	s5 =	sshll.u32 s28, $0x1;
	[dreg:$0x2] =	wrdreg s3  }
0xa9: {  	[dreg:$0x3] =	wrdreg s5  }
0xaa: {  	[dreg:$0x4] =	wrdreg $0xC0  }
0xab: {  	_ =	task [dreg:s7], $0x5FFFF  }
0xac: {  	[dreg:$0x1] =	wrdreg $0xFFFFFFFF  }
0xad: {  	[dreg:$0x0] =	wrdreg $0x60  }
0xae: {  	[dreg:$0x2] =	wrdreg s2  }
0xaf: {  	[dreg:$0x3] =	wrdreg s24  }
0xb0: {  	[dreg:$0x4] =	wrdreg $0x9  }
0xb1: {  	_ =	task.clear_ibuf [dreg:s7], $0x5FFFF;
	_ =	strace $0x90000046  }
0xb2: {  	s29 =	simm.s32 $0x9;
	_ =	strace $0x80000048  }
0xb3: {  	_ =	swait.ge [sflag:s29], $0x1  }
0xb4: {  	[sflag:s29] =	ssyncadd.s32 $0xFFFFFFFF  }
0xb5: {  	_ =	strace $0x90000048  }
0xb6: {  	_ =	sfence  }
0xb7: {  	s30 =	sld [smem:$0x0];
	_ =	sdelay $0x2  }
0xb8: {  	s31 =	sshll.u32 s1, $0xD;
	s1 =	sshrl.u32 s1, $0x2  }
0xb9: {  	s3 =	sand.u32 $0x4000, s31;
	s1 =	sadd.s32 s1, s30  }
0xba: {  	s0 =	sor.u32 s3, s0;
	s1 =	sshll.u32 s1, $0x11  }
0xbb: {  	s0 =	sor.u32 s1, s0  }
0xbc: {  	s0 =	sadd.s32 $0x8F2B, s0  }
0xbd: {  	[sflag:s0] =	ssyncadd.remote.s32 $0x1  }
0xbe: {  	_ =	sfence.sel $0xFFFF  }
0xbf: {  	[dreg:$0x0] =	wrdreg $0xFFFFFFFF;
	(pc) =	sbr.abs _section_cstart, $3  }
0xc0: {  	[dreg:$0x1] =	wrdreg $0xFFFFFFFF  }
0xc1: {  	_ =	task.clear_ibuf [dreg:s7], $0x2FFFF;
	_ =	strace $0x9FFFFFFF  }
0xc2: {  	(tm) =	ssettm $0x7FFFFFFF  }
0xc3: {  	_ =	shalt  }
tec
execute0_lowered:
.L_overlay_start_1:
0x0: {  	(tag) =	ssettag $0x1  }
0x1: {  	v0 =	vlaneseq.u32  }
0x2: {  	v0 =	vmul.u32 $0x10, v0;
	_ =	sdelay $0x1  }
0x3: {  	v1 =	vor.u32 $0x1, v0  }
0x4: {  	[tilespmem:$0x1FD80] =	vst v1;
	v1 =	vor.u32 $0x2, v0  }
0x5: {  	[tilespmem:$0x1FD90] =	vst v1;
	v1 =	vor.u32 $0x3, v0  }
0x6: {  	[tilespmem:$0x1FDA0] =	vst v1;
	v1 =	vor.u32 $0x4, v0  }
0x7: {  	[tilespmem:$0x1FDB0] =	vst v1;
	v1 =	vor.u32 $0x5, v0  }
0x8: {  	[tilespmem:$0x1FDC0] =	vst v1;
	v1 =	vor.u32 $0x6, v0  }
0x9: {  	[tilespmem:$0x1FDD0] =	vst v1;
	v1 =	vor.u32 $0x7, v0  }
0xa: {  	[tilespmem:$0x1FDE0] =	vst v1;
	v1 =	vor.u32 $0x8, v0  }
0xb: {  	[tilespmem:$0x1FDF0] =	vst v1;
	v1 =	vor.u32 $0x9, v0  }
0xc: {  	[tilespmem:$0x1FE00] =	vst v1;
	v1 =	vor.u32 $0xA, v0  }
0xd: {  	[tilespmem:$0x1FE10] =	vst v1;
	v1 =	vor.u32 $0xB, v0  }
0xe: {  	[tilespmem:$0x1FE20] =	vst v1;
	v1 =	vor.u32 $0xC, v0  }
0xf: {  	[tilespmem:$0x1FE30] =	vst v1;
	v1 =	vor.u32 $0xD, v0  }
0x10: {  	[tilespmem:$0x1FE40] =	vst v1;
	v1 =	vor.u32 $0xE, v0  }
0x11: {  	[tilespmem:$0x1FE50] =	vst v1;
	v1 =	vor.u32 $0xF, v0  }
0x12: {  	[tilespmem:$0x1FE60] =	vst v1;
	v1 =	vor.u32 $0x100, v0  }
0x13: {  	[tilespmem:$0x1FE70] =	vst v1;
	v1 =	vor.u32 $0x101, v0  }
0x14: {  	[tilespmem:$0x1FE80] =	vst v1;
	v1 =	vor.u32 $0x102, v0  }
0x15: {  	[tilespmem:$0x1FE90] =	vst v1;
	v1 =	vor.u32 $0x103, v0  }
0x16: {  	[tilespmem:$0x1FEA0] =	vst v1;
	v1 =	vor.u32 $0x104, v0  }
0x17: {  	[tilespmem:$0x1FEB0] =	vst v1;
	v1 =	vor.u32 $0x105, v0  }
0x18: {  	[tilespmem:$0x1FEC0] =	vst v1;
	v1 =	vor.u32 $0x106, v0  }
0x19: {  	[tilespmem:$0x1FED0] =	vst v1;
	v1 =	vor.u32 $0x107, v0  }
0x1a: {  	[tilespmem:$0x1FEE0] =	vst v1;
	v1 =	vor.u32 $0x108, v0  }
0x1b: {  	[tilespmem:$0x1FEF0] =	vst v1;
	v1 =	vor.u32 $0x109, v0  }
0x1c: {  	[tilespmem:$0x1FF00] =	vst v1;
	v1 =	vor.u32 $0x10A, v0  }
0x1d: {  	s0 =	rddreg [dreg:$0x0];
	s1 =	simm.s32 $0x0;
	[tilespmem:$0x1FF10] =	vst v1;
	v1 =	vor.u32 $0x10B, v0  }
0x1e: {  	[smem:$0x7FF] =	sst s1;
	[tilespmem:$0x1FF20] =	vst v1;
	v1 =	vor.u32 $0x10C, v0  }
0x1f: {  	s2 =	rddreg [dreg:$0x1];
	_ =	strace $0x80000047;
	[tilespmem:$0x1FF30] =	vst v1;
	v1 =	vor.u32 $0x10D, v0  }
0x20: {  	[tilespmem:$0x1FF40] =	vst v1;
	v1 =	vor.u32 $0x10E, v0  }
0x21: {  	s3 =	srdreg.scid;
	v41 =	vor.u32 $0x209, v0;
	v42 =	vor.u32 $0x20A, v0;
	[tilespmem:$0x1FF50] =	vst v1;
	v1 =	vor.u32 $0x10F, v0  }
0x22: {  	s4 =	stileid.u32;
	s10 =	simm.s32 $0x5;
	s11 =	simm.s32 $0x60;
	v43 =	vor.u32 $0x20B, v0;
	v44 =	vor.u32 $0x20C, v0;
	[tilespmem:$0x1FF60] =	vst v1;
	v1 =	vor.u32 $0x200, v0  }
0x23: {  	s13 =	simm.s32 $0xA800;
	s15 =	simm.s32 $0xC000;
	s16 =	simm.s32 $0x1;
	v45 =	vor.u32 $0x20D, v0;
	v46 =	vor.u32 $0x20E, v0;
	[tilespmem:$0x1FF70] =	vst v1;
	v1 =	vor.u32 $0x201, v0  }
0x24: {  	s17 =	simm.s32 $0x2;
	s18 =	simm.s32 $0xD800;
	s19 =	simm.s32 $0xF000;
	v47 =	vor.u32 $0x20F, v0;
	v48 =	vor.u32 $0x300, v0;
	[tilespmem:$0x1FF80] =	vst v1;
	v1 =	vor.u32 $0x202, v0  }
0x25: {  	s20 =	simm.s32 $0x10800;
	s21 =	simm.s32 $0x3;
	s22 =	simm.s32 $0x4;
	v49 =	vor.u32 $0x301, v0;
	v50 =	vor.u32 $0x302, v0;
	[tilespmem:$0x1FF90] =	vst v1;
	v1 =	vor.u32 $0x203, v0  }
0x26: {  	s24 =	simm.s32 $0x4000;
	s25 =	simm.s32 $0x10E00;
	s26 =	simm.s32 $0x6;
	v51 =	vor.u32 $0x303, v0;
	v52 =	vor.u32 $0x304, v0;
	[tilespmem:$0x1FFA0] =	vst v1;
	v1 =	vor.u32 $0x204, v0  }
0x27: {  	s28 =	simm.s32 $0x0;
	s5 =	sand.u32 $0x1, s3;
	s4 =	sshll.u32 s4, $0x1;
	v53 =	vor.u32 $0x305, v0;
	v54 =	vor.u32 $0x306, v0;
	[tilespmem:$0x1FFB0] =	vst v1;
	v1 =	vor.u32 $0x205, v0  }
0x28: {  	s3 =	sadd.s32 $0xF42800, s2;
	s6 =	sor.u32 s5, s4;
	s5 =	ssub.s32 $0x2, s5;
	v55 =	vor.u32 $0x307, v0;
	v56 =	vor.u32 $0x308, v0;
	[tilespmem:$0x1FFC0] =	vst v1;
	v1 =	vor.u32 $0x206, v0  }
0x29: {  	s4 =	sadd.s32 $0x16E3A00, s2;
	s7 =	sshll.u32 s6, $0x6;
	s31 =	sshrl.u32 s5, $0x1;
	v57 =	vor.u32 $0x309, v0;
	v58 =	vor.u32 $0x30A, v0;
	[tilespmem:$0x1FFD0] =	vst v1;
	v1 =	vor.u32 $0x207, v0  }
0x2a: {  	s6 =	sshll.u32 s6, $0x7;
	v59 =	vor.u32 $0x30B, v0;
	v60 =	vor.u32 $0x30C, v0;
	s2 =	sadd.s32 s7, s2;
	s7 =	ssub.s32 s5, s31;
	[tilespmem:$0x1FFE0] =	vst v1;
	v1 =	vor.u32 $0x208, v0  }
0x2b: {  	v61 =	vor.u32 $0x30D, v0;
	v62 =	vor.u32 $0x30E, v0;
	v63 =	vor.u32 $0x30F, v0;
	s5 =	sadd.s32 s0, s6;
	s6 =	sadd.s32 $0x400, s2;
	s7 =	smax.u32 s7, $0x1;
	[tilespmem:$0x1FFF0] =	vst v1  }
.LBB2_1:
0x2c: {  	s0 =	simm.s32 $0x400;
	s2 =	simm.s32 $0x8000  }
0x2d: {  	[tilespmem:s1], [sflag:$0x5] =	stream.strided.gather [hbm4b:s5+s0], $0x5400, s2, s0, $0x38;
	[tilespmem:$0x13800] =	vst v63  }
0x2e: {  	s0 =	simm.s32 $0x0  }
0x2f: {  	s9 =	simm.s32 $0x0;
	s14 =	sand.u32 $0xFFFFFFE0, s1;
	s29 =	sand.u32 $0x1C, s0  }
0x30: {  	s9 =	sand.u32 $0x3FFFFC00, s9;
	_ =	swait.ge [sflag:s10], $0x5400;
	s8 =	sshrl.u32 s29, $0x3  }
0x31: {  	s2 =	sshll.u32 s29, $0x4;
	s12 =	sshll.u32 s8, $0x7;
	s8 =	sshll.u32 s8, $0x8  }
0x32: {  	[sflag:s10] =	ssyncset.done $0x0;
	s2 =	ssub.s32 s2, s12;
	s8 =	sor.u32 s8, s9  }
0x33: {  	s14 =	ssub.s32 $0xFFFFFFFC, s14;
	[sflag:s10] =	ssyncadd.s32 $0xFFFFAC00;
	s8 =	sadd.s32 s2, s8  }
0x34: {  	s9 =	sadd.s32 $0x5, s14;
	v1 =	vld [tilespmem:s8+$0x0]  }
0x35: {  	s23 =	simm.s32 $0x0;
	s29 =	sshll.u32 s9, $0x10  }
0x36: {  	s23 =	sand.u32 $0xFFFFFE00, s23;
	s29 =	sshra.s32 s29, $0x1F  }
0x37: {  	s12 =	sor.u32 s23, s12;
	s30 =	sand.u32 $0x7, s29  }
0x38: {  	s2 =	sadd.s32 s2, s12;
	s31 =	sadd.s32 s30, s9  }
0x39: {  	s12 =	sshll.u32 s31, $0x10;
	[tilespmem:s2+$0x5400] =	vst v1  }
0x3a: {  	s9 =	sshra.s32 s9, $0x1F;
	s12 =	sshra.s32 s12, $0x13;
	v1 =	vld [tilespmem:s8+$0x80]  }
0x3b: {  	s8 =	sadd.s32 s12, s9  }
0x3c: {  	s8 =	sshll.u32 s8, $0x9  }
0x3d: {  	s23 =	simm.s32 $0x0;
	s8 =	sadd.s32 $0x0, s8  }
0x3e: {  	s12 =	sand.u32 $0x3FFFFE00, s23;
	s8 =	sshra.s32 s8, $0x2  }
0x3f: {  	s29 =	sadd.s32 s8, s12;
	[tilespmem:s2+$0x7E00] =	vst v1  }
0x40: {  	s8 =	sadd.s32 $0x6, s14;
	v1 =	vld [tilespmem:s29+$0x10]  }
0x41: {  	s30 =	sshll.u32 s8, $0x10  }
0x42: {  	s9 =	sshra.s32 s30, $0x1F  }
0x43: {  	s31 =	sand.u32 $0x7, s9  }
0x44: {  	s9 =	simm.s32 $0x0;
	s23 =	sadd.s32 s31, s8  }
0x45: {  	s23 =	sshll.u32 s23, $0x10;
	[tilespmem:s9+$0x5410] =	vst v1  }
0x46: {  	s8 =	sshra.s32 s8, $0x1F;
	v1 =	vld [tilespmem:s29+$0x90];
	s29 =	sshra.s32 s23, $0x13  }
0x47: {  	s2 =	sadd.s32 s29, s8  }
0x48: {  	s2 =	sshll.u32 s2, $0x9  }
0x49: {  	s2 =	sadd.s32 $0x0, s2  }
0x4a: {  	s2 =	sshra.s32 s2, $0x2  }
0x4b: {  	[tilespmem:s9+$0x7E10] =	vst v1;
	s2 =	sadd.s32 s2, s12  }
0x4c: {  	s30 =	sadd.s32 $0x7, s14;
	v1 =	vld [tilespmem:s2+$0x20]  }
0x4d: {  	s14 =	sshll.u32 s30, $0x10  }
0x4e: {  	s14 =	sshra.s32 s14, $0x1F  }
0x4f: {  	s14 =	sand.u32 $0x7, s14  }
0x50: {  	s14 =	sadd.s32 s14, s30  }
0x51: {  	s14 =	sshll.u32 s14, $0x10;
	[tilespmem:s9+$0x5420] =	vst v1  }
0x52: {  	s31 =	sshra.s32 s14, $0x13;
	s8 =	sshra.s32 s30, $0x1F;
	v1 =	vld [tilespmem:s2+$0xA0]  }
0x53: {  	s2 =	sadd.s32 s31, s8  }
0x54: {  	s2 =	sshll.u32 s2, $0x9  }
0x55: {  	s2 =	sadd.s32 $0x0, s2  }
0x56: {  	s2 =	sshra.s32 s2, $0x2  }
0x57: {  	s12 =	sadd.s32 s2, s12;
	[tilespmem:s9+$0x7E20] =	vst v1  }
0x58: {  	v1 =	vld [tilespmem:s12+$0x30];
	_ =	sdelay $0x4  }
0x59: {  	s8 =	simm.s32 $0x0;
	s2 =	simm.s32 $0x0;
	[tilespmem:s9+$0x5430] =	vst v1  }
.LBB2_2:
0x5a: {  	v1 =	vld [tilespmem:s12+$0xB0];
	s12 =	smov.u32 s0;
	s0 =	sadd.s32 $0x4, s0  }
0x5b: {  	s2 =	sadd.s32 $0x4, s2;
	s14 =	sand.u32 $0x1C, s0;
	p0 =	slt.u32 s0, $0x29C  }
0x5c: {  	s29 =	sshll.u32 s0, $0x5;
	s23 =	sshrl.u32 s14, $0x3;
	s14 =	sshll.u32 s14, $0x4  }
0x5d: {  	s29 =	sand.u32 $0x3FFFFC00, s29;
	s30 =	sshll.u32 s23, $0x7;
	s23 =	sshll.u32 s23, $0x8  }
0x5e: {  	s31 =	sand.u32 $0xFFFFFFE0, s2;
	s14 =	ssub.s32 s14, s30;
	s23 =	sor.u32 s23, s29  }
0x5f: {  	s12 =	ssub.s32 s12, s31;
	s23 =	sadd.s32 s14, s23;
	[tilespmem:s9+$0x7E30] =	vst v1  }
0x60: {  	s9 =	sadd.s32 $0x5, s12;
	v1 =	vld [tilespmem:s23+$0x0]  }
0x61: {  	s29 =	sshll.u32 s0, $0x4;
	s31 =	sshll.u32 s9, $0x10  }
0x62: {  	s29 =	sand.u32 $0xFFFFFE00, s29;
	s31 =	sshra.s32 s31, $0x1F  }
0x63: {  	s29 =	sor.u32 s29, s30;
	s30 =	sand.u32 $0x7, s31  }
0x64: {  	s29 =	sadd.s32 s14, s29;
	s14 =	sadd.s32 s30, s9  }
0x65: {  	s14 =	sshll.u32 s14, $0x10;
	[tilespmem:s29+$0x5400] =	vst v1  }
0x66: {  	s9 =	sshra.s32 s9, $0x1F;
	s14 =	sshra.s32 s14, $0x13;
	v1 =	vld [tilespmem:s23+$0x80]  }
0x67: {  	s9 =	sadd.s32 s14, s9  }
0x68: {  	s8 =	sadd.s32 $0x100, s8;
	s9 =	sshll.u32 s9, $0x9  }
0x69: {  	s14 =	sshll.u32 s2, $0x4;
	s9 =	sadd.s32 s9, s8  }
0x6a: {  	s14 =	sand.u32 $0x3FFFFE00, s14;
	s9 =	sshra.s32 s9, $0x2  }
0x6b: {  	s23 =	sadd.s32 s9, s14;
	[tilespmem:s29+$0x7E00] =	vst v1  }
0x6c: {  	s29 =	sadd.s32 $0x6, s12;
	v1 =	vld [tilespmem:s23+$0x10]  }
0x6d: {  	s9 =	sshll.u32 s29, $0x10  }
0x6e: {  	s9 =	sshra.s32 s9, $0x1F  }
0x6f: {  	s30 =	sand.u32 $0x7, s9  }
0x70: {  	s9 =	sshra.s32 s8, $0x2;
	s30 =	sadd.s32 s30, s29  }
0x71: {  	s30 =	sshll.u32 s30, $0x10;
	[tilespmem:s9+$0x5410] =	vst v1  }
0x72: {  	s29 =	sshra.s32 s29, $0x1F;
	v1 =	vld [tilespmem:s23+$0x90];
	s23 =	sshra.s32 s30, $0x13  }
0x73: {  	s23 =	sadd.s32 s23, s29  }
0x74: {  	s23 =	sshll.u32 s23, $0x9  }
0x75: {  	s23 =	sadd.s32 s23, s8  }
0x76: {  	s23 =	sshra.s32 s23, $0x2  }
0x77: {  	[tilespmem:s9+$0x7E10] =	vst v1;
	s23 =	sadd.s32 s23, s14  }
0x78: {  	s12 =	sadd.s32 $0x7, s12;
	v1 =	vld [tilespmem:s23+$0x20]  }
0x79: {  	s29 =	sshll.u32 s12, $0x10  }
0x7a: {  	s29 =	sshra.s32 s29, $0x1F  }
0x7b: {  	s29 =	sand.u32 $0x7, s29  }
0x7c: {  	s29 =	sadd.s32 s29, s12  }
0x7d: {  	s29 =	sshll.u32 s29, $0x10;
	[tilespmem:s9+$0x5420] =	vst v1  }
0x7e: {  	s12 =	sshra.s32 s12, $0x1F;
	v1 =	vld [tilespmem:s23+$0xA0];
	s23 =	sshra.s32 s29, $0x13  }
0x7f: {  	s12 =	sadd.s32 s23, s12  }
0x80: {  	s12 =	sshll.u32 s12, $0x9  }
0x81: {  	s12 =	sadd.s32 s12, s8  }
0x82: {  	s12 =	sshra.s32 s12, $0x2  }
0x83: {  	[tilespmem:s9+$0x7E20] =	vst v1;
	s12 =	sadd.s32 s12, s14  }
0x84: {  	v1 =	vld [tilespmem:s12+$0x30]  }
.Ltmp0:
0x85: {  	(pc) =	sbr.rel @p0 .LBB2_2-.Ltmp0, $2  }
0x86: {  	_ =	sdelay $0x2  }
0x87: {  	[tilespmem:s9+$0x5430] =	vst v1  }
0x88: {  	v1 =	vld [tilespmem:s12+$0xB0];
	_ =	sdelay $0x4  }
0x89: {  	s0 =	simm.s32 $0x5400;
	[tilespmem:s9+$0x7E30] =	vst v1  }
0x8a: {  	[tilespmem:s13], [sflag:$0x1] =	stream.indirect.gather [hbm4b:s3+s11], $0x40, s0, s11, $0xb8;
	[tilespmem:$0x13800] =	vst v63  }
0x8b: {  	s31 =	simm.s32 $0x7E00;
	s29 =	simm.s32 $0x0  }
0x8c: {  	[tilespmem:s15], [sflag:$0x2] =	stream.indirect.gather [hbm4b:s4+s11], $0x40, s31, s11, $0xb8;
	[tilespmem:$0x13800] =	vst v63  }
.LBB2_4:
0x8d: {  	_ =	swait.ge [sflag:s16], $0x1800  }
0x8e: {  	[sflag:s16] =	ssyncset.done $0x0  }
0x8f: {  	[sflag:s16] =	ssyncadd.s32 $0xFFFFE800  }
0x90: {  	s30 =	smul.u32 $0xC0, s29;
	_ =	swait.ge [sflag:s17], $0x1800  }
0x91: {  	[sflag:s17] =	ssyncset.done $0x0  }
0x92: {  	s0 =	sadd.s32 $0x5460, s30;
	[sflag:s17] =	ssyncadd.s32 $0xFFFFE800  }
0x93: {  	[tilespmem:s18], [sflag:$0x3] =	stream.indirect.gather [hbm4b:s3+s11], $0x40, s0, s11, $0xb8;
	[tilespmem:$0x13800] =	vst v63  }
0x94: {  	s2 =	simm.s32 $0xC100;
	s23 =	sadd.s32 $0x7E60, s30  }
0x95: {  	[tilespmem:s19], [sflag:$0x4] =	stream.indirect.gather [hbm4b:s4+s11], $0x40, s23, s11, $0xb8;
	[tilespmem:$0x13800] =	vst v63  }
0x96: {  	s8 =	simm.s32 $0xA900;
	v1 =	vld [tilespmem:s2+$0xFFFFFF00]  }
0x97: {  	v2 =	vld [tilespmem:s8+$0xFFFFFF10]  }
0x98: {  	v3 =	vld [tilespmem:s2+$0xFFFFFF10]  }
0x99: {  	v4 =	vld [tilespmem:s8+$0xFFFFFF00]  }
0x9a: {  	v5 =	vld [tilespmem:s2+$0xFFFFFF20]  }
0x9b: {  	v6 =	vld [tilespmem:s8+$0xFFFFFF20]  }
0x9c: {  	v7 =	vld [tilespmem:s2+$0xFFFFFF30]  }
0x9d: {  	v8 =	vld [tilespmem:s8+$0xFFFFFF30]  }
0x9e: {  	v2 =	vmul.f32 v3, v2;
	v1 =	vmul.f32 v1, v4;
	_ =	sdelay $0x1  }
0x9f: {  	v1 =	vadd.f32 v2, v1;
	v2 =	vmul.f32 v5, v6;
	_ =	sdelay $0x1  }
0xa0: {  	v1 =	vadd.f32 v2, v1;
	v2 =	vmul.f32 v7, v8;
	_ =	sdelay $0x1  }
0xa1: {  	v1 =	vadd.f32 v2, v1  }
0xa2: {  	s0 =	simm.s32 $0x10840  }
0xa3: {  	[tilespmem:s0+$0xFFFFFFC0] =	vst v1  }
0xa4: {  	v1 =	vld [tilespmem:s2+$0xFFFFFF50]  }
0xa5: {  	v2 =	vld [tilespmem:s8+$0xFFFFFF40]  }
0xa6: {  	v3 =	vld [tilespmem:s8+$0xFFFFFF50]  }
0xa7: {  	v4 =	vld [tilespmem:s2+$0xFFFFFF40]  }
0xa8: {  	v5 =	vld [tilespmem:s2+$0xFFFFFF60]  }
0xa9: {  	v6 =	vld [tilespmem:s8+$0xFFFFFF60]  }
0xaa: {  	v7 =	vld [tilespmem:s2+$0xFFFFFF70]  }
0xab: {  	v36 =	vld [tilespmem:s8+$0xFFFFFF70]  }
0xac: {  	v1 =	vmul.f32 v1, v3;
	v2 =	vmul.f32 v4, v2;
	_ =	sdelay $0x1  }
0xad: {  	v1 =	vadd.f32 v1, v2;
	v2 =	vmul.f32 v5, v6;
	_ =	sdelay $0x1  }
0xae: {  	v1 =	vadd.f32 v2, v1;
	v2 =	vmul.f32 v7, v36;
	_ =	sdelay $0x1  }
0xaf: {  	v1 =	vadd.f32 v2, v1;
	_ =	sdelay $0x1  }
0xb0: {  	[tilespmem:s0+$0xFFFFFFD0] =	vst v1  }
0xb1: {  	v1 =	vld [tilespmem:s8+$0xFFFFFF80]  }
0xb2: {  	v2 =	vld [tilespmem:s2+$0xFFFFFF80]  }
0xb3: {  	v3 =	vld [tilespmem:s2+$0xFFFFFF90]  }
0xb4: {  	v4 =	vld [tilespmem:s8+$0xFFFFFF90]  }
0xb5: {  	v5 =	vld [tilespmem:s8+$0xFFFFFFA0]  }
0xb6: {  	v6 =	vld [tilespmem:s2+$0xFFFFFFA0]  }
0xb7: {  	v7 =	vld [tilespmem:s8+$0xFFFFFFB0]  }
0xb8: {  	v37 =	vld [tilespmem:s2+$0xFFFFFFB0]  }
0xb9: {  	v1 =	vmul.f32 v2, v1;
	v2 =	vmul.f32 v3, v4;
	_ =	sdelay $0x1  }
0xba: {  	v1 =	vadd.f32 v2, v1;
	v2 =	vmul.f32 v6, v5;
	_ =	sdelay $0x1  }
0xbb: {  	v1 =	vadd.f32 v2, v1;
	v2 =	vmul.f32 v37, v7;
	_ =	sdelay $0x1  }
0xbc: {  	v1 =	vadd.f32 v2, v1;
	_ =	sdelay $0x1  }
0xbd: {  	[tilespmem:s0+$0xFFFFFFE0] =	vst v1  }
0xbe: {  	v1 =	vld [tilespmem:s8+$0xFFFFFFC0]  }
0xbf: {  	v2 =	vld [tilespmem:s2+$0xFFFFFFC0]  }
0xc0: {  	v3 =	vld [tilespmem:s8+$0xFFFFFFD0]  }
0xc1: {  	v4 =	vld [tilespmem:s2+$0xFFFFFFD0]  }
0xc2: {  	v5 =	vld [tilespmem:s8+$0xFFFFFFE0]  }
0xc3: {  	v6 =	vld [tilespmem:s2+$0xFFFFFFE0]  }
0xc4: {  	v7 =	vld [tilespmem:s8+$0xFFFFFFF0]  }
0xc5: {  	v38 =	vld [tilespmem:s2+$0xFFFFFFF0]  }
0xc6: {  	v1 =	vmul.f32 v2, v1;
	v2 =	vmul.f32 v4, v3;
	_ =	sdelay $0x1  }
0xc7: {  	v1 =	vadd.f32 v2, v1;
	v2 =	vmul.f32 v6, v5;
	_ =	sdelay $0x1  }
0xc8: {  	v1 =	vadd.f32 v2, v1;
	v2 =	vmul.f32 v38, v7;
	_ =	sdelay $0x1  }
0xc9: {  	v1 =	vadd.f32 v2, v1;
	_ =	sdelay $0x1  }
0xca: {  	[tilespmem:s0+$0xFFFFFFF0] =	vst v1  }
0xcb: {  	v1 =	vld [tilespmem:s2+$0x10]  }
0xcc: {  	v2 =	vld [tilespmem:s8+$0x0]  }
0xcd: {  	v3 =	vld [tilespmem:s2+$0x0]  }
0xce: {  	v4 =	vld [tilespmem:s8+$0x10]  }
0xcf: {  	v5 =	vld [tilespmem:s8+$0x20]  }
0xd0: {  	v6 =	vld [tilespmem:s2+$0x20]  }
0xd1: {  	v7 =	vld [tilespmem:s2+$0x30]  }
0xd2: {  	v39 =	vld [tilespmem:s8+$0x30]  }
0xd3: {  	v2 =	vmul.f32 v3, v2;
	v1 =	vmul.f32 v1, v4;
	_ =	sdelay $0x1  }
0xd4: {  	v1 =	vadd.f32 v1, v2;
	v2 =	vmul.f32 v6, v5;
	_ =	sdelay $0x1  }
0xd5: {  	v1 =	vadd.f32 v2, v1;
	v2 =	vmul.f32 v7, v39;
	_ =	sdelay $0x1  }
0xd6: {  	v1 =	vadd.f32 v2, v1;
	_ =	sdelay $0x1  }
0xd7: {  	[tilespmem:s0+$0x0] =	vst v1  }
0xd8: {  	v1 =	vld [tilespmem:s8+$0x40]  }
0xd9: {  	v2 =	vld [tilespmem:s2+$0x50]  }
0xda: {  	v3 =	vld [tilespmem:s8+$0x50]  }
0xdb: {  	v4 =	vld [tilespmem:s2+$0x40]  }
0xdc: {  	v5 =	vld [tilespmem:s8+$0x60]  }
0xdd: {  	v6 =	vld [tilespmem:s2+$0x60]  }
0xde: {  	v7 =	vld [tilespmem:s8+$0x70]  }
0xdf: {  	v40 =	vld [tilespmem:s2+$0x70]  }
0xe0: {  	v2 =	vmul.f32 v2, v3;
	v1 =	vmul.f32 v4, v1;
	_ =	sdelay $0x1  }
0xe1: {  	v1 =	vadd.f32 v2, v1;
	v2 =	vmul.f32 v6, v5;
	_ =	sdelay $0x1  }
0xe2: {  	v1 =	vadd.f32 v2, v1;
	v2 =	vmul.f32 v40, v7;
	_ =	sdelay $0x1  }
0xe3: {  	v1 =	vadd.f32 v2, v1;
	_ =	sdelay $0x1  }
0xe4: {  	[tilespmem:s0+$0x10] =	vst v1  }
0xe5: {  	v1 =	vld [tilespmem:s8+$0x80]  }
0xe6: {  	v2 =	vld [tilespmem:s2+$0x80]  }
0xe7: {  	v3 =	vld [tilespmem:s2+$0x90]  }
0xe8: {  	v4 =	vld [tilespmem:s8+$0x90]  }
0xe9: {  	v5 =	vld [tilespmem:s8+$0xA0]  }
0xea: {  	v6 =	vld [tilespmem:s2+$0xA0]  }
0xeb: {  	v7 =	vmul.f32 v2, v1;
	v1 =	vld [tilespmem:s8+$0xB0]  }
0xec: {  	v2 =	vld [tilespmem:s2+$0xB0]  }
0xed: {  	v3 =	vmul.f32 v3, v4  }
0xee: {  	s14 =	simm.s32 $0x0;
	s9 =	simm.s32 $0xA900  }
0xef: {  	s12 =	simm.s32 $0xC100;
	s31 =	sadd.s32 $0x60, s30;
	s23 =	simm.s32 $0x108C0;
	v4 =	vmul.f32 v6, v5;
	v3 =	vadd.f32 v3, v7  }
.LBB2_5:
0xf0: {  	s14 =	sadd.s32 $0x8, s14;
	s2 =	sadd.s32 $0x200, s2;
	s8 =	sadd.s32 $0x200, s8  }
0xf1: {  	p0 =	slt.u32 s14, $0x58;
	v3 =	vadd.f32 v4, v3;
	v1 =	vmul.f32 v2, v1;
	_ =	sdelay $0x1  }
0xf2: {  	v1 =	vadd.f32 v1, v3;
	_ =	sdelay $0x1  }
0xf3: {  	[tilespmem:s0+$0x20] =	vst v1  }
0xf4: {  	v1 =	vld [tilespmem:s9+$0xC0]  }
0xf5: {  	v2 =	vld [tilespmem:s12+$0xC0]  }
0xf6: {  	v3 =	vld [tilespmem:s12+$0xD0]  }
0xf7: {  	v4 =	vld [tilespmem:s9+$0xD0]  }
0xf8: {  	v5 =	vld [tilespmem:s9+$0xE0]  }
0xf9: {  	v6 =	vld [tilespmem:s12+$0xE0]  }
0xfa: {  	v1 =	vmul.f32 v2, v1;
	v2 =	vld [tilespmem:s9+$0xF0];
	s9 =	smov.u32 s8  }
0xfb: {  	v7 =	vld [tilespmem:s12+$0xF0];
	s12 =	smov.u32 s2  }
0xfc: {  	v3 =	vmul.f32 v3, v4;
	_ =	sdelay $0x1  }
0xfd: {  	v1 =	vadd.f32 v3, v1;
	v3 =	vmul.f32 v6, v5;
	_ =	sdelay $0x1  }
0xfe: {  	v1 =	vadd.f32 v3, v1;
	v2 =	vmul.f32 v7, v2;
	_ =	sdelay $0x1  }
0xff: {  	v1 =	vadd.f32 v2, v1;
	_ =	sdelay $0x1  }
0x100: {  	[tilespmem:s0+$0x30] =	vst v1;
	s0 =	smov.u32 s23  }
0x101: {  	v1 =	vld [tilespmem:s2+$0xFFFFFF00]  }
0x102: {  	v2 =	vld [tilespmem:s8+$0xFFFFFF10]  }
0x103: {  	v3 =	vld [tilespmem:s2+$0xFFFFFF10]  }
0x104: {  	v4 =	vld [tilespmem:s8+$0xFFFFFF00]  }
0x105: {  	v5 =	vld [tilespmem:s2+$0xFFFFFF20]  }
0x106: {  	v6 =	vld [tilespmem:s8+$0xFFFFFF20]  }
0x107: {  	v7 =	vld [tilespmem:s2+$0xFFFFFF30]  }
0x108: {  	v2 =	vmul.f32 v3, v2;
	v3 =	vld [tilespmem:s8+$0xFFFFFF30]  }
0x109: {  	v1 =	vmul.f32 v1, v4;
	_ =	sdelay $0x1  }
0x10a: {  	v1 =	vadd.f32 v2, v1;
	v2 =	vmul.f32 v5, v6;
	_ =	sdelay $0x1  }
0x10b: {  	v1 =	vadd.f32 v2, v1;
	v2 =	vmul.f32 v7, v3;
	_ =	sdelay $0x1  }
0x10c: {  	v1 =	vadd.f32 v2, v1;
	_ =	sdelay $0x1  }
0x10d: {  	[tilespmem:s23+$0xFFFFFFC0] =	vst v1  }
0x10e: {  	v1 =	vld [tilespmem:s2+$0xFFFFFF50]  }
0x10f: {  	v2 =	vld [tilespmem:s8+$0xFFFFFF40]  }
0x110: {  	v3 =	vld [tilespmem:s8+$0xFFFFFF50]  }
0x111: {  	v4 =	vld [tilespmem:s2+$0xFFFFFF40]  }
0x112: {  	v5 =	vld [tilespmem:s2+$0xFFFFFF60]  }
0x113: {  	v6 =	vld [tilespmem:s8+$0xFFFFFF60]  }
0x114: {  	v7 =	vld [tilespmem:s2+$0xFFFFFF70]  }
0x115: {  	v1 =	vmul.f32 v1, v3;
	v3 =	vld [tilespmem:s8+$0xFFFFFF70]  }
0x116: {  	v2 =	vmul.f32 v4, v2;
	_ =	sdelay $0x1  }
0x117: {  	v1 =	vadd.f32 v1, v2;
	v2 =	vmul.f32 v5, v6;
	_ =	sdelay $0x1  }
0x118: {  	v1 =	vadd.f32 v2, v1;
	v2 =	vmul.f32 v7, v3;
	_ =	sdelay $0x1  }
0x119: {  	v1 =	vadd.f32 v2, v1;
	_ =	sdelay $0x1  }
0x11a: {  	[tilespmem:s23+$0xFFFFFFD0] =	vst v1  }
0x11b: {  	v1 =	vld [tilespmem:s8+$0xFFFFFF80]  }
0x11c: {  	v2 =	vld [tilespmem:s2+$0xFFFFFF80]  }
0x11d: {  	v3 =	vld [tilespmem:s2+$0xFFFFFF90]  }
0x11e: {  	v4 =	vld [tilespmem:s8+$0xFFFFFF90]  }
0x11f: {  	v5 =	vld [tilespmem:s8+$0xFFFFFFA0]  }
0x120: {  	v6 =	vld [tilespmem:s2+$0xFFFFFFA0]  }
0x121: {  	v1 =	vmul.f32 v2, v1;
	v2 =	vld [tilespmem:s8+$0xFFFFFFB0]  }
0x122: {  	v7 =	vld [tilespmem:s2+$0xFFFFFFB0]  }
0x123: {  	v3 =	vmul.f32 v3, v4;
	_ =	sdelay $0x1  }
0x124: {  	v1 =	vadd.f32 v3, v1;
	v3 =	vmul.f32 v6, v5;
	_ =	sdelay $0x1  }
0x125: {  	v1 =	vadd.f32 v3, v1;
	v2 =	vmul.f32 v7, v2;
	_ =	sdelay $0x1  }
0x126: {  	v1 =	vadd.f32 v2, v1;
	_ =	sdelay $0x1  }
0x127: {  	[tilespmem:s23+$0xFFFFFFE0] =	vst v1  }
0x128: {  	v1 =	vld [tilespmem:s8+$0xFFFFFFC0]  }
0x129: {  	v2 =	vld [tilespmem:s2+$0xFFFFFFC0]  }
0x12a: {  	v3 =	vld [tilespmem:s8+$0xFFFFFFD0]  }
0x12b: {  	v4 =	vld [tilespmem:s2+$0xFFFFFFD0]  }
0x12c: {  	v5 =	vld [tilespmem:s8+$0xFFFFFFE0]  }
0x12d: {  	v6 =	vld [tilespmem:s2+$0xFFFFFFE0]  }
0x12e: {  	v1 =	vmul.f32 v2, v1;
	v2 =	vld [tilespmem:s8+$0xFFFFFFF0]  }
0x12f: {  	v7 =	vld [tilespmem:s2+$0xFFFFFFF0]  }
0x130: {  	v3 =	vmul.f32 v4, v3;
	_ =	sdelay $0x1  }
0x131: {  	v1 =	vadd.f32 v3, v1;
	v3 =	vmul.f32 v6, v5;
	_ =	sdelay $0x1  }
0x132: {  	v1 =	vadd.f32 v3, v1;
	v2 =	vmul.f32 v7, v2;
	_ =	sdelay $0x1  }
0x133: {  	v1 =	vadd.f32 v2, v1;
	_ =	sdelay $0x1  }
0x134: {  	[tilespmem:s23+$0xFFFFFFF0] =	vst v1  }
0x135: {  	v1 =	vld [tilespmem:s2+$0x10]  }
0x136: {  	v2 =	vld [tilespmem:s8+$0x0]  }
0x137: {  	v3 =	vld [tilespmem:s2+$0x0]  }
0x138: {  	v4 =	vld [tilespmem:s8+$0x10]  }
0x139: {  	v5 =	vld [tilespmem:s8+$0x20]  }
0x13a: {  	v6 =	vld [tilespmem:s2+$0x20]  }
0x13b: {  	v7 =	vld [tilespmem:s2+$0x30]  }
0x13c: {  	v2 =	vmul.f32 v3, v2;
	v3 =	vld [tilespmem:s8+$0x30]  }
0x13d: {  	v1 =	vmul.f32 v1, v4;
	_ =	sdelay $0x1  }
0x13e: {  	v1 =	vadd.f32 v1, v2;
	v2 =	vmul.f32 v6, v5;
	_ =	sdelay $0x1  }
0x13f: {  	v1 =	vadd.f32 v2, v1;
	v2 =	vmul.f32 v7, v3;
	_ =	sdelay $0x1  }
0x140: {  	v1 =	vadd.f32 v2, v1;
	_ =	sdelay $0x1  }
0x141: {  	[tilespmem:s23+$0x0] =	vst v1  }
0x142: {  	v1 =	vld [tilespmem:s8+$0x40]  }
0x143: {  	v2 =	vld [tilespmem:s2+$0x50]  }
0x144: {  	v3 =	vld [tilespmem:s8+$0x50]  }
0x145: {  	v4 =	vld [tilespmem:s2+$0x40]  }
0x146: {  	v5 =	vld [tilespmem:s8+$0x60]  }
0x147: {  	v6 =	vld [tilespmem:s2+$0x60]  }
0x148: {  	v7 =	vld [tilespmem:s8+$0x70]  }
0x149: {  	v2 =	vmul.f32 v2, v3;
	v3 =	vld [tilespmem:s2+$0x70]  }
0x14a: {  	v1 =	vmul.f32 v4, v1;
	_ =	sdelay $0x1  }
0x14b: {  	v1 =	vadd.f32 v2, v1;
	v2 =	vmul.f32 v6, v5;
	_ =	sdelay $0x1  }
0x14c: {  	v1 =	vadd.f32 v2, v1;
	v2 =	vmul.f32 v3, v7;
	_ =	sdelay $0x1  }
0x14d: {  	v1 =	vadd.f32 v2, v1;
	_ =	sdelay $0x1  }
0x14e: {  	[tilespmem:s23+$0x10] =	vst v1  }
0x14f: {  	v1 =	vld [tilespmem:s8+$0x80]  }
0x150: {  	v2 =	vld [tilespmem:s2+$0x80]  }
0x151: {  	v3 =	vld [tilespmem:s2+$0x90]  }
0x152: {  	v4 =	vld [tilespmem:s8+$0x90]  }
0x153: {  	v5 =	vld [tilespmem:s8+$0xA0]  }
0x154: {  	v6 =	vld [tilespmem:s2+$0xA0]  }
.Ltmp1:
0x155: {  	v7 =	vmul.f32 v2, v1;
	v1 =	vld [tilespmem:s8+$0xB0];
	(pc) =	sbr.rel @p0 .LBB2_5-.Ltmp1, $3  }
0x156: {  	v2 =	vld [tilespmem:s2+$0xB0]  }
0x157: {  	v3 =	vmul.f32 v3, v4;
	_ =	sdelay $0x1  }
0x158: {  	s23 =	sadd.s32 $0x80, s23;
	v3 =	vadd.f32 v3, v7;
	v4 =	vmul.f32 v6, v5  }
0x159: {  	_ = 	snop  }
0x15a: {  	v3 =	vadd.f32 v4, v3;
	v1 =	vmul.f32 v2, v1;
	_ =	sdelay $0x1  }
0x15b: {  	v1 =	vadd.f32 v1, v3;
	_ =	sdelay $0x1  }
0x15c: {  	[tilespmem:s0+$0x20] =	vst v1  }
0x15d: {  	v1 =	vld [tilespmem:s9+$0xC0]  }
0x15e: {  	v2 =	vld [tilespmem:s12+$0xC0]  }
0x15f: {  	v3 =	vld [tilespmem:s12+$0xD0]  }
0x160: {  	v4 =	vld [tilespmem:s9+$0xD0]  }
0x161: {  	v5 =	vld [tilespmem:s9+$0xE0]  }
0x162: {  	v6 =	vld [tilespmem:s12+$0xE0]  }
0x163: {  	v7 =	vld [tilespmem:s9+$0xF0]  }
0x164: {  	v8 =	vld [tilespmem:s12+$0xF0]  }
0x165: {  	v1 =	vmul.f32 v2, v1;
	v2 =	vmul.f32 v3, v4;
	_ =	sdelay $0x1  }
0x166: {  	v1 =	vadd.f32 v2, v1;
	v2 =	vmul.f32 v6, v5;
	_ =	sdelay $0x1  }
0x167: {  	v3 =	vld [tilespmem:$0x1FD90];
	v1 =	vadd.f32 v2, v1;
	v2 =	vmul.f32 v8, v7  }
0x168: {  	v4 =	vld [tilespmem:$0x1FDA0]  }
0x169: {  	v1 =	vadd.f32 v2, v1;
	v2 =	vld [tilespmem:$0x1FD80];
	_ =	sdelay $0x2  }
0x16a: {  	v5 =	vld [tilespmem:$0x1FDB0]  }
0x16b: {  	v6 =	vld [tilespmem:$0x1FDC0];
	[tilespmem:s0+$0x30] =	vst v1  }
0x16c: {  	v1 =	vld.idx.msk [tilespmem:v0+s20+$0x0], $0xffff  }
0x16d: {  	v3 =	vld.idx.msk [tilespmem:v3+s20+$0x0], $0xffff  }
0x16e: {  	v4 =	vld.idx.msk [tilespmem:v4+s20+$0x0], $0xffff  }
0x16f: {  	v2 =	vld.idx.msk [tilespmem:v2+s20+$0x0], $0xffff  }
0x170: {  	v7 =	vld [tilespmem:$0x1FDD0]  }
0x171: {  	v8 =	vld [tilespmem:$0x1FDE0];
	_ =	sdelay $0x1  }
0x172: {  	v1 =	vadd.f32 v3, v1;
	v3 =	vld [tilespmem:$0x1FDF0]  }
0x173: {  	v2 =	vadd.f32 v4, v2;
	v4 =	vld [tilespmem:$0x1FE00]  }
0x174: {  	v5 =	vld.idx.msk [tilespmem:v5+s20+$0x0], $0xffff;
	_ =	sdelay $0x1  }
0x175: {  	v6 =	vld.idx.msk [tilespmem:v6+s20+$0x0], $0xffff  }
0x176: {  	v7 =	vld.idx.msk [tilespmem:v7+s20+$0x0], $0xffff  }
0x177: {  	v8 =	vld.idx.msk [tilespmem:v8+s20+$0x0], $0xffff  }
0x178: {  	v1 =	vadd.f32 v5, v1;
	v5 =	vld [tilespmem:$0x1FE10]  }
0x179: {  	v3 =	vld.idx.msk [tilespmem:v3+s20+$0x0], $0xffff  }
0x17a: {  	v4 =	vld.idx.msk [tilespmem:v4+s20+$0x0], $0xffff  }
0x17b: {  	v2 =	vadd.f32 v6, v2;
	v6 =	vld [tilespmem:$0x1FE20]  }
0x17c: {  	v1 =	vadd.f32 v7, v1;
	v7 =	vld [tilespmem:$0x1FE30]  }
0x17d: {  	v2 =	vadd.f32 v8, v2;
	v8 =	vld [tilespmem:$0x1FE40]  }
0x17e: {  	v1 =	vadd.f32 v3, v1;
	v3 =	vld [tilespmem:$0x1FE50]  }
0x17f: {  	v2 =	vadd.f32 v4, v2;
	v4 =	vld [tilespmem:$0x1FE60];
	_ =	sdelay $0x2  }
0x180: {  	v5 =	vld.idx.msk [tilespmem:v5+s20+$0x0], $0xffff  }
0x181: {  	v6 =	vld.idx.msk [tilespmem:v6+s20+$0x0], $0xffff  }
0x182: {  	v7 =	vld.idx.msk [tilespmem:v7+s20+$0x0], $0xffff  }
0x183: {  	v8 =	vld.idx.msk [tilespmem:v8+s20+$0x0], $0xffff  }
0x184: {  	v3 =	vld.idx.msk [tilespmem:v3+s20+$0x0], $0xffff  }
0x185: {  	v4 =	vld.idx.msk [tilespmem:v4+s20+$0x0], $0xffff  }
0x186: {  	v1 =	vadd.f32 v5, v1;
	v2 =	vadd.f32 v6, v2;
	_ =	sdelay $0x1  }
0x187: {  	v1 =	vadd.f32 v7, v1;
	v2 =	vadd.f32 v8, v2;
	_ =	sdelay $0x1  }
0x188: {  	v1 =	vadd.f32 v3, v1;
	v2 =	vadd.f32 v4, v2  }
0x189: {  	v3 =	vld [tilespmem:$0x1FE90]  }
0x18a: {  	v4 =	vld [tilespmem:$0x1FEA0];
	v1 =	vadd.f32 v2, v1  }
0x18b: {  	v2 =	vld [tilespmem:$0x1FE80]  }
0x18c: {  	[tilespmem:s30+$0x10E00] =	vst v1;
	v1 =	vld [tilespmem:$0x1FE70];
	_ =	sdelay $0x2  }
0x18d: {  	v5 =	vld [tilespmem:$0x1FEB0]  }
0x18e: {  	v6 =	vld [tilespmem:$0x1FEC0]  }
0x18f: {  	v3 =	vld.idx.msk [tilespmem:v3+s20+$0x0], $0xffff  }
0x190: {  	v4 =	vld.idx.msk [tilespmem:v4+s20+$0x0], $0xffff  }
0x191: {  	v2 =	vld.idx.msk [tilespmem:v2+s20+$0x0], $0xffff  }
0x192: {  	v1 =	vld.idx.msk [tilespmem:v1+s20+$0x0], $0xffff  }
0x193: {  	v7 =	vld [tilespmem:$0x1FED0]  }
0x194: {  	v8 =	vld [tilespmem:$0x1FEE0];
	_ =	sdelay $0x1  }
0x195: {  	v2 =	vadd.f32 v4, v2;
	v4 =	vld [tilespmem:$0x1FF00]  }
0x196: {  	v1 =	vadd.f32 v3, v1;
	v3 =	vld [tilespmem:$0x1FEF0]  }
0x197: {  	v6 =	vld.idx.msk [tilespmem:v6+s20+$0x0], $0xffff;
	_ =	sdelay $0x1  }
0x198: {  	v5 =	vld.idx.msk [tilespmem:v5+s20+$0x0], $0xffff  }
0x199: {  	v7 =	vld.idx.msk [tilespmem:v7+s20+$0x0], $0xffff  }
0x19a: {  	v8 =	vld.idx.msk [tilespmem:v8+s20+$0x0], $0xffff  }
0x19b: {  	v2 =	vadd.f32 v6, v2;
	v6 =	vld [tilespmem:$0x1FF20]  }
0x19c: {  	v4 =	vld.idx.msk [tilespmem:v4+s20+$0x0], $0xffff  }
0x19d: {  	v3 =	vld.idx.msk [tilespmem:v3+s20+$0x0], $0xffff  }
0x19e: {  	v1 =	vadd.f32 v5, v1;
	v5 =	vld [tilespmem:$0x1FF10]  }
0x19f: {  	v2 =	vadd.f32 v8, v2;
	v8 =	vld [tilespmem:$0x1FF40]  }
0x1a0: {  	v1 =	vadd.f32 v7, v1;
	v7 =	vld [tilespmem:$0x1FF30]  }
0x1a1: {  	v2 =	vadd.f32 v4, v2;
	v4 =	vld [tilespmem:$0x1FF60]  }
0x1a2: {  	v1 =	vadd.f32 v3, v1;
	v3 =	vld [tilespmem:$0x1FF50];
	_ =	sdelay $0x2  }
0x1a3: {  	v6 =	vld.idx.msk [tilespmem:v6+s20+$0x0], $0xffff  }
0x1a4: {  	v5 =	vld.idx.msk [tilespmem:v5+s20+$0x0], $0xffff  }
0x1a5: {  	v8 =	vld.idx.msk [tilespmem:v8+s20+$0x0], $0xffff  }
0x1a6: {  	v7 =	vld.idx.msk [tilespmem:v7+s20+$0x0], $0xffff  }
0x1a7: {  	v4 =	vld.idx.msk [tilespmem:v4+s20+$0x0], $0xffff  }
0x1a8: {  	v3 =	vld.idx.msk [tilespmem:v3+s20+$0x0], $0xffff  }
0x1a9: {  	v2 =	vadd.f32 v6, v2;
	v1 =	vadd.f32 v5, v1;
	_ =	sdelay $0x1  }
0x1aa: {  	v2 =	vadd.f32 v8, v2;
	v1 =	vadd.f32 v7, v1;
	_ =	sdelay $0x1  }
0x1ab: {  	v2 =	vadd.f32 v4, v2;
	v1 =	vadd.f32 v3, v1;
	_ =	sdelay $0x1  }
0x1ac: {  	v1 =	vadd.f32 v2, v1  }
0x1ad: {  	v3 =	vld [tilespmem:$0x1FF90]  }
0x1ae: {  	[tilespmem:s30+$0x10E10] =	vst v1;
	v1 =	vld [tilespmem:$0x1FF70];
	_ =	sdelay $0x3  }
0x1af: {  	v5 =	vld [tilespmem:$0x1FFB0]  }
0x1b0: {  	v4 =	vld [tilespmem:$0x1FFA0]  }
0x1b1: {  	v2 =	vld [tilespmem:$0x1FF80]  }
0x1b2: {  	v3 =	vld.idx.msk [tilespmem:v3+s20+$0x0], $0xffff  }
0x1b3: {  	v1 =	vld.idx.msk [tilespmem:v1+s20+$0x0], $0xffff  }
0x1b4: {  	v6 =	vld [tilespmem:$0x1FFC0]  }
0x1b5: {  	v7 =	vld [tilespmem:$0x1FFD0]  }
0x1b6: {  	v8 =	vld [tilespmem:$0x1FFE0];
	_ =	sdelay $0x1  }
0x1b7: {  	v1 =	vadd.f32 v3, v1;
	v3 =	vld [tilespmem:$0x1FFF0]  }
0x1b8: {  	v4 =	vld.idx.msk [tilespmem:v4+s20+$0x0], $0xffff  }
0x1b9: {  	v2 =	vld.idx.msk [tilespmem:v2+s20+$0x0], $0xffff  }
0x1ba: {  	v5 =	vld.idx.msk [tilespmem:v5+s20+$0x0], $0xffff  }
0x1bb: {  	v6 =	vld.idx.msk [tilespmem:v6+s20+$0x0], $0xffff  }
0x1bc: {  	v7 =	vld.idx.msk [tilespmem:v7+s20+$0x0], $0xffff  }
0x1bd: {  	v8 =	vld.idx.msk [tilespmem:v8+s20+$0x0], $0xffff  }
0x1be: {  	v2 =	vadd.f32 v4, v2;
	v4 =	vld.idx.msk [tilespmem:v41+s20+$0x0], $0xffff  }
0x1bf: {  	v3 =	vld.idx.msk [tilespmem:v3+s20+$0x0], $0xffff  }
0x1c0: {  	v2 =	vadd.f32 v6, v2;
	v6 =	vld.idx.msk [tilespmem:v43+s20+$0x0], $0xffff;
	v1 =	vadd.f32 v5, v1  }
0x1c1: {  	v5 =	vld.idx.msk [tilespmem:v42+s20+$0x0], $0xffff  }
0x1c2: {  	v2 =	vadd.f32 v8, v2;
	v8 =	vld.idx.msk [tilespmem:v45+s20+$0x0], $0xffff;
	v1 =	vadd.f32 v7, v1  }
0x1c3: {  	v7 =	vld.idx.msk [tilespmem:v44+s20+$0x0], $0xffff  }
0x1c4: {  	v2 =	vadd.f32 v4, v2;
	v4 =	vld.idx.msk [tilespmem:v47+s20+$0x0], $0xffff;
	v1 =	vadd.f32 v3, v1  }
0x1c5: {  	v3 =	vld.idx.msk [tilespmem:v46+s20+$0x0], $0xffff  }
0x1c6: {  	v2 =	vadd.f32 v6, v2;
	v1 =	vadd.f32 v5, v1;
	_ =	sdelay $0x1  }
0x1c7: {  	v2 =	vadd.f32 v8, v2;
	v1 =	vadd.f32 v7, v1;
	_ =	sdelay $0x1  }
0x1c8: {  	v2 =	vadd.f32 v4, v2;
	v1 =	vadd.f32 v3, v1;
	_ =	sdelay $0x1  }
0x1c9: {  	v1 =	vadd.f32 v2, v1;
	_ =	sdelay $0x1  }
0x1ca: {  	[tilespmem:s30+$0x10E20] =	vst v1  }
0x1cb: {  	v1 =	vld.idx.msk [tilespmem:v48+s20+$0x0], $0xffff  }
0x1cc: {  	v2 =	vld.idx.msk [tilespmem:v49+s20+$0x0], $0xffff  }
0x1cd: {  	v3 =	vld.idx.msk [tilespmem:v50+s20+$0x0], $0xffff  }
0x1ce: {  	v4 =	vld.idx.msk [tilespmem:v51+s20+$0x0], $0xffff  }
0x1cf: {  	v5 =	vld.idx.msk [tilespmem:v52+s20+$0x0], $0xffff  }
0x1d0: {  	v6 =	vld.idx.msk [tilespmem:v53+s20+$0x0], $0xffff  }
0x1d1: {  	v7 =	vld.idx.msk [tilespmem:v54+s20+$0x0], $0xffff  }
0x1d2: {  	v8 =	vld.idx.msk [tilespmem:v55+s20+$0x0], $0xffff  }
0x1d3: {  	v1 =	vadd.f32 v3, v1;
	v2 =	vadd.f32 v4, v2;
	v3 =	vld.idx.msk [tilespmem:v56+s20+$0x0], $0xffff  }
0x1d4: {  	v4 =	vld.idx.msk [tilespmem:v57+s20+$0x0], $0xffff  }
0x1d5: {  	v1 =	vadd.f32 v5, v1;
	v2 =	vadd.f32 v6, v2;
	v5 =	vld.idx.msk [tilespmem:v58+s20+$0x0], $0xffff  }
0x1d6: {  	v6 =	vld.idx.msk [tilespmem:v59+s20+$0x0], $0xffff  }
0x1d7: {  	v1 =	vadd.f32 v7, v1;
	v2 =	vadd.f32 v8, v2;
	v7 =	vld.idx.msk [tilespmem:v60+s20+$0x0], $0xffff  }
0x1d8: {  	v8 =	vld.idx.msk [tilespmem:v61+s20+$0x0], $0xffff  }
0x1d9: {  	v1 =	vadd.f32 v3, v1;
	v2 =	vadd.f32 v4, v2;
	v3 =	vld.idx.msk [tilespmem:v62+s20+$0x0], $0xffff  }
0x1da: {  	v4 =	vld.idx.msk [tilespmem:v63+s20+$0x0], $0xffff  }
0x1db: {  	v1 =	vadd.f32 v5, v1;
	v2 =	vadd.f32 v6, v2;
	_ =	sdelay $0x1  }
0x1dc: {  	v1 =	vadd.f32 v7, v1;
	v2 =	vadd.f32 v8, v2;
	_ =	sdelay $0x1  }
0x1dd: {  	v3 =	vadd.f32 v3, v1;
	v4 =	vadd.f32 v4, v2;
	v1 =	vor.u32 $0x400, v0  }
0x1de: {  	v2 =	vor.u32 $0x401, v0  }
0x1df: {  	v5 =	vadd.f32 v4, v3;
	v3 =	vor.u32 $0x402, v0  }
0x1e0: {  	v4 =	vor.u32 $0x403, v0  }
0x1e1: {  	v6 =	vor.u32 $0x405, v0;
	[tilespmem:s30+$0x10E30] =	vst v5  }
0x1e2: {  	v5 =	vor.u32 $0x404, v0;
	v14 =	vld.idx.msk [tilespmem:v1+s20+$0x0], $0xffff  }
0x1e3: {  	v7 =	vor.u32 $0x406, v0;
	v15 =	vld.idx.msk [tilespmem:v2+s20+$0x0], $0xffff  }
0x1e4: {  	v11 =	vor.u32 $0x407, v0;
	v16 =	vld.idx.msk [tilespmem:v3+s20+$0x0], $0xffff  }
0x1e5: {  	v8 =	vor.u32 $0x408, v0;
	v17 =	vld.idx.msk [tilespmem:v4+s20+$0x0], $0xffff  }
0x1e6: {  	v12 =	vor.u32 $0x409, v0;
	v19 =	vld.idx.msk [tilespmem:v6+s20+$0x0], $0xffff  }
0x1e7: {  	v13 =	vor.u32 $0x40B, v0;
	v18 =	vld.idx.msk [tilespmem:v5+s20+$0x0], $0xffff  }
0x1e8: {  	v9 =	vor.u32 $0x40A, v0;
	v20 =	vld.idx.msk [tilespmem:v7+s20+$0x0], $0xffff  }
0x1e9: {  	v10 =	vor.u32 $0x40C, v0;
	v21 =	vld.idx.msk [tilespmem:v11+s20+$0x0], $0xffff  }
0x1ea: {  	v22 =	vld.idx.msk [tilespmem:v8+s20+$0x0], $0xffff;
	v16 =	vadd.f32 v16, v14;
	v17 =	vadd.f32 v17, v15;
	v15 =	vor.u32 $0x40D, v0  }
0x1eb: {  	v23 =	vld.idx.msk [tilespmem:v12+s20+$0x0], $0xffff;
	v14 =	vor.u32 $0x40E, v0  }
0x1ec: {  	v24 =	vld.idx.msk [tilespmem:v13+s20+$0x0], $0xffff;
	v18 =	vadd.f32 v18, v16;
	v17 =	vadd.f32 v19, v17;
	v16 =	vor.u32 $0x40F, v0  }
0x1ed: {  	v19 =	vld.idx.msk [tilespmem:v9+s20+$0x0], $0xffff  }
0x1ee: {  	v18 =	vadd.f32 v20, v18;
	v17 =	vadd.f32 v21, v17;
	v20 =	vld.idx.msk [tilespmem:v10+s20+$0x0], $0xffff  }
0x1ef: {  	v21 =	vld.idx.msk [tilespmem:v15+s20+$0x0], $0xffff  }
0x1f0: {  	v18 =	vadd.f32 v22, v18;
	v17 =	vadd.f32 v23, v17;
	v22 =	vld.idx.msk [tilespmem:v14+s20+$0x0], $0xffff  }
0x1f1: {  	v23 =	vld.idx.msk [tilespmem:v16+s20+$0x0], $0xffff  }
0x1f2: {  	v18 =	vadd.f32 v19, v18;
	v17 =	vadd.f32 v24, v17;
	_ =	sdelay $0x1  }
0x1f3: {  	v18 =	vadd.f32 v20, v18;
	v17 =	vadd.f32 v21, v17;
	_ =	sdelay $0x1  }
0x1f4: {  	v19 =	vadd.f32 v22, v18;
	v20 =	vadd.f32 v23, v17;
	v17 =	vor.u32 $0x500, v0  }
0x1f5: {  	v18 =	vor.u32 $0x501, v0  }
0x1f6: {  	v21 =	vadd.f32 v20, v19;
	v19 =	vor.u32 $0x502, v0  }
0x1f7: {  	v20 =	vor.u32 $0x503, v0  }
0x1f8: {  	v22 =	vor.u32 $0x505, v0;
	[tilespmem:s30+$0x10E40] =	vst v21  }
0x1f9: {  	v21 =	vor.u32 $0x504, v0;
	v30 =	vld.idx.msk [tilespmem:v17+s20+$0x0], $0xffff  }
0x1fa: {  	v23 =	vor.u32 $0x506, v0;
	v31 =	vld.idx.msk [tilespmem:v18+s20+$0x0], $0xffff  }
0x1fb: {  	v27 =	vor.u32 $0x507, v0;
	v32 =	vld.idx.msk [tilespmem:v19+s20+$0x0], $0xffff  }
0x1fc: {  	v24 =	vor.u32 $0x508, v0;
	v33 =	vld.idx.msk [tilespmem:v20+s20+$0x0], $0xffff  }
0x1fd: {  	v28 =	vor.u32 $0x509, v0;
	v35 =	vld.idx.msk [tilespmem:v22+s20+$0x0], $0xffff  }
0x1fe: {  	v29 =	vor.u32 $0x50B, v0;
	v34 =	vld.idx.msk [tilespmem:v21+s20+$0x0], $0xffff  }
0x1ff: {  	v25 =	vor.u32 $0x50A, v0;
	v36 =	vld.idx.msk [tilespmem:v23+s20+$0x0], $0xffff  }
0x200: {  	v26 =	vor.u32 $0x50C, v0;
	v37 =	vld.idx.msk [tilespmem:v27+s20+$0x0], $0xffff  }
0x201: {  	v38 =	vld.idx.msk [tilespmem:v24+s20+$0x0], $0xffff;
	v32 =	vadd.f32 v32, v30;
	v33 =	vadd.f32 v33, v31;
	v31 =	vor.u32 $0x50D, v0  }
0x202: {  	v39 =	vld.idx.msk [tilespmem:v28+s20+$0x0], $0xffff;
	v30 =	vor.u32 $0x50E, v0  }
0x203: {  	v40 =	vld.idx.msk [tilespmem:v29+s20+$0x0], $0xffff;
	v34 =	vadd.f32 v34, v32;
	v33 =	vadd.f32 v35, v33;
	v32 =	vor.u32 $0x50F, v0  }
0x204: {  	v35 =	vld.idx.msk [tilespmem:v25+s20+$0x0], $0xffff  }
0x205: {  	v34 =	vadd.f32 v36, v34;
	v33 =	vadd.f32 v37, v33;
	v36 =	vld.idx.msk [tilespmem:v26+s20+$0x0], $0xffff  }
0x206: {  	v37 =	vld.idx.msk [tilespmem:v31+s20+$0x0], $0xffff  }
0x207: {  	v34 =	vadd.f32 v38, v34;
	v33 =	vadd.f32 v39, v33;
	v38 =	vld.idx.msk [tilespmem:v30+s20+$0x0], $0xffff  }
0x208: {  	v39 =	vld.idx.msk [tilespmem:v32+s20+$0x0], $0xffff  }
0x209: {  	v34 =	vadd.f32 v35, v34;
	v33 =	vadd.f32 v40, v33;
	_ =	sdelay $0x1  }
0x20a: {  	v34 =	vadd.f32 v36, v34;
	v33 =	vadd.f32 v37, v33;
	_ =	sdelay $0x1  }
0x20b: {  	v34 =	vadd.f32 v38, v34;
	v33 =	vadd.f32 v39, v33;
	_ =	sdelay $0x1  }
0x20c: {  	v33 =	vadd.f32 v33, v34;
	_ =	sdelay $0x1  }
0x20d: {  	[tilespmem:s30+$0x10E50] =	vst v33  }
0x20e: {  	_ =	swait.ge [sflag:s21], $0x1800  }
0x20f: {  	s23 =	sshll.u32 s29, $0x1;
	[sflag:s21] =	ssyncset.done $0x0  }
0x210: {  	s0 =	smin.u32 s23, $0x6D;
	[sflag:s21] =	ssyncadd.s32 $0xFFFFE800  }
0x211: {  	s0 =	smul.u32 $0x60, s0;
	_ =	swait.ge [sflag:s22], $0x1800  }
0x212: {  	[sflag:s22] =	ssyncset.done $0x0  }
0x213: {  	s2 =	sadd.s32 $0x54C0, s0;
	[sflag:s22] =	ssyncadd.s32 $0xFFFFE800  }
0x214: {  	[tilespmem:s13], [sflag:$0x1] =	stream.indirect.gather [hbm4b:s3+s11], $0x40, s2, s11, $0xb8;
	[tilespmem:$0x13800] =	vst v63  }
0x215: {  	s0 =	sadd.s32 $0x7EC0, s0;
	s2 =	simm.s32 $0xF100  }
0x216: {  	[tilespmem:s15], [sflag:$0x2] =	stream.indirect.gather [hbm4b:s4+s11], $0x40, s0, s11, $0xb8;
	[tilespmem:$0x13800] =	vst v63  }
0x217: {  	s8 =	simm.s32 $0xD900;
	v33 =	vld [tilespmem:s2+$0xFFFFFF00]  }
0x218: {  	v34 =	vld [tilespmem:s8+$0xFFFFFF10]  }
0x219: {  	v35 =	vld [tilespmem:s2+$0xFFFFFF10]  }
0x21a: {  	v36 =	vld [tilespmem:s8+$0xFFFFFF00]  }
0x21b: {  	v37 =	vld [tilespmem:s2+$0xFFFFFF20]  }
0x21c: {  	v38 =	vld [tilespmem:s8+$0xFFFFFF20]  }
0x21d: {  	v39 =	vld [tilespmem:s2+$0xFFFFFF30]  }
0x21e: {  	v40 =	vld [tilespmem:s8+$0xFFFFFF30]  }
0x21f: {  	v34 =	vmul.f32 v35, v34;
	v33 =	vmul.f32 v33, v36;
	_ =	sdelay $0x1  }
0x220: {  	v36 =	vmul.f32 v37, v38;
	v33 =	vadd.f32 v34, v33;
	_ =	sdelay $0x1  }
0x221: {  	v37 =	vmul.f32 v39, v40;
	v33 =	vadd.f32 v36, v33;
	_ =	sdelay $0x1  }
0x222: {  	v33 =	vadd.f32 v37, v33  }
0x223: {  	s0 =	simm.s32 $0x10840  }
0x224: {  	[tilespmem:s0+$0xFFFFFFC0] =	vst v33  }
0x225: {  	v33 =	vld [tilespmem:s2+$0xFFFFFF50]  }
0x226: {  	v34 =	vld [tilespmem:s8+$0xFFFFFF40]  }
0x227: {  	v35 =	vld [tilespmem:s8+$0xFFFFFF50]  }
0x228: {  	v36 =	vld [tilespmem:s2+$0xFFFFFF40]  }
0x229: {  	v37 =	vld [tilespmem:s2+$0xFFFFFF60]  }
0x22a: {  	v38 =	vld [tilespmem:s8+$0xFFFFFF60]  }
0x22b: {  	v39 =	vld [tilespmem:s2+$0xFFFFFF70]  }
0x22c: {  	v40 =	vld [tilespmem:s8+$0xFFFFFF70]  }
0x22d: {  	v33 =	vmul.f32 v33, v35;
	v34 =	vmul.f32 v36, v34;
	_ =	sdelay $0x1  }
0x22e: {  	v38 =	vmul.f32 v37, v38;
	v33 =	vadd.f32 v33, v34;
	_ =	sdelay $0x1  }
0x22f: {  	v40 =	vmul.f32 v39, v40;
	v33 =	vadd.f32 v38, v33;
	_ =	sdelay $0x1  }
0x230: {  	v33 =	vadd.f32 v40, v33;
	_ =	sdelay $0x1  }
0x231: {  	[tilespmem:s0+$0xFFFFFFD0] =	vst v33  }
0x232: {  	v33 =	vld [tilespmem:s8+$0xFFFFFF80]  }
0x233: {  	v34 =	vld [tilespmem:s2+$0xFFFFFF80]  }
0x234: {  	v35 =	vld [tilespmem:s2+$0xFFFFFF90]  }
0x235: {  	v36 =	vld [tilespmem:s8+$0xFFFFFF90]  }
0x236: {  	v37 =	vld [tilespmem:s8+$0xFFFFFFA0]  }
0x237: {  	v38 =	vld [tilespmem:s2+$0xFFFFFFA0]  }
0x238: {  	v39 =	vld [tilespmem:s8+$0xFFFFFFB0]  }
0x239: {  	v40 =	vld [tilespmem:s2+$0xFFFFFFB0]  }
0x23a: {  	v33 =	vmul.f32 v34, v33;
	v36 =	vmul.f32 v35, v36;
	_ =	sdelay $0x1  }
0x23b: {  	v38 =	vmul.f32 v38, v37;
	v33 =	vadd.f32 v36, v33;
	_ =	sdelay $0x1  }
0x23c: {  	v40 =	vmul.f32 v40, v39;
	v33 =	vadd.f32 v38, v33;
	_ =	sdelay $0x1  }
0x23d: {  	v33 =	vadd.f32 v40, v33;
	_ =	sdelay $0x1  }
0x23e: {  	[tilespmem:s0+$0xFFFFFFE0] =	vst v33  }
0x23f: {  	v33 =	vld [tilespmem:s8+$0xFFFFFFC0]  }
0x240: {  	v34 =	vld [tilespmem:s2+$0xFFFFFFC0]  }
0x241: {  	v35 =	vld [tilespmem:s8+$0xFFFFFFD0]  }
0x242: {  	v36 =	vld [tilespmem:s2+$0xFFFFFFD0]  }
0x243: {  	v37 =	vld [tilespmem:s8+$0xFFFFFFE0]  }
0x244: {  	v38 =	vld [tilespmem:s2+$0xFFFFFFE0]  }
0x245: {  	v39 =	vld [tilespmem:s8+$0xFFFFFFF0]  }
0x246: {  	v40 =	vld [tilespmem:s2+$0xFFFFFFF0]  }
0x247: {  	v33 =	vmul.f32 v34, v33;
	v36 =	vmul.f32 v36, v35;
	_ =	sdelay $0x1  }
0x248: {  	v38 =	vmul.f32 v38, v37;
	v33 =	vadd.f32 v36, v33;
	_ =	sdelay $0x1  }
0x249: {  	v40 =	vmul.f32 v40, v39;
	v33 =	vadd.f32 v38, v33;
	_ =	sdelay $0x1  }
0x24a: {  	v33 =	vadd.f32 v40, v33;
	_ =	sdelay $0x1  }
0x24b: {  	[tilespmem:s0+$0xFFFFFFF0] =	vst v33  }
0x24c: {  	v33 =	vld [tilespmem:s2+$0x10]  }
0x24d: {  	v34 =	vld [tilespmem:s8+$0x0]  }
0x24e: {  	v35 =	vld [tilespmem:s2+$0x0]  }
0x24f: {  	v36 =	vld [tilespmem:s8+$0x10]  }
0x250: {  	v37 =	vld [tilespmem:s8+$0x20]  }
0x251: {  	v38 =	vld [tilespmem:s2+$0x20]  }
0x252: {  	v39 =	vld [tilespmem:s2+$0x30]  }
0x253: {  	v40 =	vld [tilespmem:s8+$0x30]  }
0x254: {  	v34 =	vmul.f32 v35, v34;
	v33 =	vmul.f32 v33, v36;
	_ =	sdelay $0x1  }
0x255: {  	v36 =	vmul.f32 v38, v37;
	v33 =	vadd.f32 v33, v34;
	_ =	sdelay $0x1  }
0x256: {  	v37 =	vmul.f32 v39, v40;
	v33 =	vadd.f32 v36, v33;
	_ =	sdelay $0x1  }
0x257: {  	v33 =	vadd.f32 v37, v33;
	_ =	sdelay $0x1  }
0x258: {  	[tilespmem:s0+$0x0] =	vst v33  }
0x259: {  	v33 =	vld [tilespmem:s8+$0x40]  }
0x25a: {  	v34 =	vld [tilespmem:s2+$0x50]  }
0x25b: {  	v35 =	vld [tilespmem:s8+$0x50]  }
0x25c: {  	v36 =	vld [tilespmem:s2+$0x40]  }
0x25d: {  	v37 =	vld [tilespmem:s8+$0x60]  }
0x25e: {  	v38 =	vld [tilespmem:s2+$0x60]  }
0x25f: {  	v39 =	vld [tilespmem:s8+$0x70]  }
0x260: {  	v40 =	vld [tilespmem:s2+$0x70]  }
0x261: {  	v34 =	vmul.f32 v34, v35;
	v33 =	vmul.f32 v36, v33;
	_ =	sdelay $0x1  }
0x262: {  	v38 =	vmul.f32 v38, v37;
	v33 =	vadd.f32 v34, v33;
	_ =	sdelay $0x1  }
0x263: {  	v39 =	vmul.f32 v40, v39;
	v33 =	vadd.f32 v38, v33;
	_ =	sdelay $0x1  }
0x264: {  	v33 =	vadd.f32 v39, v33;
	_ =	sdelay $0x1  }
0x265: {  	[tilespmem:s0+$0x10] =	vst v33  }
0x266: {  	v33 =	vld [tilespmem:s8+$0x80]  }
0x267: {  	v34 =	vld [tilespmem:s2+$0x80]  }
0x268: {  	v35 =	vld [tilespmem:s2+$0x90]  }
0x269: {  	v36 =	vld [tilespmem:s8+$0x90];
	_ =	sdelay $0x3  }
0x26a: {  	v37 =	vld [tilespmem:s8+$0xA0]  }
0x26b: {  	v40 =	vld [tilespmem:s2+$0xA0];
	v34 =	vmul.f32 v34, v33;
	v35 =	vmul.f32 v35, v36  }
0x26c: {  	v33 =	vld [tilespmem:s8+$0xB0]  }
0x26d: {  	v35 =	vadd.f32 v35, v34;
	v34 =	vld [tilespmem:s2+$0xB0];
	_ =	sdelay $0x1  }
0x26e: {  	s14 =	simm.s32 $0x0  }
0x26f: {  	s9 =	simm.s32 $0xD900;
	s12 =	simm.s32 $0xF100;
	s23 =	simm.s32 $0x108C0;
	v36 =	vmul.f32 v40, v37  }
.LBB2_7:
0x270: {  	s14 =	sadd.s32 $0x8, s14;
	s2 =	sadd.s32 $0x200, s2;
	s8 =	sadd.s32 $0x200, s8  }
0x271: {  	p0 =	slt.u32 s14, $0x58;
	v35 =	vadd.f32 v36, v35;
	v33 =	vmul.f32 v34, v33;
	_ =	sdelay $0x1  }
0x272: {  	v33 =	vadd.f32 v33, v35;
	_ =	sdelay $0x1  }
0x273: {  	[tilespmem:s0+$0x20] =	vst v33  }
0x274: {  	v33 =	vld [tilespmem:s9+$0xC0]  }
0x275: {  	v34 =	vld [tilespmem:s12+$0xC0]  }
0x276: {  	v35 =	vld [tilespmem:s12+$0xD0]  }
0x277: {  	v36 =	vld [tilespmem:s9+$0xD0]  }
0x278: {  	v37 =	vld [tilespmem:s9+$0xE0]  }
0x279: {  	v38 =	vld [tilespmem:s12+$0xE0]  }
0x27a: {  	v33 =	vmul.f32 v34, v33;
	v34 =	vld [tilespmem:s9+$0xF0];
	s9 =	smov.u32 s8  }
0x27b: {  	v39 =	vld [tilespmem:s12+$0xF0];
	s12 =	smov.u32 s2  }
0x27c: {  	v35 =	vmul.f32 v35, v36;
	_ =	sdelay $0x1  }
0x27d: {  	v33 =	vadd.f32 v35, v33;
	v35 =	vmul.f32 v38, v37;
	_ =	sdelay $0x1  }
0x27e: {  	v33 =	vadd.f32 v35, v33;
	v34 =	vmul.f32 v39, v34;
	_ =	sdelay $0x1  }
0x27f: {  	v33 =	vadd.f32 v34, v33;
	_ =	sdelay $0x1  }
0x280: {  	[tilespmem:s0+$0x30] =	vst v33;
	s0 =	smov.u32 s23  }
0x281: {  	v33 =	vld [tilespmem:s2+$0xFFFFFF00]  }
0x282: {  	v34 =	vld [tilespmem:s8+$0xFFFFFF10]  }
0x283: {  	v35 =	vld [tilespmem:s2+$0xFFFFFF10]  }
0x284: {  	v36 =	vld [tilespmem:s8+$0xFFFFFF00]  }
0x285: {  	v37 =	vld [tilespmem:s2+$0xFFFFFF20]  }
0x286: {  	v38 =	vld [tilespmem:s8+$0xFFFFFF20]  }
0x287: {  	v39 =	vld [tilespmem:s2+$0xFFFFFF30]  }
0x288: {  	v34 =	vmul.f32 v35, v34;
	v35 =	vld [tilespmem:s8+$0xFFFFFF30]  }
0x289: {  	v33 =	vmul.f32 v33, v36;
	_ =	sdelay $0x1  }
0x28a: {  	v33 =	vadd.f32 v34, v33;
	v34 =	vmul.f32 v37, v38;
	_ =	sdelay $0x1  }
0x28b: {  	v33 =	vadd.f32 v34, v33;
	v34 =	vmul.f32 v39, v35;
	_ =	sdelay $0x1  }
0x28c: {  	v33 =	vadd.f32 v34, v33;
	_ =	sdelay $0x1  }
0x28d: {  	[tilespmem:s23+$0xFFFFFFC0] =	vst v33  }
0x28e: {  	v33 =	vld [tilespmem:s2+$0xFFFFFF50]  }
0x28f: {  	v34 =	vld [tilespmem:s8+$0xFFFFFF40]  }
0x290: {  	v35 =	vld [tilespmem:s8+$0xFFFFFF50]  }
0x291: {  	v36 =	vld [tilespmem:s2+$0xFFFFFF40]  }
0x292: {  	v37 =	vld [tilespmem:s2+$0xFFFFFF60]  }
0x293: {  	v38 =	vld [tilespmem:s8+$0xFFFFFF60]  }
0x294: {  	v39 =	vld [tilespmem:s2+$0xFFFFFF70]  }
0x295: {  	v33 =	vmul.f32 v33, v35;
	v35 =	vld [tilespmem:s8+$0xFFFFFF70]  }
0x296: {  	v34 =	vmul.f32 v36, v34;
	_ =	sdelay $0x1  }
0x297: {  	v33 =	vadd.f32 v33, v34;
	v34 =	vmul.f32 v37, v38;
	_ =	sdelay $0x1  }
0x298: {  	v33 =	vadd.f32 v34, v33;
	v34 =	vmul.f32 v39, v35;
	_ =	sdelay $0x1  }
0x299: {  	v33 =	vadd.f32 v34, v33;
	_ =	sdelay $0x1  }
0x29a: {  	[tilespmem:s23+$0xFFFFFFD0] =	vst v33  }
0x29b: {  	v33 =	vld [tilespmem:s8+$0xFFFFFF80]  }
0x29c: {  	v34 =	vld [tilespmem:s2+$0xFFFFFF80]  }
0x29d: {  	v35 =	vld [tilespmem:s2+$0xFFFFFF90]  }
0x29e: {  	v36 =	vld [tilespmem:s8+$0xFFFFFF90]  }
0x29f: {  	v37 =	vld [tilespmem:s8+$0xFFFFFFA0]  }
0x2a0: {  	v38 =	vld [tilespmem:s2+$0xFFFFFFA0]  }
0x2a1: {  	v33 =	vmul.f32 v34, v33;
	v34 =	vld [tilespmem:s8+$0xFFFFFFB0]  }
0x2a2: {  	v39 =	vld [tilespmem:s2+$0xFFFFFFB0]  }
0x2a3: {  	v35 =	vmul.f32 v35, v36;
	_ =	sdelay $0x1  }
0x2a4: {  	v33 =	vadd.f32 v35, v33;
	v35 =	vmul.f32 v38, v37;
	_ =	sdelay $0x1  }
0x2a5: {  	v33 =	vadd.f32 v35, v33;
	v34 =	vmul.f32 v39, v34;
	_ =	sdelay $0x1  }
0x2a6: {  	v33 =	vadd.f32 v34, v33;
	_ =	sdelay $0x1  }
0x2a7: {  	[tilespmem:s23+$0xFFFFFFE0] =	vst v33  }
0x2a8: {  	v33 =	vld [tilespmem:s8+$0xFFFFFFC0]  }
0x2a9: {  	v34 =	vld [tilespmem:s2+$0xFFFFFFC0]  }
0x2aa: {  	v35 =	vld [tilespmem:s8+$0xFFFFFFD0]  }
0x2ab: {  	v36 =	vld [tilespmem:s2+$0xFFFFFFD0]  }
0x2ac: {  	v37 =	vld [tilespmem:s8+$0xFFFFFFE0]  }
0x2ad: {  	v38 =	vld [tilespmem:s2+$0xFFFFFFE0]  }
0x2ae: {  	v33 =	vmul.f32 v34, v33;
	v34 =	vld [tilespmem:s8+$0xFFFFFFF0]  }
0x2af: {  	v39 =	vld [tilespmem:s2+$0xFFFFFFF0]  }
0x2b0: {  	v35 =	vmul.f32 v36, v35;
	_ =	sdelay $0x1  }
0x2b1: {  	v33 =	vadd.f32 v35, v33;
	v35 =	vmul.f32 v38, v37;
	_ =	sdelay $0x1  }
0x2b2: {  	v33 =	vadd.f32 v35, v33;
	v34 =	vmul.f32 v39, v34;
	_ =	sdelay $0x1  }
0x2b3: {  	v33 =	vadd.f32 v34, v33;
	_ =	sdelay $0x1  }
0x2b4: {  	[tilespmem:s23+$0xFFFFFFF0] =	vst v33  }
0x2b5: {  	v33 =	vld [tilespmem:s2+$0x10]  }
0x2b6: {  	v34 =	vld [tilespmem:s8+$0x0]  }
0x2b7: {  	v35 =	vld [tilespmem:s2+$0x0]  }
0x2b8: {  	v36 =	vld [tilespmem:s8+$0x10]  }
0x2b9: {  	v37 =	vld [tilespmem:s8+$0x20]  }
0x2ba: {  	v38 =	vld [tilespmem:s2+$0x20]  }
0x2bb: {  	v39 =	vld [tilespmem:s2+$0x30]  }
0x2bc: {  	v34 =	vmul.f32 v35, v34;
	v35 =	vld [tilespmem:s8+$0x30]  }
0x2bd: {  	v33 =	vmul.f32 v33, v36;
	_ =	sdelay $0x1  }
0x2be: {  	v33 =	vadd.f32 v33, v34;
	v34 =	vmul.f32 v38, v37;
	_ =	sdelay $0x1  }
0x2bf: {  	v33 =	vadd.f32 v34, v33;
	v34 =	vmul.f32 v39, v35;
	_ =	sdelay $0x1  }
0x2c0: {  	v33 =	vadd.f32 v34, v33;
	_ =	sdelay $0x1  }
0x2c1: {  	[tilespmem:s23+$0x0] =	vst v33  }
0x2c2: {  	v33 =	vld [tilespmem:s8+$0x40]  }
0x2c3: {  	v34 =	vld [tilespmem:s2+$0x50]  }
0x2c4: {  	v35 =	vld [tilespmem:s8+$0x50]  }
0x2c5: {  	v36 =	vld [tilespmem:s2+$0x40]  }
0x2c6: {  	v37 =	vld [tilespmem:s8+$0x60]  }
0x2c7: {  	v38 =	vld [tilespmem:s2+$0x60]  }
0x2c8: {  	v39 =	vld [tilespmem:s8+$0x70]  }
0x2c9: {  	v34 =	vmul.f32 v34, v35;
	v35 =	vld [tilespmem:s2+$0x70]  }
0x2ca: {  	v33 =	vmul.f32 v36, v33;
	_ =	sdelay $0x1  }
0x2cb: {  	v33 =	vadd.f32 v34, v33;
	v34 =	vmul.f32 v38, v37;
	_ =	sdelay $0x1  }
0x2cc: {  	v33 =	vadd.f32 v34, v33;
	v34 =	vmul.f32 v35, v39;
	_ =	sdelay $0x1  }
0x2cd: {  	v33 =	vadd.f32 v34, v33;
	_ =	sdelay $0x1  }
0x2ce: {  	[tilespmem:s23+$0x10] =	vst v33  }
0x2cf: {  	v33 =	vld [tilespmem:s8+$0x80]  }
0x2d0: {  	v34 =	vld [tilespmem:s2+$0x80]  }
0x2d1: {  	v35 =	vld [tilespmem:s2+$0x90]  }
0x2d2: {  	v36 =	vld [tilespmem:s8+$0x90]  }
0x2d3: {  	v37 =	vld [tilespmem:s8+$0xA0]  }
0x2d4: {  	v38 =	vld [tilespmem:s2+$0xA0]  }
.Ltmp2:
0x2d5: {  	v39 =	vmul.f32 v34, v33;
	v33 =	vld [tilespmem:s8+$0xB0];
	(pc) =	sbr.rel @p0 .LBB2_7-.Ltmp2, $3  }
0x2d6: {  	v34 =	vld [tilespmem:s2+$0xB0]  }
0x2d7: {  	v35 =	vmul.f32 v35, v36;
	_ =	sdelay $0x1  }
0x2d8: {  	s23 =	sadd.s32 $0x80, s23;
	v35 =	vadd.f32 v35, v39;
	v36 =	vmul.f32 v38, v37  }
0x2d9: {  	_ = 	snop  }
0x2da: {  	v35 =	vadd.f32 v36, v35;
	v33 =	vmul.f32 v34, v33;
	_ =	sdelay $0x1  }
0x2db: {  	v33 =	vadd.f32 v33, v35;
	_ =	sdelay $0x1  }
0x2dc: {  	[tilespmem:s0+$0x20] =	vst v33  }
0x2dd: {  	v33 =	vld [tilespmem:s9+$0xC0]  }
0x2de: {  	v34 =	vld [tilespmem:s12+$0xC0]  }
0x2df: {  	v35 =	vld [tilespmem:s12+$0xD0]  }
0x2e0: {  	v36 =	vld [tilespmem:s9+$0xD0]  }
0x2e1: {  	v37 =	vld [tilespmem:s9+$0xE0]  }
0x2e2: {  	v38 =	vld [tilespmem:s12+$0xE0]  }
0x2e3: {  	v39 =	vld [tilespmem:s9+$0xF0]  }
0x2e4: {  	v40 =	vld [tilespmem:s12+$0xF0];
	_ =	sdelay $0x2  }
0x2e5: {  	v33 =	vmul.f32 v34, v33;
	v36 =	vmul.f32 v35, v36;
	_ =	sdelay $0x1  }
0x2e6: {  	v33 =	vadd.f32 v36, v33;
	v36 =	vmul.f32 v38, v37;
	v37 =	vmul.f32 v40, v39;
	v40 =	vld [tilespmem:$0x1FDA0];
	_ =	sdelay $0x2  }
0x2e7: {  	v33 =	vadd.f32 v36, v33;
	_ =	sdelay $0x1  }
0x2e8: {  	v33 =	vadd.f32 v37, v33;
	_ =	sdelay $0x1  }
0x2e9: {  	v38 =	vld [tilespmem:$0x1FD80];
	[tilespmem:s0+$0x30] =	vst v33  }
0x2ea: {  	v36 =	vld.idx.msk [tilespmem:v40+s20+$0x0], $0xffff  }
0x2eb: {  	v40 =	vld [tilespmem:$0x1FDB0];
	_ =	sdelay $0x4  }
0x2ec: {  	v39 =	vld [tilespmem:$0x1FD90]  }
0x2ed: {  	v34 =	vld.idx.msk [tilespmem:v38+s20+$0x0], $0xffff;
	_ =	sdelay $0x1  }
0x2ee: {  	v37 =	vld.idx.msk [tilespmem:v40+s20+$0x0], $0xffff  }
0x2ef: {  	v40 =	vld [tilespmem:$0x1FDC0];
	_ =	sdelay $0x1  }
0x2f0: {  	v34 =	vadd.f32 v36, v34;
	v36 =	vld [tilespmem:$0x1FDF0];
	_ =	sdelay $0x1  }
0x2f1: {  	v33 =	vld.idx.msk [tilespmem:v0+s20+$0x0], $0xffff  }
0x2f2: {  	v35 =	vld.idx.msk [tilespmem:v39+s20+$0x0], $0xffff;
	_ =	sdelay $0x2  }
0x2f3: {  	v38 =	vld.idx.msk [tilespmem:v40+s20+$0x0], $0xffff  }
0x2f4: {  	v40 =	vld [tilespmem:$0x1FDE0]  }
0x2f5: {  	v33 =	vadd.f32 v35, v33;
	v35 =	vld.idx.msk [tilespmem:v36+s20+$0x0], $0xffff  }
0x2f6: {  	v36 =	vld [tilespmem:$0x1FE00];
	_ =	sdelay $0x4  }
0x2f7: {  	v39 =	vld [tilespmem:$0x1FDD0]  }
0x2f8: {  	v40 =	vld.idx.msk [tilespmem:v40+s20+$0x0], $0xffff;
	_ =	sdelay $0x1  }
0x2f9: {  	v36 =	vld.idx.msk [tilespmem:v36+s20+$0x0], $0xffff  }
0x2fa: {  	v34 =	vadd.f32 v38, v34;
	_ =	sdelay $0x1  }
0x2fb: {  	v34 =	vadd.f32 v40, v34;
	_ =	sdelay $0x1  }
0x2fc: {  	v34 =	vadd.f32 v36, v34;
	v36 =	vld [tilespmem:$0x1FE50]  }
0x2fd: {  	v39 =	vld.idx.msk [tilespmem:v39+s20+$0x0], $0xffff;
	_ =	sdelay $0x2  }
0x2fe: {  	v33 =	vadd.f32 v37, v33;
	v38 =	vld [tilespmem:$0x1FE20]  }
0x2ff: {  	v37 =	vld [tilespmem:$0x1FE10]  }
0x300: {  	v33 =	vadd.f32 v39, v33;
	v40 =	vld [tilespmem:$0x1FE40]  }
0x301: {  	v39 =	vld [tilespmem:$0x1FE30]  }
0x302: {  	v33 =	vadd.f32 v35, v33;
	v35 =	vld.idx.msk [tilespmem:v36+s20+$0x0], $0xffff  }
0x303: {  	v36 =	vld [tilespmem:$0x1FE60];
	_ =	sdelay $0x2  }
0x304: {  	v38 =	vld.idx.msk [tilespmem:v38+s20+$0x0], $0xffff  }
0x305: {  	v37 =	vld.idx.msk [tilespmem:v37+s20+$0x0], $0xffff  }
0x306: {  	v40 =	vld.idx.msk [tilespmem:v40+s20+$0x0], $0xffff  }
0x307: {  	v39 =	vld.idx.msk [tilespmem:v39+s20+$0x0], $0xffff;
	_ =	sdelay $0x1  }
0x308: {  	v34 =	vadd.f32 v38, v34;
	v36 =	vld.idx.msk [tilespmem:v36+s20+$0x0], $0xffff  }
0x309: {  	v33 =	vadd.f32 v37, v33  }
0x30a: {  	v34 =	vadd.f32 v40, v34;
	v40 =	vld [tilespmem:$0x1FEA0]  }
0x30b: {  	v33 =	vadd.f32 v39, v33;
	_ =	sdelay $0x1  }
0x30c: {  	v33 =	vadd.f32 v35, v33;
	v34 =	vadd.f32 v36, v34;
	_ =	sdelay $0x1  }
0x30d: {  	v33 =	vadd.f32 v34, v33  }
0x30e: {  	v37 =	vld [tilespmem:$0x1FE70]  }
0x30f: {  	v38 =	vld [tilespmem:$0x1FE80];
	[tilespmem:s31+$0x10E00] =	vst v33  }
0x310: {  	v36 =	vld.idx.msk [tilespmem:v40+s20+$0x0], $0xffff  }
0x311: {  	v40 =	vld [tilespmem:$0x1FEB0];
	_ =	sdelay $0x4  }
0x312: {  	v39 =	vld [tilespmem:$0x1FE90]  }
0x313: {  	v34 =	vld.idx.msk [tilespmem:v38+s20+$0x0], $0xffff  }
0x314: {  	v33 =	vld.idx.msk [tilespmem:v37+s20+$0x0], $0xffff  }
0x315: {  	v37 =	vld.idx.msk [tilespmem:v40+s20+$0x0], $0xffff  }
0x316: {  	v40 =	vld [tilespmem:$0x1FEC0];
	_ =	sdelay $0x1  }
0x317: {  	v34 =	vadd.f32 v36, v34;
	v36 =	vld [tilespmem:$0x1FEF0];
	_ =	sdelay $0x2  }
0x318: {  	v35 =	vld.idx.msk [tilespmem:v39+s20+$0x0], $0xffff;
	_ =	sdelay $0x2  }
0x319: {  	v38 =	vld.idx.msk [tilespmem:v40+s20+$0x0], $0xffff  }
0x31a: {  	v40 =	vld [tilespmem:$0x1FEE0]  }
0x31b: {  	v33 =	vadd.f32 v35, v33;
	v35 =	vld.idx.msk [tilespmem:v36+s20+$0x0], $0xffff  }
0x31c: {  	v36 =	vld [tilespmem:$0x1FF00];
	_ =	sdelay $0x4  }
0x31d: {  	v39 =	vld [tilespmem:$0x1FED0]  }
0x31e: {  	v40 =	vld.idx.msk [tilespmem:v40+s20+$0x0], $0xffff;
	_ =	sdelay $0x1  }
0x31f: {  	v36 =	vld.idx.msk [tilespmem:v36+s20+$0x0], $0xffff  }
0x320: {  	v34 =	vadd.f32 v38, v34;
	_ =	sdelay $0x1  }
0x321: {  	v34 =	vadd.f32 v40, v34;
	_ =	sdelay $0x1  }
0x322: {  	v34 =	vadd.f32 v36, v34;
	v36 =	vld [tilespmem:$0x1FF50]  }
0x323: {  	v39 =	vld.idx.msk [tilespmem:v39+s20+$0x0], $0xffff;
	_ =	sdelay $0x2  }
0x324: {  	v33 =	vadd.f32 v37, v33;
	v38 =	vld [tilespmem:$0x1FF20]  }
0x325: {  	v37 =	vld [tilespmem:$0x1FF10]  }
0x326: {  	v33 =	vadd.f32 v39, v33;
	v40 =	vld [tilespmem:$0x1FF40]  }
0x327: {  	v39 =	vld [tilespmem:$0x1FF30]  }
0x328: {  	v33 =	vadd.f32 v35, v33;
	v35 =	vld.idx.msk [tilespmem:v36+s20+$0x0], $0xffff  }
0x329: {  	v36 =	vld [tilespmem:$0x1FF60];
	_ =	sdelay $0x2  }
0x32a: {  	v38 =	vld.idx.msk [tilespmem:v38+s20+$0x0], $0xffff  }
0x32b: {  	v37 =	vld.idx.msk [tilespmem:v37+s20+$0x0], $0xffff  }
0x32c: {  	v40 =	vld.idx.msk [tilespmem:v40+s20+$0x0], $0xffff  }
0x32d: {  	v39 =	vld.idx.msk [tilespmem:v39+s20+$0x0], $0xffff;
	_ =	sdelay $0x1  }
0x32e: {  	v34 =	vadd.f32 v38, v34;
	v36 =	vld.idx.msk [tilespmem:v36+s20+$0x0], $0xffff  }
0x32f: {  	v33 =	vadd.f32 v37, v33  }
0x330: {  	v34 =	vadd.f32 v40, v34;
	v40 =	vld [tilespmem:$0x1FFA0]  }
0x331: {  	v33 =	vadd.f32 v39, v33;
	_ =	sdelay $0x1  }
0x332: {  	v33 =	vadd.f32 v35, v33;
	v34 =	vadd.f32 v36, v34;
	_ =	sdelay $0x1  }
0x333: {  	v33 =	vadd.f32 v34, v33;
	_ =	sdelay $0x1  }
0x334: {  	v37 =	vld [tilespmem:$0x1FF70];
	[tilespmem:s30+$0x10E70] =	vst v33  }
0x335: {  	v36 =	vld.idx.msk [tilespmem:v40+s20+$0x0], $0xffff  }
0x336: {  	v40 =	vld [tilespmem:$0x1FFB0];
	_ =	sdelay $0x4  }
0x337: {  	v39 =	vld [tilespmem:$0x1FF90]  }
0x338: {  	v38 =	vld [tilespmem:$0x1FF80]  }
0x339: {  	v33 =	vld.idx.msk [tilespmem:v37+s20+$0x0], $0xffff  }
0x33a: {  	v37 =	vld.idx.msk [tilespmem:v40+s20+$0x0], $0xffff  }
0x33b: {  	v40 =	vld [tilespmem:$0x1FFC0];
	_ =	sdelay $0x4  }
0x33c: {  	v34 =	vld.idx.msk [tilespmem:v38+s20+$0x0], $0xffff  }
0x33d: {  	v35 =	vld.idx.msk [tilespmem:v39+s20+$0x0], $0xffff  }
0x33e: {  	v39 =	vld [tilespmem:$0x1FFD0]  }
0x33f: {  	v38 =	vld.idx.msk [tilespmem:v40+s20+$0x0], $0xffff  }
0x340: {  	v40 =	vld [tilespmem:$0x1FFE0]  }
0x341: {  	v34 =	vadd.f32 v36, v34;
	v36 =	vld [tilespmem:$0x1FFF0];
	_ =	sdelay $0x5  }
0x342: {  	v39 =	vld.idx.msk [tilespmem:v39+s20+$0x0], $0xffff  }
0x343: {  	v40 =	vld.idx.msk [tilespmem:v40+s20+$0x0], $0xffff  }
0x344: {  	v33 =	vadd.f32 v35, v33;
	v35 =	vld.idx.msk [tilespmem:v36+s20+$0x0], $0xffff  }
0x345: {  	v36 =	vld.idx.msk [tilespmem:v41+s20+$0x0], $0xffff  }
0x346: {  	v33 =	vadd.f32 v37, v33;
	v37 =	vld.idx.msk [tilespmem:v42+s20+$0x0], $0xffff;
	v34 =	vadd.f32 v38, v34  }
0x347: {  	v38 =	vld.idx.msk [tilespmem:v43+s20+$0x0], $0xffff  }
0x348: {  	v33 =	vadd.f32 v39, v33;
	v39 =	vld.idx.msk [tilespmem:v44+s20+$0x0], $0xffff;
	v34 =	vadd.f32 v40, v34  }
0x349: {  	v40 =	vld.idx.msk [tilespmem:v45+s20+$0x0], $0xffff  }
0x34a: {  	v33 =	vadd.f32 v35, v33;
	v35 =	vld.idx.msk [tilespmem:v46+s20+$0x0], $0xffff;
	v34 =	vadd.f32 v36, v34  }
0x34b: {  	v36 =	vld.idx.msk [tilespmem:v47+s20+$0x0], $0xffff  }
0x34c: {  	v33 =	vadd.f32 v37, v33;
	v34 =	vadd.f32 v38, v34;
	_ =	sdelay $0x1  }
0x34d: {  	v33 =	vadd.f32 v39, v33;
	v34 =	vadd.f32 v40, v34;
	_ =	sdelay $0x1  }
0x34e: {  	v33 =	vadd.f32 v35, v33;
	v34 =	vadd.f32 v36, v34;
	_ =	sdelay $0x1  }
0x34f: {  	v33 =	vadd.f32 v34, v33;
	_ =	sdelay $0x1  }
0x350: {  	[tilespmem:s30+$0x10E80] =	vst v33  }
0x351: {  	v33 =	vld.idx.msk [tilespmem:v48+s20+$0x0], $0xffff  }
0x352: {  	v34 =	vld.idx.msk [tilespmem:v49+s20+$0x0], $0xffff  }
0x353: {  	v35 =	vld.idx.msk [tilespmem:v50+s20+$0x0], $0xffff  }
0x354: {  	v36 =	vld.idx.msk [tilespmem:v51+s20+$0x0], $0xffff  }
0x355: {  	v37 =	vld.idx.msk [tilespmem:v52+s20+$0x0], $0xffff  }
0x356: {  	v38 =	vld.idx.msk [tilespmem:v53+s20+$0x0], $0xffff  }
0x357: {  	v39 =	vld.idx.msk [tilespmem:v54+s20+$0x0], $0xffff  }
0x358: {  	v40 =	vld.idx.msk [tilespmem:v55+s20+$0x0], $0xffff  }
0x359: {  	v33 =	vadd.f32 v35, v33;
	v34 =	vadd.f32 v36, v34;
	v35 =	vld.idx.msk [tilespmem:v56+s20+$0x0], $0xffff  }
0x35a: {  	v36 =	vld.idx.msk [tilespmem:v57+s20+$0x0], $0xffff  }
0x35b: {  	v33 =	vadd.f32 v37, v33;
	v34 =	vadd.f32 v38, v34;
	v37 =	vld.idx.msk [tilespmem:v58+s20+$0x0], $0xffff  }
0x35c: {  	v38 =	vld.idx.msk [tilespmem:v59+s20+$0x0], $0xffff  }
0x35d: {  	v33 =	vadd.f32 v39, v33;
	v34 =	vadd.f32 v40, v34;
	v39 =	vld.idx.msk [tilespmem:v60+s20+$0x0], $0xffff  }
0x35e: {  	v40 =	vld.idx.msk [tilespmem:v61+s20+$0x0], $0xffff  }
0x35f: {  	v33 =	vadd.f32 v35, v33;
	v34 =	vadd.f32 v36, v34;
	v35 =	vld.idx.msk [tilespmem:v62+s20+$0x0], $0xffff  }
0x360: {  	v36 =	vld.idx.msk [tilespmem:v63+s20+$0x0], $0xffff  }
0x361: {  	v33 =	vadd.f32 v37, v33;
	v34 =	vadd.f32 v38, v34;
	_ =	sdelay $0x1  }
0x362: {  	v33 =	vadd.f32 v39, v33;
	v34 =	vadd.f32 v40, v34;
	_ =	sdelay $0x1  }
0x363: {  	v33 =	vadd.f32 v35, v33;
	v34 =	vadd.f32 v36, v34;
	_ =	sdelay $0x1  }
0x364: {  	v33 =	vadd.f32 v34, v33;
	_ =	sdelay $0x1  }
0x365: {  	[tilespmem:s30+$0x10E90] =	vst v33  }
0x366: {  	v1 =	vld.idx.msk [tilespmem:v1+s20+$0x0], $0xffff  }
0x367: {  	v2 =	vld.idx.msk [tilespmem:v2+s20+$0x0], $0xffff  }
0x368: {  	v3 =	vld.idx.msk [tilespmem:v3+s20+$0x0], $0xffff  }
0x369: {  	v4 =	vld.idx.msk [tilespmem:v4+s20+$0x0], $0xffff  }
0x36a: {  	v5 =	vld.idx.msk [tilespmem:v5+s20+$0x0], $0xffff  }
0x36b: {  	v6 =	vld.idx.msk [tilespmem:v6+s20+$0x0], $0xffff  }
0x36c: {  	v7 =	vld.idx.msk [tilespmem:v7+s20+$0x0], $0xffff  }
0x36d: {  	v11 =	vld.idx.msk [tilespmem:v11+s20+$0x0], $0xffff  }
0x36e: {  	v39 =	vld.idx.msk [tilespmem:v12+s20+$0x0], $0xffff;
	v1 =	vadd.f32 v3, v1;
	v2 =	vadd.f32 v4, v2  }
0x36f: {  	v3 =	vld.idx.msk [tilespmem:v8+s20+$0x0], $0xffff  }
0x370: {  	v40 =	vld.idx.msk [tilespmem:v9+s20+$0x0], $0xffff;
	v1 =	vadd.f32 v5, v1;
	v2 =	vadd.f32 v6, v2  }
0x371: {  	v12 =	vld.idx.msk [tilespmem:v13+s20+$0x0], $0xffff  }
0x372: {  	v13 =	vld.idx.msk [tilespmem:v10+s20+$0x0], $0xffff;
	v1 =	vadd.f32 v7, v1;
	v2 =	vadd.f32 v11, v2  }
0x373: {  	v15 =	vld.idx.msk [tilespmem:v15+s20+$0x0], $0xffff  }
0x374: {  	v16 =	vld.idx.msk [tilespmem:v16+s20+$0x0], $0xffff;
	v1 =	vadd.f32 v3, v1;
	v2 =	vadd.f32 v39, v2  }
0x375: {  	v3 =	vld.idx.msk [tilespmem:v14+s20+$0x0], $0xffff  }
0x376: {  	v1 =	vadd.f32 v40, v1;
	v2 =	vadd.f32 v12, v2;
	_ =	sdelay $0x1  }
0x377: {  	v1 =	vadd.f32 v13, v1;
	v2 =	vadd.f32 v15, v2;
	_ =	sdelay $0x1  }
0x378: {  	v1 =	vadd.f32 v3, v1;
	v2 =	vadd.f32 v16, v2;
	_ =	sdelay $0x1  }
0x379: {  	v1 =	vadd.f32 v2, v1;
	_ =	sdelay $0x1  }
0x37a: {  	[tilespmem:s30+$0x10EA0] =	vst v1  }
0x37b: {  	v1 =	vld.idx.msk [tilespmem:v17+s20+$0x0], $0xffff  }
0x37c: {  	v2 =	vld.idx.msk [tilespmem:v18+s20+$0x0], $0xffff  }
0x37d: {  	v3 =	vld.idx.msk [tilespmem:v19+s20+$0x0], $0xffff  }
0x37e: {  	v20 =	vld.idx.msk [tilespmem:v20+s20+$0x0], $0xffff  }
0x37f: {  	v21 =	vld.idx.msk [tilespmem:v21+s20+$0x0], $0xffff  }
0x380: {  	v22 =	vld.idx.msk [tilespmem:v22+s20+$0x0], $0xffff  }
0x381: {  	v33 =	vld.idx.msk [tilespmem:v23+s20+$0x0], $0xffff  }
0x382: {  	v34 =	vld.idx.msk [tilespmem:v27+s20+$0x0], $0xffff  }
0x383: {  	v35 =	vld.idx.msk [tilespmem:v28+s20+$0x0], $0xffff;
	v1 =	vadd.f32 v3, v1;
	v2 =	vadd.f32 v20, v2  }
0x384: {  	v3 =	vld.idx.msk [tilespmem:v24+s20+$0x0], $0xffff  }
0x385: {  	v36 =	vld.idx.msk [tilespmem:v25+s20+$0x0], $0xffff;
	v1 =	vadd.f32 v21, v1;
	v2 =	vadd.f32 v22, v2  }
0x386: {  	v37 =	vld.idx.msk [tilespmem:v29+s20+$0x0], $0xffff  }
0x387: {  	v38 =	vld.idx.msk [tilespmem:v26+s20+$0x0], $0xffff;
	v1 =	vadd.f32 v33, v1;
	v2 =	vadd.f32 v34, v2  }
0x388: {  	v39 =	vld.idx.msk [tilespmem:v31+s20+$0x0], $0xffff  }
0x389: {  	v40 =	vld.idx.msk [tilespmem:v32+s20+$0x0], $0xffff;
	v1 =	vadd.f32 v3, v1;
	v2 =	vadd.f32 v35, v2  }
0x38a: {  	v3 =	vld.idx.msk [tilespmem:v30+s20+$0x0], $0xffff  }
0x38b: {  	v1 =	vadd.f32 v36, v1;
	v2 =	vadd.f32 v37, v2;
	_ =	sdelay $0x1  }
0x38c: {  	s29 =	sadd.s32 $0x1, s29;
	v1 =	vadd.f32 v38, v1;
	v2 =	vadd.f32 v39, v2  }
0x38d: {  	p0 =	sne.s32 s29, $0x38  }
.Ltmp3:
0x38e: {  	v1 =	vadd.f32 v3, v1;
	v2 =	vadd.f32 v40, v2;
	(pc) =	sbr.rel @p0 .LBB2_4-.Ltmp3, $3  }
0x38f: {  	_ = 	snop  }
0x390: {  	v1 =	vadd.f32 v2, v1;
	_ =	sdelay $0x1  }
0x391: {  	[tilespmem:s30+$0x10EB0] =	vst v1  }
0x392: {  	_ =	swait.ge [sflag:s16], $0x1800  }
0x393: {  	[sflag:s16] =	ssyncset.done $0x0  }
0x394: {  	[sflag:s16] =	ssyncadd.s32 $0xFFFFE800  }
0x395: {  	s28 =	sadd.s32 $0x1, s28;
	_ =	swait.ge [sflag:s17], $0x1800  }
0x396: {  	p0 =	sne.s32 s28, s7;
	[sflag:s17] =	ssyncset.done $0x0  }
.Ltmp4:
0x397: {  	s0 =	simm.s32 $0x200;
	[sflag:s17] =	ssyncadd.s32 $0xFFFFE800;
	(pc) =	sbr.rel @p0 .LBB2_1-.Ltmp4, $4  }
0x398: {  	[hbm4b:s6+s0] =	stream.strided.scatter [tilespmem:s25], [sflag:$0x6], $0x2A00, s24, s0, $0x38;
	[tilespmem:$0x13800] =	vst v63  }
0x399: {  	_ =	swait.ge [sflag:s26], $0x2A00  }
0x39a: {  	[sflag:s26] =	ssyncset.done $0x0  }
0x39b: {  	[sflag:s26] =	ssyncadd.s32 $0xFFFFD600  }
0x39c: {  	_ =	sfence.sel $0x180000  }
0x39d: {  	[bflag:$0x0] =	sbarrier.arrive $0xFFFF  }
0x39e: {  	_ =	strace $0x90000047  }
0x39f: {  	s0 =	stileid.u32;
	[bflag:$0x2] =	sbarrier.arrive $0xFFFF  }
0x3a0: {  	p0 =	sne.s32 s0, $0x0;
	s0 =	rddreg [dreg:$0x2]  }
0x3a1: {  	s0 =	sadd.s32 @!p0 $0x100000, s0  }
0x3a2: {  	[sflag:s0] =	ssyncadd.tile.s32 @!p0 $0x1;
	_ =	shalt  }
.Lfunc_end2:
_tile_overlayer_lowered:
.L_overlay_start_2:
0x3a3: {  	(tag) =	ssettag $0x2  }
0x3a4: {  	s0 =	rddreg [dreg:$0x0];
	s2 =	stileid.u32  }
0x3a5: {  	s1 =	rddreg [dreg:$0x1];
	p0 =	sne.s32 s2, $0x0  }
0x3a6: {  	s3 =	rddreg [dreg:$0x2];
	[bflag:$0x3] =	sbarrier.arrive $0xFFFF;
	s2 =	simm.s32 @!p0 $0x1C06  }
0x3a7: {  	[timem:s3], [sflag:s2] =	dma.local @!p0 [hbm:s0], s1  }
0x3a8: {  	s0 =	simm.s32 @!p0 $0x6  }
0x3a9: {  	_ =	swait.ge @!p0 [sflag:s0], s1  }
0x3aa: {  	s1 =	ssub.s32 @!p0 $0x0, s1;
	[sflag:s0] =	ssyncset.done @!p0 $0x0  }
0x3ab: {  	[sflag:s0] =	ssyncadd.s32 @!p0 s1  }
0x3ac: {  	[bflag:$0x3] =	sbarrier.arrive $0xFFFF  }
0x3ad: {  	_ =	shalt  }

</sc_bundles>
